<compile_context>
chip_gen: v7x
topology: tpu7x:2x2x1
jax: 0.10.2.dev20260603
libtpu: 0.0.44.dev20260713+nightly
codegen_flags: <defaults>
</compile_context>

<pallas_src>
import functools

import jax
import jax.numpy as jnp
from jax import lax
from jax.experimental import pallas as pl
from jax.experimental.pallas import tpu as pltpu
from jax.experimental.pallas import tpu_sc as plsc

LANES = 16


def _sc_pool(xa, xb, table, seq):
    B, _ = xa.shape
    _, D = table.shape
    NC, NS = 2, 16
    NW = NC * NS
    RPW = B // NW
    C0 = 128
    C1 = seq - C0

    mesh = plsc.VectorSubcoreMesh(core_axis_name="c", subcore_axis_name="s")

    @functools.partial(
        pl.kernel,
        out_type=jax.ShapeDtypeStruct((B, D), jnp.float32),
        mesh=mesh,
        scratch_types=[
            pltpu.VMEM((RPW, C0), jnp.int32),
            pltpu.VMEM((RPW, 128), jnp.int32),
            pltpu.VMEM((seq, D), jnp.float32),
            pltpu.VMEM((seq, D), jnp.float32),
            pltpu.VMEM((RPW, D), jnp.float32),
            pltpu.SemaphoreType.DMA,
            pltpu.SemaphoreType.DMA,
        ],
        compiler_params=pltpu.CompilerParams(
            use_tc_tiling_on_sc=False, needs_layout_passes=False),
    )
    def k(xa_hbm, xb_hbm, tab_hbm, mean_hbm, xva, xvb, rows0, rows1, meanv,
          sem0, sem1):
        wid = lax.axis_index("s") * NC + lax.axis_index("c")
        base = wid * RPW
        pltpu.sync_copy(xa_hbm.at[pl.ds(base, RPW)], xva)
        pltpu.sync_copy(xb_hbm.at[pl.ds(base, RPW)], xvb)

        def issue(i, rows, sem):
            pltpu.async_copy(
                tab_hbm.at[xva.at[i, pl.ds(0, C0)]], rows.at[pl.ds(0, C0)], sem)
            pltpu.async_copy(
                tab_hbm.at[xvb.at[i, pl.ds(0, C1)]], rows.at[pl.ds(C0, C1)], sem)

        def drain(rows, sem):
            pltpu.make_async_copy(tab_hbm.at[pl.ds(0, seq)], rows, sem).wait()

        def compute(i, rows):
            H = seq // 2

            def body(j, carry):
                a0, a1, b0, b1 = carry
                a0 = a0 + rows[j, pl.ds(0, LANES)]
                a1 = a1 + rows[j, pl.ds(LANES, LANES)]
                b0 = b0 + rows[j + H, pl.ds(0, LANES)]
                b1 = b1 + rows[j + H, pl.ds(LANES, LANES)]
                return a0, a1, b0, b1

            z = jnp.zeros((LANES,), jnp.float32)
            a0, a1, b0, b1 = lax.fori_loop(0, H, body, (z, z, z, z), unroll=10)
            a0 = a0 + b0
            a1 = a1 + b1

            cnt = jnp.zeros((LANES,), jnp.int32)
            for kk in range(C0 // LANES):
                chunk = xva[i, pl.ds(kk * LANES, LANES)]
                cnt = cnt + plsc.all_reduce_population_count(chunk != 0)
            for kk in range(C1 // LANES):
                chunk = xvb[i, pl.ds(kk * LANES, LANES)]
                cnt = cnt + plsc.all_reduce_population_count(chunk != 0)
            rem = C1 - (C1 // LANES) * LANES
            if rem:
                lane = lax.iota(jnp.int32, LANES)
                last = xvb[i, pl.ds(C1 - LANES, LANES)]
                cnt = cnt + plsc.all_reduce_population_count(
                    (lane >= LANES - rem) & (last != 0))
            denom = jnp.maximum(cnt.astype(jnp.float32),
                                jnp.ones((LANES,), jnp.float32))
            meanv[i, pl.ds(0, LANES)] = a0 / denom
            meanv[i, pl.ds(LANES, LANES)] = a1 / denom

        issue(0, rows0, sem0)

        def body2(t, carry):
            i0 = t * 2
            issue(i0 + 1, rows1, sem1)
            drain(rows0, sem0)
            compute(i0, rows0)

            @pl.when(i0 + 2 < RPW)
            def _():
                issue(i0 + 2, rows0, sem0)

            drain(rows1, sem1)
            compute(i0 + 1, rows1)
            return carry

        lax.fori_loop(0, RPW // 2, body2, 0)
        pltpu.sync_copy(meanv, mean_hbm.at[pl.ds(base, RPW)])

    return k(xa, xb, table)


def _tc_relayout(tabT):
    _, V = tabT.shape
    TPB = 128
    BLKC = 512 * TPB
    G = -(-V // BLKC)

    def body(in_ref, o_ref):
        for t in range(TPB):
            p = in_ref[:, t * 512:(t + 1) * 512]
            s = jnp.concatenate(
                [p[:, j * 128:(j + 1) * 128] for j in range(4)], axis=0)
            o_ref[t * 128:(t + 1) * 128, :] = s.T

    return pl.pallas_call(
        body,
        grid=(G,),
        in_specs=[pl.BlockSpec((32, BLKC), lambda i: (0, i))],
        out_specs=pl.BlockSpec((BLKC // 4, 128), lambda i: (i, 0)),
        out_shape=jax.ShapeDtypeStruct((G * BLKC // 4, 128), jnp.float32),
        compiler_params=pltpu.CompilerParams(
            dimension_semantics=("parallel",)),
    )(tabT)


def _tc_pack(x):
    B, L = x.shape
    R = 512

    def body(x_ref, oa_ref, ob_ref):
        v = x_ref[...]
        v = (v & -512) + ((v & 127) << 2) + ((v >> 7) & 3)
        oa_ref[...] = v[:, :128]
        ob_ref[...] = v[:, 128:]

    return pl.pallas_call(
        body,
        grid=(B // R,),
        in_specs=[pl.BlockSpec((R, 256), lambda i: (i, 0))],
        out_specs=[pl.BlockSpec((R, 128), lambda i: (i, 0)),
                   pl.BlockSpec((R, 128), lambda i: (i, 0))],
        out_shape=[jax.ShapeDtypeStruct((B, 128), jnp.int32),
                   jax.ShapeDtypeStruct((B, 128), jnp.int32)],
    )(x)


def _mm(mean, W, b2):
    B, D = mean.shape
    C, _ = W.shape
    BLK = 256

    def mmk(m_ref, w_ref, b_ref, o_ref):
        o_ref[...] = lax.dot_general(
            m_ref[...], w_ref[...],
            dimension_numbers=(((1,), (1,)), ((), ())),
            preferred_element_type=jnp.float32,
        ) + b_ref[...]

    return pl.pallas_call(
        mmk,
        grid=(B // BLK,),
        in_specs=[
            pl.BlockSpec((BLK, D), lambda i: (i, 0)),
            pl.BlockSpec((C, D), lambda i: (0, 0)),
            pl.BlockSpec((1, C), lambda i: (0, 0)),
        ],
        out_specs=pl.BlockSpec((BLK, C), lambda i: (i, 0)),
        out_shape=jax.ShapeDtypeStruct((B, C), jnp.float32),
    )(mean, W, b2)


@jax.jit
def kernel(x, table, W, b):
    x = x.astype(jnp.int32)
    _, D = table.shape
    packed = _tc_relayout(table.T)
    tab_lin = packed.reshape(packed.shape[0] * 4, D)
    xa, xb = _tc_pack(x)
    mean = _sc_pool(xa, xb, tab_lin, x.shape[1])
    return _mm(mean, W, b.reshape(1, -1))

# --- scband reference (transcript-rebuilt; emitter-appended) ---
"""Pipeline reference for scband-bag-of-token-classifier-88648124990068 (READ-ONLY COPY).

The authoritative reference and input builder live on the scoring server;
editing this copy changes nothing except your own understanding.
"""

import jax, jax.numpy as jnp
import numpy as np

VOCAB = 1000000
EMB = 32
NUM_CLASSES = 128
B = 4096
L = 200


def setup_inputs(seed: int = 0) -> dict:
    key = jax.random.key(seed)
    k1, k2, k3, k4 = jax.random.split(key, 4)
    x = jax.random.randint(k1, (B, L), 0, VOCAB)
    table = jax.random.normal(k2, (VOCAB, EMB), dtype=jnp.float32)
    # padding_idx=0: nn.Embedding zeroes the padding row at init
    table = table.at[0].set(0.0)
    W = jax.random.normal(k3, (NUM_CLASSES, EMB), dtype=jnp.float32) * 0.05
    b = jax.random.normal(k4, (NUM_CLASSES,), dtype=jnp.float32) * 0.01
    return {"x": x, "table": table, "W": W, "b": b}


def reference(x, table, W, b):
    # mask = (x != 0).unsqueeze(-1)
    mask = (x != 0)[..., None].astype(jnp.float32)
    # emb = self.emb(x) * mask
    emb = jnp.take(table, x, axis=0) * mask
    # mean = emb.sum(dim=1) / mask.sum(dim=1).clamp(min=1)
    denom = jnp.clip(jnp.sum(mask, axis=1), 1.0, None)
    mean = jnp.sum(emb, axis=1) / denom
    # fc
    return mean @ W.T + b

if __name__ == "__main__":
    import jax
    _d = setup_inputs()
    print(jax.jit(kernel)(*tuple(_d.values())))

</pallas_src>

<mosaic_0001>
#map = affine_map<(d0, d1) -> (0, 0)>
module attributes {stable_mosaic.version = 14 : i64} {
  func.func @k(%arg0: i32, %arg1: i32, %arg2: memref<4096x128xi32, #tpu.memory_space<hbm>>, %arg3: memref<4096x128xi32, #tpu.memory_space<hbm>>, %arg4: memref<1048576x32xf32, #tpu.memory_space<hbm>>, %arg5: memref<4096x32xf32, #tpu.memory_space<hbm>>, %arg6: memref<128x128xi32, #tpu.memory_space<vmem>>, %arg7: memref<128x128xi32, #tpu.memory_space<vmem>>, %arg8: memref<200x32xf32, #tpu.memory_space<vmem>>, %arg9: memref<200x32xf32, #tpu.memory_space<vmem>>, %arg10: memref<128x32xf32, #tpu.memory_space<vmem>>, %arg11: memref<!tpu.dma_semaphore, #tpu.memory_space<semaphore_mem>>, %arg12: memref<!tpu.dma_semaphore, #tpu.memory_space<semaphore_mem>>) attributes {dimension_semantics = [#tpu.dimension_semantics<core_parallel>, #tpu.dimension_semantics<subcore_parallel>], iteration_bounds = array<i64: 2, 16>, scalar_prefetch = 0 : i64, scratch_operands = 7 : i64, tpu.core_type = #tpu.core_type<sc_vector_subcore>, window_params = [{transform_indices = #map}, {transform_indices = #map}, {transform_indices = #map}, {transform_indices = #map}]} {
    %mul3A = arith.constant 2 : i32
    %mul3A_0 = arith.muli %arg1, %mul3A : i32
    %add3A = arith.addi %mul3A_0, %arg0 : i32
    %mul3A_1 = arith.constant 128 : i32
    %mul3A_2 = arith.muli %add3A, %mul3A_1 : i32
    "tpu.region"() ({
      %run_scoped3A = tpu.sem_alloc : memref<!tpu.dma_semaphore, #tpu.memory_space<semaphore_mem>>
      %dma_start3A_27 = arith.constant 0 : i32
      %dma_start3A_28 = tpu.memref_slice %arg2[%mul3A_2, %dma_start3A_27] : memref<4096x128xi32, #tpu.memory_space<hbm>> -> memref<128x128xi32, #tpu.memory_space<hbm>>
      %dma_start3A_29 = arith.constant 0 : i32
      %dma_start3A_30 = tpu.memref_slice %arg2[%mul3A_2, %dma_start3A_29] : memref<4096x128xi32, #tpu.memory_space<hbm>> -> memref<128x128xi32, #tpu.memory_space<hbm>>
      tpu.enqueue_dma source(%dma_start3A_30 : memref<128x128xi32, #tpu.memory_space<hbm>>) target(%arg6 : memref<128x128xi32, #tpu.memory_space<vmem>>) target_semaphore(%run_scoped3A : memref<!tpu.dma_semaphore, #tpu.memory_space<semaphore_mem>>)
      %dma_wait3A = arith.constant 0 : i32
      %dma_wait3A_31 = tpu.memref_slice %arg2[%mul3A_2, %dma_wait3A] : memref<4096x128xi32, #tpu.memory_space<hbm>> -> memref<128x128xi32, #tpu.memory_space<hbm>>
      %dma_wait3A_32 = arith.constant 0 : i32
      %dma_wait3A_33 = tpu.memref_slice %arg2[%mul3A_2, %dma_wait3A_32] : memref<4096x128xi32, #tpu.memory_space<hbm>> -> memref<128x128xi32, #tpu.memory_space<hbm>>
      tpu.wait_dma2 semaphore(%run_scoped3A : memref<!tpu.dma_semaphore, #tpu.memory_space<semaphore_mem>>) src(%dma_wait3A_33 : memref<128x128xi32, #tpu.memory_space<hbm>>) dst(%arg6 : memref<128x128xi32, #tpu.memory_space<vmem>>)
      tpu.yield
    }) : () -> ()
    "tpu.region"() ({
      %run_scoped3A = tpu.sem_alloc : memref<!tpu.dma_semaphore, #tpu.memory_space<semaphore_mem>>
      %dma_start3A_27 = arith.constant 0 : i32
      %dma_start3A_28 = tpu.memref_slice %arg3[%mul3A_2, %dma_start3A_27] : memref<4096x128xi32, #tpu.memory_space<hbm>> -> memref<128x128xi32, #tpu.memory_space<hbm>>
      %dma_start3A_29 = arith.constant 0 : i32
      %dma_start3A_30 = tpu.memref_slice %arg3[%mul3A_2, %dma_start3A_29] : memref<4096x128xi32, #tpu.memory_space<hbm>> -> memref<128x128xi32, #tpu.memory_space<hbm>>
      tpu.enqueue_dma source(%dma_start3A_30 : memref<128x128xi32, #tpu.memory_space<hbm>>) target(%arg7 : memref<128x128xi32, #tpu.memory_space<vmem>>) target_semaphore(%run_scoped3A : memref<!tpu.dma_semaphore, #tpu.memory_space<semaphore_mem>>)
      %dma_wait3A = arith.constant 0 : i32
      %dma_wait3A_31 = tpu.memref_slice %arg3[%mul3A_2, %dma_wait3A] : memref<4096x128xi32, #tpu.memory_space<hbm>> -> memref<128x128xi32, #tpu.memory_space<hbm>>
      %dma_wait3A_32 = arith.constant 0 : i32
      %dma_wait3A_33 = tpu.memref_slice %arg3[%mul3A_2, %dma_wait3A_32] : memref<4096x128xi32, #tpu.memory_space<hbm>> -> memref<128x128xi32, #tpu.memory_space<hbm>>
      tpu.wait_dma2 semaphore(%run_scoped3A : memref<!tpu.dma_semaphore, #tpu.memory_space<semaphore_mem>>) src(%dma_wait3A_33 : memref<128x128xi32, #tpu.memory_space<hbm>>) dst(%arg7 : memref<128x128xi32, #tpu.memory_space<vmem>>)
      tpu.yield
    }) : () -> ()
    %dma_start3A = arith.constant 0 : i32
    %dma_start3A_3 = arith.constant 0 : i32
    %dma_start3A_4 = arith.constant 0 : i32
    %dma_start3A_5 = tpu.memref_slice %arg8[%dma_start3A_3, %dma_start3A_4] : memref<200x32xf32, #tpu.memory_space<vmem>> -> memref<128x32xf32, #tpu.memory_space<vmem>>
    %dma_start3A_6 = arith.constant 0 : i32
    %dma_start3A_7 = tpu.memref_slice %arg6[%dma_start3A, %dma_start3A_6] : memref<128x128xi32, #tpu.memory_space<vmem>> -> memref<1x128xi32, #tpu.memory_space<vmem>>
    %dma_start3A_8 = tpu.memref_squeeze %dma_start3A_7 : memref<1x128xi32, #tpu.memory_space<vmem>> -> memref<128xi32, #tpu.memory_space<vmem>>
    %dma_start3A_9 = arith.constant 0 : i32
    %dma_start3A_10 = arith.constant 0 : i32
    %dma_start3A_11 = tpu.memref_slice %arg4[%dma_start3A_9, %dma_start3A_10] : memref<1048576x32xf32, #tpu.memory_space<hbm>> -> memref<1048576x32xf32, #tpu.memory_space<hbm>>
    tpu.enqueue_indirect_dma source(%dma_start3A_11 : memref<1048576x32xf32, #tpu.memory_space<hbm>>) target(%dma_start3A_5 : memref<128x32xf32, #tpu.memory_space<vmem>>) offsets(%dma_start3A_8 : memref<128xi32, #tpu.memory_space<vmem>>) semaphore(%arg11 : memref<!tpu.dma_semaphore, #tpu.memory_space<semaphore_mem>>)
    %dma_start3A_12 = arith.constant 0 : i32
    %dma_start3A_13 = arith.constant 128 : i32
    %dma_start3A_14 = arith.constant 0 : i32
    %dma_start3A_15 = tpu.memref_slice %arg8[%dma_start3A_13, %dma_start3A_14] : memref<200x32xf32, #tpu.memory_space<vmem>> -> memref<72x32xf32, #tpu.memory_space<vmem>>
    %dma_start3A_16 = arith.constant 0 : i32
    %dma_start3A_17 = tpu.memref_slice %arg7[%dma_start3A_12, %dma_start3A_16] : memref<128x128xi32, #tpu.memory_space<vmem>> -> memref<1x72xi32, #tpu.memory_space<vmem>>
    %dma_start3A_18 = tpu.memref_squeeze %dma_start3A_17 : memref<1x72xi32, #tpu.memory_space<vmem>> -> memref<72xi32, #tpu.memory_space<vmem>>
    %dma_start3A_19 = arith.constant 0 : i32
    %dma_start3A_20 = arith.constant 0 : i32
    %dma_start3A_21 = tpu.memref_slice %arg4[%dma_start3A_19, %dma_start3A_20] : memref<1048576x32xf32, #tpu.memory_space<hbm>> -> memref<1048576x32xf32, #tpu.memory_space<hbm>>
    tpu.enqueue_indirect_dma source(%dma_start3A_21 : memref<1048576x32xf32, #tpu.memory_space<hbm>>) target(%dma_start3A_15 : memref<72x32xf32, #tpu.memory_space<vmem>>) offsets(%dma_start3A_18 : memref<72xi32, #tpu.memory_space<vmem>>) semaphore(%arg11 : memref<!tpu.dma_semaphore, #tpu.memory_space<semaphore_mem>>)
    %scan3A = arith.constant 0 : i32
    %scan3A_22 = arith.constant 0 : i32
    %scan3A_23 = arith.constant 64 : i32
    %scan3A_24 = arith.addi %scan3A_22, %scan3A_23 : i32
    %scan3A_25 = arith.constant 1 : i32
    scf.for %scan3A_27 = %scan3A_22 to %scan3A_24 step %scan3A_25  : i32 {
      %mul3A_28 = arith.constant 2 : i32
      %mul3A_29 = arith.muli %scan3A_27, %mul3A_28 : i32
      %add3A_30 = arith.constant 1 : i32
      %add3A_31 = arith.addi %mul3A_29, %add3A_30 : i32
      %dma_start3A_32 = arith.constant 0 : i32
      %dma_start3A_33 = arith.constant 0 : i32
      %dma_start3A_34 = tpu.memref_slice %arg9[%dma_start3A_32, %dma_start3A_33] : memref<200x32xf32, #tpu.memory_space<vmem>> -> memref<128x32xf32, #tpu.memory_space<vmem>>
      %dma_start3A_35 = arith.constant 0 : i32
      %dma_start3A_36 = tpu.memref_slice %arg6[%add3A_31, %dma_start3A_35] : memref<128x128xi32, #tpu.memory_space<vmem>> -> memref<1x128xi32, #tpu.memory_space<vmem>>
      %dma_start3A_37 = tpu.memref_squeeze %dma_start3A_36 : memref<1x128xi32, #tpu.memory_space<vmem>> -> memref<128xi32, #tpu.memory_space<vmem>>
      %dma_start3A_38 = arith.constant 0 : i32
      %dma_start3A_39 = arith.constant 0 : i32
      %dma_start3A_40 = tpu.memref_slice %arg4[%dma_start3A_38, %dma_start3A_39] : memref<1048576x32xf32, #tpu.memory_space<hbm>> -> memref<1048576x32xf32, #tpu.memory_space<hbm>>
      tpu.enqueue_indirect_dma source(%dma_start3A_40 : memref<1048576x32xf32, #tpu.memory_space<hbm>>) target(%dma_start3A_34 : memref<128x32xf32, #tpu.memory_space<vmem>>) offsets(%dma_start3A_37 : memref<128xi32, #tpu.memory_space<vmem>>) semaphore(%arg12 : memref<!tpu.dma_semaphore, #tpu.memory_space<semaphore_mem>>)
      %dma_start3A_41 = arith.constant 128 : i32
      %dma_start3A_42 = arith.constant 0 : i32
      %dma_start3A_43 = tpu.memref_slice %arg9[%dma_start3A_41, %dma_start3A_42] : memref<200x32xf32, #tpu.memory_space<vmem>> -> memref<72x32xf32, #tpu.memory_space<vmem>>
      %dma_start3A_44 = arith.constant 0 : i32
      %dma_start3A_45 = tpu.memref_slice %arg7[%add3A_31, %dma_start3A_44] : memref<128x128xi32, #tpu.memory_space<vmem>> -> memref<1x72xi32, #tpu.memory_space<vmem>>
      %dma_start3A_46 = tpu.memref_squeeze %dma_start3A_45 : memref<1x72xi32, #tpu.memory_space<vmem>> -> memref<72xi32, #tpu.memory_space<vmem>>
      %dma_start3A_47 = arith.constant 0 : i32
      %dma_start3A_48 = arith.constant 0 : i32
      %dma_start3A_49 = tpu.memref_slice %arg4[%dma_start3A_47, %dma_start3A_48] : memref<1048576x32xf32, #tpu.memory_space<hbm>> -> memref<1048576x32xf32, #tpu.memory_space<hbm>>
      tpu.enqueue_indirect_dma source(%dma_start3A_49 : memref<1048576x32xf32, #tpu.memory_space<hbm>>) target(%dma_start3A_43 : memref<72x32xf32, #tpu.memory_space<vmem>>) offsets(%dma_start3A_46 : memref<72xi32, #tpu.memory_space<vmem>>) semaphore(%arg12 : memref<!tpu.dma_semaphore, #tpu.memory_space<semaphore_mem>>)
      %dma_wait3A = arith.constant 0 : i32
      %dma_wait3A_50 = arith.constant 0 : i32
      %dma_wait3A_51 = tpu.memref_slice %arg4[%dma_wait3A, %dma_wait3A_50] : memref<1048576x32xf32, #tpu.memory_space<hbm>> -> memref<200x32xf32, #tpu.memory_space<hbm>>
      %dma_wait3A_52 = arith.constant 0 : i32
      %dma_wait3A_53 = arith.constant 0 : i32
      %dma_wait3A_54 = tpu.memref_slice %arg4[%dma_wait3A_52, %dma_wait3A_53] : memref<1048576x32xf32, #tpu.memory_space<hbm>> -> memref<200x32xf32, #tpu.memory_space<hbm>>
      tpu.wait_dma2 semaphore(%arg11 : memref<!tpu.dma_semaphore, #tpu.memory_space<semaphore_mem>>) src(%dma_wait3A_54 : memref<200x32xf32, #tpu.memory_space<hbm>>) dst(%arg8 : memref<200x32xf32, #tpu.memory_space<vmem>>)
      %broadcast_in_dim3A = arith.constant 0.000000e+00 : f32
      %broadcast_in_dim3A_55 = vector.broadcast %broadcast_in_dim3A : f32 to vector<16xf32>
      %scan3A_56 = arith.constant 0 : i32
      %scan3A_57 = arith.constant 100 : i32
      %scan3A_58 = arith.addi %scan3A_56, %scan3A_57 : i32
      %scan3A_59 = arith.constant 10 : i32
      %scan3A_60:4 = scf.for %scan3A_323 = %scan3A_56 to %scan3A_58 step %scan3A_59 iter_args(%scan3A_324 = %broadcast_in_dim3A_55, %scan3A_325 = %broadcast_in_dim3A_55, %scan3A_326 = %broadcast_in_dim3A_55, %scan3A_327 = %broadcast_in_dim3A_55) -> (vector<16xf32>, vector<16xf32>, vector<16xf32>, vector<16xf32>)  : i32 {
        %get3A_328 = arith.index_cast %scan3A_323 : i32 to index
        %get3A_329 = arith.constant 0 : index
        %get3A_330 = tpu.vector_load %arg8[%get3A_328, %get3A_329] {strides = array<i32>} : memref<200x32xf32, #tpu.memory_space<vmem>>, vector<16xf32>,
        %add3A_331 = arith.addf %scan3A_324, %get3A_330 : vector<16xf32>
        %get3A_332 = arith.index_cast %scan3A_323 : i32 to index
        %get3A_333 = arith.constant 16 : index
        %get3A_334 = tpu.vector_load %arg8[%get3A_332, %get3A_333] {strides = array<i32>} : memref<200x32xf32, #tpu.memory_space<vmem>>, vector<16xf32>,
        %add3A_335 = arith.addf %scan3A_325, %get3A_334 : vector<16xf32>
        %add3A_336 = arith.constant 100 : i32
        %add3A_337 = arith.addi %scan3A_323, %add3A_336 : i32
        %get3A_338 = arith.index_cast %add3A_337 : i32 to index
        %get3A_339 = arith.constant 0 : index
        %get3A_340 = tpu.vector_load %arg8[%get3A_338, %get3A_339] {strides = array<i32>} : memref<200x32xf32, #tpu.memory_space<vmem>>, vector<16xf32>,
        %add3A_341 = arith.addf %scan3A_326, %get3A_340 : vector<16xf32>
        %add3A_342 = arith.constant 100 : i32
        %add3A_343 = arith.addi %scan3A_323, %add3A_342 : i32
        %get3A_344 = arith.index_cast %add3A_343 : i32 to index
        %get3A_345 = arith.constant 16 : index
        %get3A_346 = tpu.vector_load %arg8[%get3A_344, %get3A_345] {strides = array<i32>} : memref<200x32xf32, #tpu.memory_space<vmem>>, vector<16xf32>,
        %add3A_347 = arith.addf %scan3A_327, %get3A_346 : vector<16xf32>
        %scan3A_348 = arith.constant 1 : i32
        %scan3A_349 = arith.addi %scan3A_323, %scan3A_348 : i32
        %get3A_350 = arith.index_cast %scan3A_349 : i32 to index
        %get3A_351 = arith.constant 0 : index
        %get3A_352 = tpu.vector_load %arg8[%get3A_350, %get3A_351] {strides = array<i32>} : memref<200x32xf32, #tpu.memory_space<vmem>>, vector<16xf32>,
        %add3A_353 = arith.addf %add3A_331, %get3A_352 : vector<16xf32>
        %get3A_354 = arith.index_cast %scan3A_349 : i32 to index
        %get3A_355 = arith.constant 16 : index
        %get3A_356 = tpu.vector_load %arg8[%get3A_354, %get3A_355] {strides = array<i32>} : memref<200x32xf32, #tpu.memory_space<vmem>>, vector<16xf32>,
        %add3A_357 = arith.addf %add3A_335, %get3A_356 : vector<16xf32>
        %add3A_358 = arith.constant 100 : i32
        %add3A_359 = arith.addi %scan3A_349, %add3A_358 : i32
        %get3A_360 = arith.index_cast %add3A_359 : i32 to index
        %get3A_361 = arith.constant 0 : index
        %get3A_362 = tpu.vector_load %arg8[%get3A_360, %get3A_361] {strides = array<i32>} : memref<200x32xf32, #tpu.memory_space<vmem>>, vector<16xf32>,
        %add3A_363 = arith.addf %add3A_341, %get3A_362 : vector<16xf32>
        %add3A_364 = arith.constant 100 : i32
        %add3A_365 = arith.addi %scan3A_349, %add3A_364 : i32
        %get3A_366 = arith.index_cast %add3A_365 : i32 to index
        %get3A_367 = arith.constant 16 : index
        %get3A_368 = tpu.vector_load %arg8[%get3A_366, %get3A_367] {strides = array<i32>} : memref<200x32xf32, #tpu.memory_space<vmem>>, vector<16xf32>,
        %add3A_369 = arith.addf %add3A_347, %get3A_368 : vector<16xf32>
        %scan3A_370 = arith.constant 2 : i32
        %scan3A_371 = arith.addi %scan3A_323, %scan3A_370 : i32
        %get3A_372 = arith.index_cast %scan3A_371 : i32 to index
        %get3A_373 = arith.constant 0 : index
        %get3A_374 = tpu.vector_load %arg8[%get3A_372, %get3A_373] {strides = array<i32>} : memref<200x32xf32, #tpu.memory_space<vmem>>, vector<16xf32>,
        %add3A_375 = arith.addf %add3A_353, %get3A_374 : vector<16xf32>
        %get3A_376 = arith.index_cast %scan3A_371 : i32 to index
        %get3A_377 = arith.constant 16 : index
        %get3A_378 = tpu.vector_load %arg8[%get3A_376, %get3A_377] {strides = array<i32>} : memref<200x32xf32, #tpu.memory_space<vmem>>, vector<16xf32>,
        %add3A_379 = arith.addf %add3A_357, %get3A_378 : vector<16xf32>
        %add3A_380 = arith.constant 100 : i32
        %add3A_381 = arith.addi %scan3A_371, %add3A_380 : i32
        %get3A_382 = arith.index_cast %add3A_381 : i32 to index
        %get3A_383 = arith.constant 0 : index
        %get3A_384 = tpu.vector_load %arg8[%get3A_382, %get3A_383] {strides = array<i32>} : memref<200x32xf32, #tpu.memory_space<vmem>>, vector<16xf32>,
        %add3A_385 = arith.addf %add3A_363, %get3A_384 : vector<16xf32>
        %add3A_386 = arith.constant 100 : i32
        %add3A_387 = arith.addi %scan3A_371, %add3A_386 : i32
        %get3A_388 = arith.index_cast %add3A_387 : i32 to index
        %get3A_389 = arith.constant 16 : index
        %get3A_390 = tpu.vector_load %arg8[%get3A_388, %get3A_389] {strides = array<i32>} : memref<200x32xf32, #tpu.memory_space<vmem>>, vector<16xf32>,
        %add3A_391 = arith.addf %add3A_369, %get3A_390 : vector<16xf32>
        %scan3A_392 = arith.constant 3 : i32
        %scan3A_393 = arith.addi %scan3A_323, %scan3A_392 : i32
        %get3A_394 = arith.index_cast %scan3A_393 : i32 to index
        %get3A_395 = arith.constant 0 : index
        %get3A_396 = tpu.vector_load %arg8[%get3A_394, %get3A_395] {strides = array<i32>} : memref<200x32xf32, #tpu.memory_space<vmem>>, vector<16xf32>,
        %add3A_397 = arith.addf %add3A_375, %get3A_396 : vector<16xf32>
        %get3A_398 = arith.index_cast %scan3A_393 : i32 to index
        %get3A_399 = arith.constant 16 : index
        %get3A_400 = tpu.vector_load %arg8[%get3A_398, %get3A_399] {strides = array<i32>} : memref<200x32xf32, #tpu.memory_space<vmem>>, vector<16xf32>,
        %add3A_401 = arith.addf %add3A_379, %get3A_400 : vector<16xf32>
        %add3A_402 = arith.constant 100 : i32
        %add3A_403 = arith.addi %scan3A_393, %add3A_402 : i32
        %get3A_404 = arith.index_cast %add3A_403 : i32 to index
        %get3A_405 = arith.constant 0 : index
        %get3A_406 = tpu.vector_load %arg8[%get3A_404, %get3A_405] {strides = array<i32>} : memref<200x32xf32, #tpu.memory_space<vmem>>, vector<16xf32>,
        %add3A_407 = arith.addf %add3A_385, %get3A_406 : vector<16xf32>
        %add3A_408 = arith.constant 100 : i32
        %add3A_409 = arith.addi %scan3A_393, %add3A_408 : i32
        %get3A_410 = arith.index_cast %add3A_409 : i32 to index
        %get3A_411 = arith.constant 16 : index
        %get3A_412 = tpu.vector_load %arg8[%get3A_410, %get3A_411] {strides = array<i32>} : memref<200x32xf32, #tpu.memory_space<vmem>>, vector<16xf32>,
        %add3A_413 = arith.addf %add3A_391, %get3A_412 : vector<16xf32>
        %scan3A_414 = arith.constant 4 : i32
        %scan3A_415 = arith.addi %scan3A_323, %scan3A_414 : i32
        %get3A_416 = arith.index_cast %scan3A_415 : i32 to index
        %get3A_417 = arith.constant 0 : index
        %get3A_418 = tpu.vector_load %arg8[%get3A_416, %get3A_417] {strides = array<i32>} : memref<200x32xf32, #tpu.memory_space<vmem>>, vector<16xf32>,
        %add3A_419 = arith.addf %add3A_397, %get3A_418 : vector<16xf32>
        %get3A_420 = arith.index_cast %scan3A_415 : i32 to index
        %get3A_421 = arith.constant 16 : index
        %get3A_422 = tpu.vector_load %arg8[%get3A_420, %get3A_421] {strides = array<i32>} : memref<200x32xf32, #tpu.memory_space<vmem>>, vector<16xf32>,
        %add3A_423 = arith.addf %add3A_401, %get3A_422 : vector<16xf32>
        %add3A_424 = arith.constant 100 : i32
        %add3A_425 = arith.addi %scan3A_415, %add3A_424 : i32
        %get3A_426 = arith.index_cast %add3A_425 : i32 to index
        %get3A_427 = arith.constant 0 : index
        %get3A_428 = tpu.vector_load %arg8[%get3A_426, %get3A_427] {strides = array<i32>} : memref<200x32xf32, #tpu.memory_space<vmem>>, vector<16xf32>,
        %add3A_429 = arith.addf %add3A_407, %get3A_428 : vector<16xf32>
        %add3A_430 = arith.constant 100 : i32
        %add3A_431 = arith.addi %scan3A_415, %add3A_430 : i32
        %get3A_432 = arith.index_cast %add3A_431 : i32 to index
        %get3A_433 = arith.constant 16 : index
        %get3A_434 = tpu.vector_load %arg8[%get3A_432, %get3A_433] {strides = array<i32>} : memref<200x32xf32, #tpu.memory_space<vmem>>, vector<16xf32>,
        %add3A_435 = arith.addf %add3A_413, %get3A_434 : vector<16xf32>
        %scan3A_436 = arith.constant 5 : i32
        %scan3A_437 = arith.addi %scan3A_323, %scan3A_436 : i32
        %get3A_438 = arith.index_cast %scan3A_437 : i32 to index
        %get3A_439 = arith.constant 0 : index
        %get3A_440 = tpu.vector_load %arg8[%get3A_438, %get3A_439] {strides = array<i32>} : memref<200x32xf32, #tpu.memory_space<vmem>>, vector<16xf32>,
        %add3A_441 = arith.addf %add3A_419, %get3A_440 : vector<16xf32>
        %get3A_442 = arith.index_cast %scan3A_437 : i32 to index
        %get3A_443 = arith.constant 16 : index
        %get3A_444 = tpu.vector_load %arg8[%get3A_442, %get3A_443] {strides = array<i32>} : memref<200x32xf32, #tpu.memory_space<vmem>>, vector<16xf32>,
        %add3A_445 = arith.addf %add3A_423, %get3A_444 : vector<16xf32>
        %add3A_446 = arith.constant 100 : i32
        %add3A_447 = arith.addi %scan3A_437, %add3A_446 : i32
        %get3A_448 = arith.index_cast %add3A_447 : i32 to index
        %get3A_449 = arith.constant 0 : index
        %get3A_450 = tpu.vector_load %arg8[%get3A_448, %get3A_449] {strides = array<i32>} : memref<200x32xf32, #tpu.memory_space<vmem>>, vector<16xf32>,
        %add3A_451 = arith.addf %add3A_429, %get3A_450 : vector<16xf32>
        %add3A_452 = arith.constant 100 : i32
        %add3A_453 = arith.addi %scan3A_437, %add3A_452 : i32
        %get3A_454 = arith.index_cast %add3A_453 : i32 to index
        %get3A_455 = arith.constant 16 : index
        %get3A_456 = tpu.vector_load %arg8[%get3A_454, %get3A_455] {strides = array<i32>} : memref<200x32xf32, #tpu.memory_space<vmem>>, vector<16xf32>,
        %add3A_457 = arith.addf %add3A_435, %get3A_456 : vector<16xf32>
        %scan3A_458 = arith.constant 6 : i32
        %scan3A_459 = arith.addi %scan3A_323, %scan3A_458 : i32
        %get3A_460 = arith.index_cast %scan3A_459 : i32 to index
        %get3A_461 = arith.constant 0 : index
        %get3A_462 = tpu.vector_load %arg8[%get3A_460, %get3A_461] {strides = array<i32>} : memref<200x32xf32, #tpu.memory_space<vmem>>, vector<16xf32>,
        %add3A_463 = arith.addf %add3A_441, %get3A_462 : vector<16xf32>
        %get3A_464 = arith.index_cast %scan3A_459 : i32 to index
        %get3A_465 = arith.constant 16 : index
        %get3A_466 = tpu.vector_load %arg8[%get3A_464, %get3A_465] {strides = array<i32>} : memref<200x32xf32, #tpu.memory_space<vmem>>, vector<16xf32>,
        %add3A_467 = arith.addf %add3A_445, %get3A_466 : vector<16xf32>
        %add3A_468 = arith.constant 100 : i32
        %add3A_469 = arith.addi %scan3A_459, %add3A_468 : i32
        %get3A_470 = arith.index_cast %add3A_469 : i32 to index
        %get3A_471 = arith.constant 0 : index
        %get3A_472 = tpu.vector_load %arg8[%get3A_470, %get3A_471] {strides = array<i32>} : memref<200x32xf32, #tpu.memory_space<vmem>>, vector<16xf32>,
        %add3A_473 = arith.addf %add3A_451, %get3A_472 : vector<16xf32>
        %add3A_474 = arith.constant 100 : i32
        %add3A_475 = arith.addi %scan3A_459, %add3A_474 : i32
        %get3A_476 = arith.index_cast %add3A_475 : i32 to index
        %get3A_477 = arith.constant 16 : index
        %get3A_478 = tpu.vector_load %arg8[%get3A_476, %get3A_477] {strides = array<i32>} : memref<200x32xf32, #tpu.memory_space<vmem>>, vector<16xf32>,
        %add3A_479 = arith.addf %add3A_457, %get3A_478 : vector<16xf32>
        %scan3A_480 = arith.constant 7 : i32
        %scan3A_481 = arith.addi %scan3A_323, %scan3A_480 : i32
        %get3A_482 = arith.index_cast %scan3A_481 : i32 to index
        %get3A_483 = arith.constant 0 : index
        %get3A_484 = tpu.vector_load %arg8[%get3A_482, %get3A_483] {strides = array<i32>} : memref<200x32xf32, #tpu.memory_space<vmem>>, vector<16xf32>,
        %add3A_485 = arith.addf %add3A_463, %get3A_484 : vector<16xf32>
        %get3A_486 = arith.index_cast %scan3A_481 : i32 to index
        %get3A_487 = arith.constant 16 : index
        %get3A_488 = tpu.vector_load %arg8[%get3A_486, %get3A_487] {strides = array<i32>} : memref<200x32xf32, #tpu.memory_space<vmem>>, vector<16xf32>,
        %add3A_489 = arith.addf %add3A_467, %get3A_488 : vector<16xf32>
        %add3A_490 = arith.constant 100 : i32
        %add3A_491 = arith.addi %scan3A_481, %add3A_490 : i32
        %get3A_492 = arith.index_cast %add3A_491 : i32 to index
        %get3A_493 = arith.constant 0 : index
        %get3A_494 = tpu.vector_load %arg8[%get3A_492, %get3A_493] {strides = array<i32>} : memref<200x32xf32, #tpu.memory_space<vmem>>, vector<16xf32>,
        %add3A_495 = arith.addf %add3A_473, %get3A_494 : vector<16xf32>
        %add3A_496 = arith.constant 100 : i32
        %add3A_497 = arith.addi %scan3A_481, %add3A_496 : i32
        %get3A_498 = arith.index_cast %add3A_497 : i32 to index
        %get3A_499 = arith.constant 16 : index
        %get3A_500 = tpu.vector_load %arg8[%get3A_498, %get3A_499] {strides = array<i32>} : memref<200x32xf32, #tpu.memory_space<vmem>>, vector<16xf32>,
        %add3A_501 = arith.addf %add3A_479, %get3A_500 : vector<16xf32>
        %scan3A_502 = arith.constant 8 : i32
        %scan3A_503 = arith.addi %scan3A_323, %scan3A_502 : i32
        %get3A_504 = arith.index_cast %scan3A_503 : i32 to index
        %get3A_505 = arith.constant 0 : index
        %get3A_506 = tpu.vector_load %arg8[%get3A_504, %get3A_505] {strides = array<i32>} : memref<200x32xf32, #tpu.memory_space<vmem>>, vector<16xf32>,
        %add3A_507 = arith.addf %add3A_485, %get3A_506 : vector<16xf32>
        %get3A_508 = arith.index_cast %scan3A_503 : i32 to index
        %get3A_509 = arith.constant 16 : index
        %get3A_510 = tpu.vector_load %arg8[%get3A_508, %get3A_509] {strides = array<i32>} : memref<200x32xf32, #tpu.memory_space<vmem>>, vector<16xf32>,
        %add3A_511 = arith.addf %add3A_489, %get3A_510 : vector<16xf32>
        %add3A_512 = arith.constant 100 : i32
        %add3A_513 = arith.addi %scan3A_503, %add3A_512 : i32
        %get3A_514 = arith.index_cast %add3A_513 : i32 to index
        %get3A_515 = arith.constant 0 : index
        %get3A_516 = tpu.vector_load %arg8[%get3A_514, %get3A_515] {strides = array<i32>} : memref<200x32xf32, #tpu.memory_space<vmem>>, vector<16xf32>,
        %add3A_517 = arith.addf %add3A_495, %get3A_516 : vector<16xf32>
        %add3A_518 = arith.constant 100 : i32
        %add3A_519 = arith.addi %scan3A_503, %add3A_518 : i32
        %get3A_520 = arith.index_cast %add3A_519 : i32 to index
        %get3A_521 = arith.constant 16 : index
        %get3A_522 = tpu.vector_load %arg8[%get3A_520, %get3A_521] {strides = array<i32>} : memref<200x32xf32, #tpu.memory_space<vmem>>, vector<16xf32>,
        %add3A_523 = arith.addf %add3A_501, %get3A_522 : vector<16xf32>
        %scan3A_524 = arith.constant 9 : i32
        %scan3A_525 = arith.addi %scan3A_323, %scan3A_524 : i32
        %get3A_526 = arith.index_cast %scan3A_525 : i32 to index
        %get3A_527 = arith.constant 0 : index
        %get3A_528 = tpu.vector_load %arg8[%get3A_526, %get3A_527] {strides = array<i32>} : memref<200x32xf32, #tpu.memory_space<vmem>>, vector<16xf32>,
        %add3A_529 = arith.addf %add3A_507, %get3A_528 : vector<16xf32>
        %get3A_530 = arith.index_cast %scan3A_525 : i32 to index
        %get3A_531 = arith.constant 16 : index
        %get3A_532 = tpu.vector_load %arg8[%get3A_530, %get3A_531] {strides = array<i32>} : memref<200x32xf32, #tpu.memory_space<vmem>>, vector<16xf32>,
        %add3A_533 = arith.addf %add3A_511, %get3A_532 : vector<16xf32>
        %add3A_534 = arith.constant 100 : i32
        %add3A_535 = arith.addi %scan3A_525, %add3A_534 : i32
        %get3A_536 = arith.index_cast %add3A_535 : i32 to index
        %get3A_537 = arith.constant 0 : index
        %get3A_538 = tpu.vector_load %arg8[%get3A_536, %get3A_537] {strides = array<i32>} : memref<200x32xf32, #tpu.memory_space<vmem>>, vector<16xf32>,
        %add3A_539 = arith.addf %add3A_517, %get3A_538 : vector<16xf32>
        %add3A_540 = arith.constant 100 : i32
        %add3A_541 = arith.addi %scan3A_525, %add3A_540 : i32
        %get3A_542 = arith.index_cast %add3A_541 : i32 to index
        %get3A_543 = arith.constant 16 : index
        %get3A_544 = tpu.vector_load %arg8[%get3A_542, %get3A_543] {strides = array<i32>} : memref<200x32xf32, #tpu.memory_space<vmem>>, vector<16xf32>,
        %add3A_545 = arith.addf %add3A_523, %get3A_544 : vector<16xf32>
        scf.yield %add3A_529, %add3A_533, %add3A_539, %add3A_545 : vector<16xf32>, vector<16xf32>, vector<16xf32>, vector<16xf32>
      }
      %scan3A_61 = arith.constant 100 : i32
      %add3A_62 = arith.addf %scan3A_60#0, %scan3A_60#2 : vector<16xf32>
      %add3A_63 = arith.addf %scan3A_60#1, %scan3A_60#3 : vector<16xf32>
      %broadcast_in_dim3A_64 = arith.constant 0 : i32
      %broadcast_in_dim3A_65 = vector.broadcast %broadcast_in_dim3A_64 : i32 to vector<16xi32>
      %get3A = arith.index_cast %mul3A_29 : i32 to index
      %get3A_66 = arith.constant 0 : index
      %get3A_67 = tpu.vector_load %arg6[%get3A, %get3A_66] {strides = array<i32>} : memref<128x128xi32, #tpu.memory_space<vmem>>, vector<16xi32>,
      %ne3A = arith.constant 0 : i32
      %ne3A_68 = vector.broadcast %ne3A : i32 to vector<16xi32>
      %ne3A_69 = arith.cmpi ne, %get3A_67, %ne3A_68 : vector<16xi32>
      %all_reduce_population_count3A = tpu.all_reduce %ne3A_69 {dim = 0 : i64, kind = #tpu.reduction_kind<sum>} : vector<16xi1> -> vector<16xi32>
      %add3A_70 = arith.addi %broadcast_in_dim3A_65, %all_reduce_population_count3A : vector<16xi32>
      %get3A_71 = arith.index_cast %mul3A_29 : i32 to index
      %get3A_72 = arith.constant 16 : index
      %get3A_73 = tpu.vector_load %arg6[%get3A_71, %get3A_72] {strides = array<i32>} : memref<128x128xi32, #tpu.memory_space<vmem>>, vector<16xi32>,
      %ne3A_74 = arith.constant 0 : i32
      %ne3A_75 = vector.broadcast %ne3A_74 : i32 to vector<16xi32>
      %ne3A_76 = arith.cmpi ne, %get3A_73, %ne3A_75 : vector<16xi32>
      %all_reduce_population_count3A_77 = tpu.all_reduce %ne3A_76 {dim = 0 : i64, kind = #tpu.reduction_kind<sum>} : vector<16xi1> -> vector<16xi32>
      %add3A_78 = arith.addi %add3A_70, %all_reduce_population_count3A_77 : vector<16xi32>
      %get3A_79 = arith.index_cast %mul3A_29 : i32 to index
      %get3A_80 = arith.constant 32 : index
      %get3A_81 = tpu.vector_load %arg6[%get3A_79, %get3A_80] {strides = array<i32>} : memref<128x128xi32, #tpu.memory_space<vmem>>, vector<16xi32>,
      %ne3A_82 = arith.constant 0 : i32
      %ne3A_83 = vector.broadcast %ne3A_82 : i32 to vector<16xi32>
      %ne3A_84 = arith.cmpi ne, %get3A_81, %ne3A_83 : vector<16xi32>
      %all_reduce_population_count3A_85 = tpu.all_reduce %ne3A_84 {dim = 0 : i64, kind = #tpu.reduction_kind<sum>} : vector<16xi1> -> vector<16xi32>
      %add3A_86 = arith.addi %add3A_78, %all_reduce_population_count3A_85 : vector<16xi32>
      %get3A_87 = arith.index_cast %mul3A_29 : i32 to index
      %get3A_88 = arith.constant 48 : index
      %get3A_89 = tpu.vector_load %arg6[%get3A_87, %get3A_88] {strides = array<i32>} : memref<128x128xi32, #tpu.memory_space<vmem>>, vector<16xi32>,
      %ne3A_90 = arith.constant 0 : i32
      %ne3A_91 = vector.broadcast %ne3A_90 : i32 to vector<16xi32>
      %ne3A_92 = arith.cmpi ne, %get3A_89, %ne3A_91 : vector<16xi32>
      %all_reduce_population_count3A_93 = tpu.all_reduce %ne3A_92 {dim = 0 : i64, kind = #tpu.reduction_kind<sum>} : vector<16xi1> -> vector<16xi32>
      %add3A_94 = arith.addi %add3A_86, %all_reduce_population_count3A_93 : vector<16xi32>
      %get3A_95 = arith.index_cast %mul3A_29 : i32 to index
      %get3A_96 = arith.constant 64 : index
      %get3A_97 = tpu.vector_load %arg6[%get3A_95, %get3A_96] {strides = array<i32>} : memref<128x128xi32, #tpu.memory_space<vmem>>, vector<16xi32>,
      %ne3A_98 = arith.constant 0 : i32
      %ne3A_99 = vector.broadcast %ne3A_98 : i32 to vector<16xi32>
      %ne3A_100 = arith.cmpi ne, %get3A_97, %ne3A_99 : vector<16xi32>
      %all_reduce_population_count3A_101 = tpu.all_reduce %ne3A_100 {dim = 0 : i64, kind = #tpu.reduction_kind<sum>} : vector<16xi1> -> vector<16xi32>
      %add3A_102 = arith.addi %add3A_94, %all_reduce_population_count3A_101 : vector<16xi32>
      %get3A_103 = arith.index_cast %mul3A_29 : i32 to index
      %get3A_104 = arith.constant 80 : index
      %get3A_105 = tpu.vector_load %arg6[%get3A_103, %get3A_104] {strides = array<i32>} : memref<128x128xi32, #tpu.memory_space<vmem>>, vector<16xi32>,
      %ne3A_106 = arith.constant 0 : i32
      %ne3A_107 = vector.broadcast %ne3A_106 : i32 to vector<16xi32>
      %ne3A_108 = arith.cmpi ne, %get3A_105, %ne3A_107 : vector<16xi32>
      %all_reduce_population_count3A_109 = tpu.all_reduce %ne3A_108 {dim = 0 : i64, kind = #tpu.reduction_kind<sum>} : vector<16xi1> -> vector<16xi32>
      %add3A_110 = arith.addi %add3A_102, %all_reduce_population_count3A_109 : vector<16xi32>
      %get3A_111 = arith.index_cast %mul3A_29 : i32 to index
      %get3A_112 = arith.constant 96 : index
      %get3A_113 = tpu.vector_load %arg6[%get3A_111, %get3A_112] {strides = array<i32>} : memref<128x128xi32, #tpu.memory_space<vmem>>, vector<16xi32>,
      %ne3A_114 = arith.constant 0 : i32
      %ne3A_115 = vector.broadcast %ne3A_114 : i32 to vector<16xi32>
      %ne3A_116 = arith.cmpi ne, %get3A_113, %ne3A_115 : vector<16xi32>
      %all_reduce_population_count3A_117 = tpu.all_reduce %ne3A_116 {dim = 0 : i64, kind = #tpu.reduction_kind<sum>} : vector<16xi1> -> vector<16xi32>
      %add3A_118 = arith.addi %add3A_110, %all_reduce_population_count3A_117 : vector<16xi32>
      %get3A_119 = arith.index_cast %mul3A_29 : i32 to index
      %get3A_120 = arith.constant 112 : index
      %get3A_121 = tpu.vector_load %arg6[%get3A_119, %get3A_120] {strides = array<i32>} : memref<128x128xi32, #tpu.memory_space<vmem>>, vector<16xi32>,
      %ne3A_122 = arith.constant 0 : i32
      %ne3A_123 = vector.broadcast %ne3A_122 : i32 to vector<16xi32>
      %ne3A_124 = arith.cmpi ne, %get3A_121, %ne3A_123 : vector<16xi32>
      %all_reduce_population_count3A_125 = tpu.all_reduce %ne3A_124 {dim = 0 : i64, kind = #tpu.reduction_kind<sum>} : vector<16xi1> -> vector<16xi32>
      %add3A_126 = arith.addi %add3A_118, %all_reduce_population_count3A_125 : vector<16xi32>
      %get3A_127 = arith.index_cast %mul3A_29 : i32 to index
      %get3A_128 = arith.constant 0 : index
      %get3A_129 = tpu.vector_load %arg7[%get3A_127, %get3A_128] {strides = array<i32>} : memref<128x128xi32, #tpu.memory_space<vmem>>, vector<16xi32>,
      %ne3A_130 = arith.constant 0 : i32
      %ne3A_131 = vector.broadcast %ne3A_130 : i32 to vector<16xi32>
      %ne3A_132 = arith.cmpi ne, %get3A_129, %ne3A_131 : vector<16xi32>
      %all_reduce_population_count3A_133 = tpu.all_reduce %ne3A_132 {dim = 0 : i64, kind = #tpu.reduction_kind<sum>} : vector<16xi1> -> vector<16xi32>
      %add3A_134 = arith.addi %add3A_126, %all_reduce_population_count3A_133 : vector<16xi32>
      %get3A_135 = arith.index_cast %mul3A_29 : i32 to index
      %get3A_136 = arith.constant 16 : index
      %get3A_137 = tpu.vector_load %arg7[%get3A_135, %get3A_136] {strides = array<i32>} : memref<128x128xi32, #tpu.memory_space<vmem>>, vector<16xi32>,
      %ne3A_138 = arith.constant 0 : i32
      %ne3A_139 = vector.broadcast %ne3A_138 : i32 to vector<16xi32>
      %ne3A_140 = arith.cmpi ne, %get3A_137, %ne3A_139 : vector<16xi32>
      %all_reduce_population_count3A_141 = tpu.all_reduce %ne3A_140 {dim = 0 : i64, kind = #tpu.reduction_kind<sum>} : vector<16xi1> -> vector<16xi32>
      %add3A_142 = arith.addi %add3A_134, %all_reduce_population_count3A_141 : vector<16xi32>
      %get3A_143 = arith.index_cast %mul3A_29 : i32 to index
      %get3A_144 = arith.constant 32 : index
      %get3A_145 = tpu.vector_load %arg7[%get3A_143, %get3A_144] {strides = array<i32>} : memref<128x128xi32, #tpu.memory_space<vmem>>, vector<16xi32>,
      %ne3A_146 = arith.constant 0 : i32
      %ne3A_147 = vector.broadcast %ne3A_146 : i32 to vector<16xi32>
      %ne3A_148 = arith.cmpi ne, %get3A_145, %ne3A_147 : vector<16xi32>
      %all_reduce_population_count3A_149 = tpu.all_reduce %ne3A_148 {dim = 0 : i64, kind = #tpu.reduction_kind<sum>} : vector<16xi1> -> vector<16xi32>
      %add3A_150 = arith.addi %add3A_142, %all_reduce_population_count3A_149 : vector<16xi32>
      %get3A_151 = arith.index_cast %mul3A_29 : i32 to index
      %get3A_152 = arith.constant 48 : index
      %get3A_153 = tpu.vector_load %arg7[%get3A_151, %get3A_152] {strides = array<i32>} : memref<128x128xi32, #tpu.memory_space<vmem>>, vector<16xi32>,
      %ne3A_154 = arith.constant 0 : i32
      %ne3A_155 = vector.broadcast %ne3A_154 : i32 to vector<16xi32>
      %ne3A_156 = arith.cmpi ne, %get3A_153, %ne3A_155 : vector<16xi32>
      %all_reduce_population_count3A_157 = tpu.all_reduce %ne3A_156 {dim = 0 : i64, kind = #tpu.reduction_kind<sum>} : vector<16xi1> -> vector<16xi32>
      %add3A_158 = arith.addi %add3A_150, %all_reduce_population_count3A_157 : vector<16xi32>
      %iota3A = tpu.iota {dimensions = array<i32: 0>} : vector<16xi32>
      %get3A_159 = arith.index_cast %mul3A_29 : i32 to index
      %get3A_160 = arith.constant 56 : index
      %get3A_161 = tpu.vector_load %arg7[%get3A_159, %get3A_160] {strides = array<i32>} : memref<128x128xi32, #tpu.memory_space<vmem>>, vector<16xi32>,
      %ge3A = arith.constant 8 : i32
      %ge3A_162 = vector.broadcast %ge3A : i32 to vector<16xi32>
      %ge3A_163 = arith.cmpi sge, %iota3A, %ge3A_162 : vector<16xi32>
      %ne3A_164 = arith.constant 0 : i32
      %ne3A_165 = vector.broadcast %ne3A_164 : i32 to vector<16xi32>
      %ne3A_166 = arith.cmpi ne, %get3A_161, %ne3A_165 : vector<16xi32>
      %and3A = arith.andi %ge3A_163, %ne3A_166 : vector<16xi1>
      %all_reduce_population_count3A_167 = tpu.all_reduce %and3A {dim = 0 : i64, kind = #tpu.reduction_kind<sum>} : vector<16xi1> -> vector<16xi32>
      %add3A_168 = arith.addi %add3A_158, %all_reduce_population_count3A_167 : vector<16xi32>
      %convert_element_type3A = arith.sitofp %add3A_168 : vector<16xi32> to vector<16xf32>
      %broadcast_in_dim3A_169 = arith.constant 1.000000e+00 : f32
      %broadcast_in_dim3A_170 = vector.broadcast %broadcast_in_dim3A_169 : f32 to vector<16xf32>
      %max3A = arith.maximumf %convert_element_type3A, %broadcast_in_dim3A_170 : vector<16xf32>
      %div3A = arith.divf %add3A_62, %max3A : vector<16xf32>
      %swap3A = arith.index_cast %mul3A_29 : i32 to index
      %swap3A_171 = arith.constant 0 : index
      %swap3A_172 = tpu.vector_load %arg10[%swap3A, %swap3A_171] {strides = array<i32>} : memref<128x32xf32, #tpu.memory_space<vmem>>, vector<16xf32>,
      tpu.vector_store %arg10[%swap3A, %swap3A_171], %div3A {strides = array<i32>} : memref<128x32xf32, #tpu.memory_space<vmem>>, vector<16xf32>,
      %div3A_173 = arith.divf %add3A_63, %max3A : vector<16xf32>
      %swap3A_174 = arith.index_cast %mul3A_29 : i32 to index
      %swap3A_175 = arith.constant 16 : index
      %swap3A_176 = tpu.vector_load %arg10[%swap3A_174, %swap3A_175] {strides = array<i32>} : memref<128x32xf32, #tpu.memory_space<vmem>>, vector<16xf32>,
      tpu.vector_store %arg10[%swap3A_174, %swap3A_175], %div3A_173 {strides = array<i32>} : memref<128x32xf32, #tpu.memory_space<vmem>>, vector<16xf32>,
      %add3A_177 = arith.constant 2 : i32
      %add3A_178 = arith.addi %mul3A_29, %add3A_177 : i32
      %lt3A = arith.constant 128 : i32
      %lt3A_179 = arith.cmpi slt, %add3A_178, %lt3A : i32
      %convert_element_type3A_180 = arith.extui %lt3A_179 : i1 to i32
      %cond3A = arith.constant 0 : i32
      %cond3A_181 = arith.cmpi ne, %convert_element_type3A_180, %cond3A : i32
      scf.if %cond3A_181 {
        %add3A_323 = arith.constant 2 : i32
        %add3A_324 = arith.addi %mul3A_29, %add3A_323 : i32
        %dma_start3A_325 = arith.constant 0 : i32
        %dma_start3A_326 = arith.constant 0 : i32
        %dma_start3A_327 = tpu.memref_slice %arg8[%dma_start3A_325, %dma_start3A_326] : memref<200x32xf32, #tpu.memory_space<vmem>> -> memref<128x32xf32, #tpu.memory_space<vmem>>
        %dma_start3A_328 = arith.constant 0 : i32
        %dma_start3A_329 = tpu.memref_slice %arg6[%add3A_324, %dma_start3A_328] : memref<128x128xi32, #tpu.memory_space<vmem>> -> memref<1x128xi32, #tpu.memory_space<vmem>>
        %dma_start3A_330 = tpu.memref_squeeze %dma_start3A_329 : memref<1x128xi32, #tpu.memory_space<vmem>> -> memref<128xi32, #tpu.memory_space<vmem>>
        %dma_start3A_331 = arith.constant 0 : i32
        %dma_start3A_332 = arith.constant 0 : i32
        %dma_start3A_333 = tpu.memref_slice %arg4[%dma_start3A_331, %dma_start3A_332] : memref<1048576x32xf32, #tpu.memory_space<hbm>> -> memref<1048576x32xf32, #tpu.memory_space<hbm>>
        tpu.enqueue_indirect_dma source(%dma_start3A_333 : memref<1048576x32xf32, #tpu.memory_space<hbm>>) target(%dma_start3A_327 : memref<128x32xf32, #tpu.memory_space<vmem>>) offsets(%dma_start3A_330 : memref<128xi32, #tpu.memory_space<vmem>>) semaphore(%arg11 : memref<!tpu.dma_semaphore, #tpu.memory_space<semaphore_mem>>)
        %dma_start3A_334 = arith.constant 128 : i32
        %dma_start3A_335 = arith.constant 0 : i32
        %dma_start3A_336 = tpu.memref_slice %arg8[%dma_start3A_334, %dma_start3A_335] : memref<200x32xf32, #tpu.memory_space<vmem>> -> memref<72x32xf32, #tpu.memory_space<vmem>>
        %dma_start3A_337 = arith.constant 0 : i32
        %dma_start3A_338 = tpu.memref_slice %arg7[%add3A_324, %dma_start3A_337] : memref<128x128xi32, #tpu.memory_space<vmem>> -> memref<1x72xi32, #tpu.memory_space<vmem>>
        %dma_start3A_339 = tpu.memref_squeeze %dma_start3A_338 : memref<1x72xi32, #tpu.memory_space<vmem>> -> memref<72xi32, #tpu.memory_space<vmem>>
        %dma_start3A_340 = arith.constant 0 : i32
        %dma_start3A_341 = arith.constant 0 : i32
        %dma_start3A_342 = tpu.memref_slice %arg4[%dma_start3A_340, %dma_start3A_341] : memref<1048576x32xf32, #tpu.memory_space<hbm>> -> memref<1048576x32xf32, #tpu.memory_space<hbm>>
        tpu.enqueue_indirect_dma source(%dma_start3A_342 : memref<1048576x32xf32, #tpu.memory_space<hbm>>) target(%dma_start3A_336 : memref<72x32xf32, #tpu.memory_space<vmem>>) offsets(%dma_start3A_339 : memref<72xi32, #tpu.memory_space<vmem>>) semaphore(%arg11 : memref<!tpu.dma_semaphore, #tpu.memory_space<semaphore_mem>>)
      } else {
      }
      %dma_wait3A_182 = arith.constant 0 : i32
      %dma_wait3A_183 = arith.constant 0 : i32
      %dma_wait3A_184 = tpu.memref_slice %arg4[%dma_wait3A_182, %dma_wait3A_183] : memref<1048576x32xf32, #tpu.memory_space<hbm>> -> memref<200x32xf32, #tpu.memory_space<hbm>>
      %dma_wait3A_185 = arith.constant 0 : i32
      %dma_wait3A_186 = arith.constant 0 : i32
      %dma_wait3A_187 = tpu.memref_slice %arg4[%dma_wait3A_185, %dma_wait3A_186] : memref<1048576x32xf32, #tpu.memory_space<hbm>> -> memref<200x32xf32, #tpu.memory_space<hbm>>
      tpu.wait_dma2 semaphore(%arg12 : memref<!tpu.dma_semaphore, #tpu.memory_space<semaphore_mem>>) src(%dma_wait3A_187 : memref<200x32xf32, #tpu.memory_space<hbm>>) dst(%arg9 : memref<200x32xf32, #tpu.memory_space<vmem>>)
      %add3A_188 = arith.constant 1 : i32
      %add3A_189 = arith.addi %mul3A_29, %add3A_188 : i32
      %broadcast_in_dim3A_190 = arith.constant 0.000000e+00 : f32
      %broadcast_in_dim3A_191 = vector.broadcast %broadcast_in_dim3A_190 : f32 to vector<16xf32>
      %scan3A_192 = arith.constant 0 : i32
      %scan3A_193 = arith.constant 100 : i32
      %scan3A_194 = arith.addi %scan3A_192, %scan3A_193 : i32
      %scan3A_195 = arith.constant 10 : i32
      %scan3A_196:4 = scf.for %scan3A_323 = %scan3A_192 to %scan3A_194 step %scan3A_195 iter_args(%scan3A_324 = %broadcast_in_dim3A_191, %scan3A_325 = %broadcast_in_dim3A_191, %scan3A_326 = %broadcast_in_dim3A_191, %scan3A_327 = %broadcast_in_dim3A_191) -> (vector<16xf32>, vector<16xf32>, vector<16xf32>, vector<16xf32>)  : i32 {
        %get3A_328 = arith.index_cast %scan3A_323 : i32 to index
        %get3A_329 = arith.constant 0 : index
        %get3A_330 = tpu.vector_load %arg9[%get3A_328, %get3A_329] {strides = array<i32>} : memref<200x32xf32, #tpu.memory_space<vmem>>, vector<16xf32>,
        %add3A_331 = arith.addf %scan3A_324, %get3A_330 : vector<16xf32>
        %get3A_332 = arith.index_cast %scan3A_323 : i32 to index
        %get3A_333 = arith.constant 16 : index
        %get3A_334 = tpu.vector_load %arg9[%get3A_332, %get3A_333] {strides = array<i32>} : memref<200x32xf32, #tpu.memory_space<vmem>>, vector<16xf32>,
        %add3A_335 = arith.addf %scan3A_325, %get3A_334 : vector<16xf32>
        %add3A_336 = arith.constant 100 : i32
        %add3A_337 = arith.addi %scan3A_323, %add3A_336 : i32
        %get3A_338 = arith.index_cast %add3A_337 : i32 to index
        %get3A_339 = arith.constant 0 : index
        %get3A_340 = tpu.vector_load %arg9[%get3A_338, %get3A_339] {strides = array<i32>} : memref<200x32xf32, #tpu.memory_space<vmem>>, vector<16xf32>,
        %add3A_341 = arith.addf %scan3A_326, %get3A_340 : vector<16xf32>
        %add3A_342 = arith.constant 100 : i32
        %add3A_343 = arith.addi %scan3A_323, %add3A_342 : i32
        %get3A_344 = arith.index_cast %add3A_343 : i32 to index
        %get3A_345 = arith.constant 16 : index
        %get3A_346 = tpu.vector_load %arg9[%get3A_344, %get3A_345] {strides = array<i32>} : memref<200x32xf32, #tpu.memory_space<vmem>>, vector<16xf32>,
        %add3A_347 = arith.addf %scan3A_327, %get3A_346 : vector<16xf32>
        %scan3A_348 = arith.constant 1 : i32
        %scan3A_349 = arith.addi %scan3A_323, %scan3A_348 : i32
        %get3A_350 = arith.index_cast %scan3A_349 : i32 to index
        %get3A_351 = arith.constant 0 : index
        %get3A_352 = tpu.vector_load %arg9[%get3A_350, %get3A_351] {strides = array<i32>} : memref<200x32xf32, #tpu.memory_space<vmem>>, vector<16xf32>,
        %add3A_353 = arith.addf %add3A_331, %get3A_352 : vector<16xf32>
        %get3A_354 = arith.index_cast %scan3A_349 : i32 to index
        %get3A_355 = arith.constant 16 : index
        %get3A_356 = tpu.vector_load %arg9[%get3A_354, %get3A_355] {strides = array<i32>} : memref<200x32xf32, #tpu.memory_space<vmem>>, vector<16xf32>,
        %add3A_357 = arith.addf %add3A_335, %get3A_356 : vector<16xf32>
        %add3A_358 = arith.constant 100 : i32
        %add3A_359 = arith.addi %scan3A_349, %add3A_358 : i32
        %get3A_360 = arith.index_cast %add3A_359 : i32 to index
        %get3A_361 = arith.constant 0 : index
        %get3A_362 = tpu.vector_load %arg9[%get3A_360, %get3A_361] {strides = array<i32>} : memref<200x32xf32, #tpu.memory_space<vmem>>, vector<16xf32>,
        %add3A_363 = arith.addf %add3A_341, %get3A_362 : vector<16xf32>
        %add3A_364 = arith.constant 100 : i32
        %add3A_365 = arith.addi %scan3A_349, %add3A_364 : i32
        %get3A_366 = arith.index_cast %add3A_365 : i32 to index
        %get3A_367 = arith.constant 16 : index
        %get3A_368 = tpu.vector_load %arg9[%get3A_366, %get3A_367] {strides = array<i32>} : memref<200x32xf32, #tpu.memory_space<vmem>>, vector<16xf32>,
        %add3A_369 = arith.addf %add3A_347, %get3A_368 : vector<16xf32>
        %scan3A_370 = arith.constant 2 : i32
        %scan3A_371 = arith.addi %scan3A_323, %scan3A_370 : i32
        %get3A_372 = arith.index_cast %scan3A_371 : i32 to index
        %get3A_373 = arith.constant 0 : index
        %get3A_374 = tpu.vector_load %arg9[%get3A_372, %get3A_373] {strides = array<i32>} : memref<200x32xf32, #tpu.memory_space<vmem>>, vector<16xf32>,
        %add3A_375 = arith.addf %add3A_353, %get3A_374 : vector<16xf32>
        %get3A_376 = arith.index_cast %scan3A_371 : i32 to index
        %get3A_377 = arith.constant 16 : index
        %get3A_378 = tpu.vector_load %arg9[%get3A_376, %get3A_377] {strides = array<i32>} : memref<200x32xf32, #tpu.memory_space<vmem>>, vector<16xf32>,
        %add3A_379 = arith.addf %add3A_357, %get3A_378 : vector<16xf32>
        %add3A_380 = arith.constant 100 : i32
        %add3A_381 = arith.addi %scan3A_371, %add3A_380 : i32
        %get3A_382 = arith.index_cast %add3A_381 : i32 to index
        %get3A_383 = arith.constant 0 : index
        %get3A_384 = tpu.vector_load %arg9[%get3A_382, %get3A_383] {strides = array<i32>} : memref<200x32xf32, #tpu.memory_space<vmem>>, vector<16xf32>,
        %add3A_385 = arith.addf %add3A_363, %get3A_384 : vector<16xf32>
        %add3A_386 = arith.constant 100 : i32
        %add3A_387 = arith.addi %scan3A_371, %add3A_386 : i32
        %get3A_388 = arith.index_cast %add3A_387 : i32 to index
        %get3A_389 = arith.constant 16 : index
        %get3A_390 = tpu.vector_load %arg9[%get3A_388, %get3A_389] {strides = array<i32>} : memref<200x32xf32, #tpu.memory_space<vmem>>, vector<16xf32>,
        %add3A_391 = arith.addf %add3A_369, %get3A_390 : vector<16xf32>
        %scan3A_392 = arith.constant 3 : i32
        %scan3A_393 = arith.addi %scan3A_323, %scan3A_392 : i32
        %get3A_394 = arith.index_cast %scan3A_393 : i32 to index
        %get3A_395 = arith.constant 0 : index
        %get3A_396 = tpu.vector_load %arg9[%get3A_394, %get3A_395] {strides = array<i32>} : memref<200x32xf32, #tpu.memory_space<vmem>>, vector<16xf32>,
        %add3A_397 = arith.addf %add3A_375, %get3A_396 : vector<16xf32>
        %get3A_398 = arith.index_cast %scan3A_393 : i32 to index
        %get3A_399 = arith.constant 16 : index
        %get3A_400 = tpu.vector_load %arg9[%get3A_398, %get3A_399] {strides = array<i32>} : memref<200x32xf32, #tpu.memory_space<vmem>>, vector<16xf32>,
        %add3A_401 = arith.addf %add3A_379, %get3A_400 : vector<16xf32>
        %add3A_402 = arith.constant 100 : i32
        %add3A_403 = arith.addi %scan3A_393, %add3A_402 : i32
        %get3A_404 = arith.index_cast %add3A_403 : i32 to index
        %get3A_405 = arith.constant 0 : index
        %get3A_406 = tpu.vector_load %arg9[%get3A_404, %get3A_405] {strides = array<i32>} : memref<200x32xf32, #tpu.memory_space<vmem>>, vector<16xf32>,
        %add3A_407 = arith.addf %add3A_385, %get3A_406 : vector<16xf32>
        %add3A_408 = arith.constant 100 : i32
        %add3A_409 = arith.addi %scan3A_393, %add3A_408 : i32
        %get3A_410 = arith.index_cast %add3A_409 : i32 to index
        %get3A_411 = arith.constant 16 : index
        %get3A_412 = tpu.vector_load %arg9[%get3A_410, %get3A_411] {strides = array<i32>} : memref<200x32xf32, #tpu.memory_space<vmem>>, vector<16xf32>,
        %add3A_413 = arith.addf %add3A_391, %get3A_412 : vector<16xf32>
        %scan3A_414 = arith.constant 4 : i32
        %scan3A_415 = arith.addi %scan3A_323, %scan3A_414 : i32
        %get3A_416 = arith.index_cast %scan3A_415 : i32 to index
        %get3A_417 = arith.constant 0 : index
        %get3A_418 = tpu.vector_load %arg9[%get3A_416, %get3A_417] {strides = array<i32>} : memref<200x32xf32, #tpu.memory_space<vmem>>, vector<16xf32>,
        %add3A_419 = arith.addf %add3A_397, %get3A_418 : vector<16xf32>
        %get3A_420 = arith.index_cast %scan3A_415 : i32 to index
        %get3A_421 = arith.constant 16 : index
        %get3A_422 = tpu.vector_load %arg9[%get3A_420, %get3A_421] {strides = array<i32>} : memref<200x32xf32, #tpu.memory_space<vmem>>, vector<16xf32>,
        %add3A_423 = arith.addf %add3A_401, %get3A_422 : vector<16xf32>
        %add3A_424 = arith.constant 100 : i32
        %add3A_425 = arith.addi %scan3A_415, %add3A_424 : i32
        %get3A_426 = arith.index_cast %add3A_425 : i32 to index
        %get3A_427 = arith.constant 0 : index
        %get3A_428 = tpu.vector_load %arg9[%get3A_426, %get3A_427] {strides = array<i32>} : memref<200x32xf32, #tpu.memory_space<vmem>>, vector<16xf32>,
        %add3A_429 = arith.addf %add3A_407, %get3A_428 : vector<16xf32>
        %add3A_430 = arith.constant 100 : i32
        %add3A_431 = arith.addi %scan3A_415, %add3A_430 : i32
        %get3A_432 = arith.index_cast %add3A_431 : i32 to index
        %get3A_433 = arith.constant 16 : index
        %get3A_434 = tpu.vector_load %arg9[%get3A_432, %get3A_433] {strides = array<i32>} : memref<200x32xf32, #tpu.memory_space<vmem>>, vector<16xf32>,
        %add3A_435 = arith.addf %add3A_413, %get3A_434 : vector<16xf32>
        %scan3A_436 = arith.constant 5 : i32
        %scan3A_437 = arith.addi %scan3A_323, %scan3A_436 : i32
        %get3A_438 = arith.index_cast %scan3A_437 : i32 to index
        %get3A_439 = arith.constant 0 : index
        %get3A_440 = tpu.vector_load %arg9[%get3A_438, %get3A_439] {strides = array<i32>} : memref<200x32xf32, #tpu.memory_space<vmem>>, vector<16xf32>,
        %add3A_441 = arith.addf %add3A_419, %get3A_440 : vector<16xf32>
        %get3A_442 = arith.index_cast %scan3A_437 : i32 to index
        %get3A_443 = arith.constant 16 : index
        %get3A_444 = tpu.vector_load %arg9[%get3A_442, %get3A_443] {strides = array<i32>} : memref<200x32xf32, #tpu.memory_space<vmem>>, vector<16xf32>,
        %add3A_445 = arith.addf %add3A_423, %get3A_444 : vector<16xf32>
        %add3A_446 = arith.constant 100 : i32
        %add3A_447 = arith.addi %scan3A_437, %add3A_446 : i32
        %get3A_448 = arith.index_cast %add3A_447 : i32 to index
        %get3A_449 = arith.constant 0 : index
        %get3A_450 = tpu.vector_load %arg9[%get3A_448, %get3A_449] {strides = array<i32>} : memref<200x32xf32, #tpu.memory_space<vmem>>, vector<16xf32>,
        %add3A_451 = arith.addf %add3A_429, %get3A_450 : vector<16xf32>
        %add3A_452 = arith.constant 100 : i32
        %add3A_453 = arith.addi %scan3A_437, %add3A_452 : i32
        %get3A_454 = arith.index_cast %add3A_453 : i32 to index
        %get3A_455 = arith.constant 16 : index
        %get3A_456 = tpu.vector_load %arg9[%get3A_454, %get3A_455] {strides = array<i32>} : memref<200x32xf32, #tpu.memory_space<vmem>>, vector<16xf32>,
        %add3A_457 = arith.addf %add3A_435, %get3A_456 : vector<16xf32>
        %scan3A_458 = arith.constant 6 : i32
        %scan3A_459 = arith.addi %scan3A_323, %scan3A_458 : i32
        %get3A_460 = arith.index_cast %scan3A_459 : i32 to index
        %get3A_461 = arith.constant 0 : index
        %get3A_462 = tpu.vector_load %arg9[%get3A_460, %get3A_461] {strides = array<i32>} : memref<200x32xf32, #tpu.memory_space<vmem>>, vector<16xf32>,
        %add3A_463 = arith.addf %add3A_441, %get3A_462 : vector<16xf32>
        %get3A_464 = arith.index_cast %scan3A_459 : i32 to index
        %get3A_465 = arith.constant 16 : index
        %get3A_466 = tpu.vector_load %arg9[%get3A_464, %get3A_465] {strides = array<i32>} : memref<200x32xf32, #tpu.memory_space<vmem>>, vector<16xf32>,
        %add3A_467 = arith.addf %add3A_445, %get3A_466 : vector<16xf32>
        %add3A_468 = arith.constant 100 : i32
        %add3A_469 = arith.addi %scan3A_459, %add3A_468 : i32
        %get3A_470 = arith.index_cast %add3A_469 : i32 to index
        %get3A_471 = arith.constant 0 : index
        %get3A_472 = tpu.vector_load %arg9[%get3A_470, %get3A_471] {strides = array<i32>} : memref<200x32xf32, #tpu.memory_space<vmem>>, vector<16xf32>,
        %add3A_473 = arith.addf %add3A_451, %get3A_472 : vector<16xf32>
        %add3A_474 = arith.constant 100 : i32
        %add3A_475 = arith.addi %scan3A_459, %add3A_474 : i32
        %get3A_476 = arith.index_cast %add3A_475 : i32 to index
        %get3A_477 = arith.constant 16 : index
        %get3A_478 = tpu.vector_load %arg9[%get3A_476, %get3A_477] {strides = array<i32>} : memref<200x32xf32, #tpu.memory_space<vmem>>, vector<16xf32>,
        %add3A_479 = arith.addf %add3A_457, %get3A_478 : vector<16xf32>
        %scan3A_480 = arith.constant 7 : i32
        %scan3A_481 = arith.addi %scan3A_323, %scan3A_480 : i32
        %get3A_482 = arith.index_cast %scan3A_481 : i32 to index
        %get3A_483 = arith.constant 0 : index
        %get3A_484 = tpu.vector_load %arg9[%get3A_482, %get3A_483] {strides = array<i32>} : memref<200x32xf32, #tpu.memory_space<vmem>>, vector<16xf32>,
        %add3A_485 = arith.addf %add3A_463, %get3A_484 : vector<16xf32>
        %get3A_486 = arith.index_cast %scan3A_481 : i32 to index
        %get3A_487 = arith.constant 16 : index
        %get3A_488 = tpu.vector_load %arg9[%get3A_486, %get3A_487] {strides = array<i32>} : memref<200x32xf32, #tpu.memory_space<vmem>>, vector<16xf32>,
        %add3A_489 = arith.addf %add3A_467, %get3A_488 : vector<16xf32>
        %add3A_490 = arith.constant 100 : i32
        %add3A_491 = arith.addi %scan3A_481, %add3A_490 : i32
        %get3A_492 = arith.index_cast %add3A_491 : i32 to index
        %get3A_493 = arith.constant 0 : index
        %get3A_494 = tpu.vector_load %arg9[%get3A_492, %get3A_493] {strides = array<i32>} : memref<200x32xf32, #tpu.memory_space<vmem>>, vector<16xf32>,
        %add3A_495 = arith.addf %add3A_473, %get3A_494 : vector<16xf32>
        %add3A_496 = arith.constant 100 : i32
        %add3A_497 = arith.addi %scan3A_481, %add3A_496 : i32
        %get3A_498 = arith.index_cast %add3A_497 : i32 to index
        %get3A_499 = arith.constant 16 : index
        %get3A_500 = tpu.vector_load %arg9[%get3A_498, %get3A_499] {strides = array<i32>} : memref<200x32xf32, #tpu.memory_space<vmem>>, vector<16xf32>,
        %add3A_501 = arith.addf %add3A_479, %get3A_500 : vector<16xf32>
        %scan3A_502 = arith.constant 8 : i32
        %scan3A_503 = arith.addi %scan3A_323, %scan3A_502 : i32
        %get3A_504 = arith.index_cast %scan3A_503 : i32 to index
        %get3A_505 = arith.constant 0 : index
        %get3A_506 = tpu.vector_load %arg9[%get3A_504, %get3A_505] {strides = array<i32>} : memref<200x32xf32, #tpu.memory_space<vmem>>, vector<16xf32>,
        %add3A_507 = arith.addf %add3A_485, %get3A_506 : vector<16xf32>
        %get3A_508 = arith.index_cast %scan3A_503 : i32 to index
        %get3A_509 = arith.constant 16 : index
        %get3A_510 = tpu.vector_load %arg9[%get3A_508, %get3A_509] {strides = array<i32>} : memref<200x32xf32, #tpu.memory_space<vmem>>, vector<16xf32>,
        %add3A_511 = arith.addf %add3A_489, %get3A_510 : vector<16xf32>
        %add3A_512 = arith.constant 100 : i32
        %add3A_513 = arith.addi %scan3A_503, %add3A_512 : i32
        %get3A_514 = arith.index_cast %add3A_513 : i32 to index
        %get3A_515 = arith.constant 0 : index
        %get3A_516 = tpu.vector_load %arg9[%get3A_514, %get3A_515] {strides = array<i32>} : memref<200x32xf32, #tpu.memory_space<vmem>>, vector<16xf32>,
        %add3A_517 = arith.addf %add3A_495, %get3A_516 : vector<16xf32>
        %add3A_518 = arith.constant 100 : i32
        %add3A_519 = arith.addi %scan3A_503, %add3A_518 : i32
        %get3A_520 = arith.index_cast %add3A_519 : i32 to index
        %get3A_521 = arith.constant 16 : index
        %get3A_522 = tpu.vector_load %arg9[%get3A_520, %get3A_521] {strides = array<i32>} : memref<200x32xf32, #tpu.memory_space<vmem>>, vector<16xf32>,
        %add3A_523 = arith.addf %add3A_501, %get3A_522 : vector<16xf32>
        %scan3A_524 = arith.constant 9 : i32
        %scan3A_525 = arith.addi %scan3A_323, %scan3A_524 : i32
        %get3A_526 = arith.index_cast %scan3A_525 : i32 to index
        %get3A_527 = arith.constant 0 : index
        %get3A_528 = tpu.vector_load %arg9[%get3A_526, %get3A_527] {strides = array<i32>} : memref<200x32xf32, #tpu.memory_space<vmem>>, vector<16xf32>,
        %add3A_529 = arith.addf %add3A_507, %get3A_528 : vector<16xf32>
        %get3A_530 = arith.index_cast %scan3A_525 : i32 to index
        %get3A_531 = arith.constant 16 : index
        %get3A_532 = tpu.vector_load %arg9[%get3A_530, %get3A_531] {strides = array<i32>} : memref<200x32xf32, #tpu.memory_space<vmem>>, vector<16xf32>,
        %add3A_533 = arith.addf %add3A_511, %get3A_532 : vector<16xf32>
        %add3A_534 = arith.constant 100 : i32
        %add3A_535 = arith.addi %scan3A_525, %add3A_534 : i32
        %get3A_536 = arith.index_cast %add3A_535 : i32 to index
        %get3A_537 = arith.constant 0 : index
        %get3A_538 = tpu.vector_load %arg9[%get3A_536, %get3A_537] {strides = array<i32>} : memref<200x32xf32, #tpu.memory_space<vmem>>, vector<16xf32>,
        %add3A_539 = arith.addf %add3A_517, %get3A_538 : vector<16xf32>
        %add3A_540 = arith.constant 100 : i32
        %add3A_541 = arith.addi %scan3A_525, %add3A_540 : i32
        %get3A_542 = arith.index_cast %add3A_541 : i32 to index
        %get3A_543 = arith.constant 16 : index
        %get3A_544 = tpu.vector_load %arg9[%get3A_542, %get3A_543] {strides = array<i32>} : memref<200x32xf32, #tpu.memory_space<vmem>>, vector<16xf32>,
        %add3A_545 = arith.addf %add3A_523, %get3A_544 : vector<16xf32>
        scf.yield %add3A_529, %add3A_533, %add3A_539, %add3A_545 : vector<16xf32>, vector<16xf32>, vector<16xf32>, vector<16xf32>
      }
      %scan3A_197 = arith.constant 100 : i32
      %add3A_198 = arith.addf %scan3A_196#0, %scan3A_196#2 : vector<16xf32>
      %add3A_199 = arith.addf %scan3A_196#1, %scan3A_196#3 : vector<16xf32>
      %broadcast_in_dim3A_200 = arith.constant 0 : i32
      %broadcast_in_dim3A_201 = vector.broadcast %broadcast_in_dim3A_200 : i32 to vector<16xi32>
      %get3A_202 = arith.index_cast %add3A_189 : i32 to index
      %get3A_203 = arith.constant 0 : index
      %get3A_204 = tpu.vector_load %arg6[%get3A_202, %get3A_203] {strides = array<i32>} : memref<128x128xi32, #tpu.memory_space<vmem>>, vector<16xi32>,
      %ne3A_205 = arith.constant 0 : i32
      %ne3A_206 = vector.broadcast %ne3A_205 : i32 to vector<16xi32>
      %ne3A_207 = arith.cmpi ne, %get3A_204, %ne3A_206 : vector<16xi32>
      %all_reduce_population_count3A_208 = tpu.all_reduce %ne3A_207 {dim = 0 : i64, kind = #tpu.reduction_kind<sum>} : vector<16xi1> -> vector<16xi32>
      %add3A_209 = arith.addi %broadcast_in_dim3A_201, %all_reduce_population_count3A_208 : vector<16xi32>
      %get3A_210 = arith.index_cast %add3A_189 : i32 to index
      %get3A_211 = arith.constant 16 : index
      %get3A_212 = tpu.vector_load %arg6[%get3A_210, %get3A_211] {strides = array<i32>} : memref<128x128xi32, #tpu.memory_space<vmem>>, vector<16xi32>,
      %ne3A_213 = arith.constant 0 : i32
      %ne3A_214 = vector.broadcast %ne3A_213 : i32 to vector<16xi32>
      %ne3A_215 = arith.cmpi ne, %get3A_212, %ne3A_214 : vector<16xi32>
      %all_reduce_population_count3A_216 = tpu.all_reduce %ne3A_215 {dim = 0 : i64, kind = #tpu.reduction_kind<sum>} : vector<16xi1> -> vector<16xi32>
      %add3A_217 = arith.addi %add3A_209, %all_reduce_population_count3A_216 : vector<16xi32>
      %get3A_218 = arith.index_cast %add3A_189 : i32 to index
      %get3A_219 = arith.constant 32 : index
      %get3A_220 = tpu.vector_load %arg6[%get3A_218, %get3A_219] {strides = array<i32>} : memref<128x128xi32, #tpu.memory_space<vmem>>, vector<16xi32>,
      %ne3A_221 = arith.constant 0 : i32
      %ne3A_222 = vector.broadcast %ne3A_221 : i32 to vector<16xi32>
      %ne3A_223 = arith.cmpi ne, %get3A_220, %ne3A_222 : vector<16xi32>
      %all_reduce_population_count3A_224 = tpu.all_reduce %ne3A_223 {dim = 0 : i64, kind = #tpu.reduction_kind<sum>} : vector<16xi1> -> vector<16xi32>
      %add3A_225 = arith.addi %add3A_217, %all_reduce_population_count3A_224 : vector<16xi32>
      %get3A_226 = arith.index_cast %add3A_189 : i32 to index
      %get3A_227 = arith.constant 48 : index
      %get3A_228 = tpu.vector_load %arg6[%get3A_226, %get3A_227] {strides = array<i32>} : memref<128x128xi32, #tpu.memory_space<vmem>>, vector<16xi32>,
      %ne3A_229 = arith.constant 0 : i32
      %ne3A_230 = vector.broadcast %ne3A_229 : i32 to vector<16xi32>
      %ne3A_231 = arith.cmpi ne, %get3A_228, %ne3A_230 : vector<16xi32>
      %all_reduce_population_count3A_232 = tpu.all_reduce %ne3A_231 {dim = 0 : i64, kind = #tpu.reduction_kind<sum>} : vector<16xi1> -> vector<16xi32>
      %add3A_233 = arith.addi %add3A_225, %all_reduce_population_count3A_232 : vector<16xi32>
      %get3A_234 = arith.index_cast %add3A_189 : i32 to index
      %get3A_235 = arith.constant 64 : index
      %get3A_236 = tpu.vector_load %arg6[%get3A_234, %get3A_235] {strides = array<i32>} : memref<128x128xi32, #tpu.memory_space<vmem>>, vector<16xi32>,
      %ne3A_237 = arith.constant 0 : i32
      %ne3A_238 = vector.broadcast %ne3A_237 : i32 to vector<16xi32>
      %ne3A_239 = arith.cmpi ne, %get3A_236, %ne3A_238 : vector<16xi32>
      %all_reduce_population_count3A_240 = tpu.all_reduce %ne3A_239 {dim = 0 : i64, kind = #tpu.reduction_kind<sum>} : vector<16xi1> -> vector<16xi32>
      %add3A_241 = arith.addi %add3A_233, %all_reduce_population_count3A_240 : vector<16xi32>
      %get3A_242 = arith.index_cast %add3A_189 : i32 to index
      %get3A_243 = arith.constant 80 : index
      %get3A_244 = tpu.vector_load %arg6[%get3A_242, %get3A_243] {strides = array<i32>} : memref<128x128xi32, #tpu.memory_space<vmem>>, vector<16xi32>,
      %ne3A_245 = arith.constant 0 : i32
      %ne3A_246 = vector.broadcast %ne3A_245 : i32 to vector<16xi32>
      %ne3A_247 = arith.cmpi ne, %get3A_244, %ne3A_246 : vector<16xi32>
      %all_reduce_population_count3A_248 = tpu.all_reduce %ne3A_247 {dim = 0 : i64, kind = #tpu.reduction_kind<sum>} : vector<16xi1> -> vector<16xi32>
      %add3A_249 = arith.addi %add3A_241, %all_reduce_population_count3A_248 : vector<16xi32>
      %get3A_250 = arith.index_cast %add3A_189 : i32 to index
      %get3A_251 = arith.constant 96 : index
      %get3A_252 = tpu.vector_load %arg6[%get3A_250, %get3A_251] {strides = array<i32>} : memref<128x128xi32, #tpu.memory_space<vmem>>, vector<16xi32>,
      %ne3A_253 = arith.constant 0 : i32
      %ne3A_254 = vector.broadcast %ne3A_253 : i32 to vector<16xi32>
      %ne3A_255 = arith.cmpi ne, %get3A_252, %ne3A_254 : vector<16xi32>
      %all_reduce_population_count3A_256 = tpu.all_reduce %ne3A_255 {dim = 0 : i64, kind = #tpu.reduction_kind<sum>} : vector<16xi1> -> vector<16xi32>
      %add3A_257 = arith.addi %add3A_249, %all_reduce_population_count3A_256 : vector<16xi32>
      %get3A_258 = arith.index_cast %add3A_189 : i32 to index
      %get3A_259 = arith.constant 112 : index
      %get3A_260 = tpu.vector_load %arg6[%get3A_258, %get3A_259] {strides = array<i32>} : memref<128x128xi32, #tpu.memory_space<vmem>>, vector<16xi32>,
      %ne3A_261 = arith.constant 0 : i32
      %ne3A_262 = vector.broadcast %ne3A_261 : i32 to vector<16xi32>
      %ne3A_263 = arith.cmpi ne, %get3A_260, %ne3A_262 : vector<16xi32>
      %all_reduce_population_count3A_264 = tpu.all_reduce %ne3A_263 {dim = 0 : i64, kind = #tpu.reduction_kind<sum>} : vector<16xi1> -> vector<16xi32>
      %add3A_265 = arith.addi %add3A_257, %all_reduce_population_count3A_264 : vector<16xi32>
      %get3A_266 = arith.index_cast %add3A_189 : i32 to index
      %get3A_267 = arith.constant 0 : index
      %get3A_268 = tpu.vector_load %arg7[%get3A_266, %get3A_267] {strides = array<i32>} : memref<128x128xi32, #tpu.memory_space<vmem>>, vector<16xi32>,
      %ne3A_269 = arith.constant 0 : i32
      %ne3A_270 = vector.broadcast %ne3A_269 : i32 to vector<16xi32>
      %ne3A_271 = arith.cmpi ne, %get3A_268, %ne3A_270 : vector<16xi32>
      %all_reduce_population_count3A_272 = tpu.all_reduce %ne3A_271 {dim = 0 : i64, kind = #tpu.reduction_kind<sum>} : vector<16xi1> -> vector<16xi32>
      %add3A_273 = arith.addi %add3A_265, %all_reduce_population_count3A_272 : vector<16xi32>
      %get3A_274 = arith.index_cast %add3A_189 : i32 to index
      %get3A_275 = arith.constant 16 : index
      %get3A_276 = tpu.vector_load %arg7[%get3A_274, %get3A_275] {strides = array<i32>} : memref<128x128xi32, #tpu.memory_space<vmem>>, vector<16xi32>,
      %ne3A_277 = arith.constant 0 : i32
      %ne3A_278 = vector.broadcast %ne3A_277 : i32 to vector<16xi32>
      %ne3A_279 = arith.cmpi ne, %get3A_276, %ne3A_278 : vector<16xi32>
      %all_reduce_population_count3A_280 = tpu.all_reduce %ne3A_279 {dim = 0 : i64, kind = #tpu.reduction_kind<sum>} : vector<16xi1> -> vector<16xi32>
      %add3A_281 = arith.addi %add3A_273, %all_reduce_population_count3A_280 : vector<16xi32>
      %get3A_282 = arith.index_cast %add3A_189 : i32 to index
      %get3A_283 = arith.constant 32 : index
      %get3A_284 = tpu.vector_load %arg7[%get3A_282, %get3A_283] {strides = array<i32>} : memref<128x128xi32, #tpu.memory_space<vmem>>, vector<16xi32>,
      %ne3A_285 = arith.constant 0 : i32
      %ne3A_286 = vector.broadcast %ne3A_285 : i32 to vector<16xi32>
      %ne3A_287 = arith.cmpi ne, %get3A_284, %ne3A_286 : vector<16xi32>
      %all_reduce_population_count3A_288 = tpu.all_reduce %ne3A_287 {dim = 0 : i64, kind = #tpu.reduction_kind<sum>} : vector<16xi1> -> vector<16xi32>
      %add3A_289 = arith.addi %add3A_281, %all_reduce_population_count3A_288 : vector<16xi32>
      %get3A_290 = arith.index_cast %add3A_189 : i32 to index
      %get3A_291 = arith.constant 48 : index
      %get3A_292 = tpu.vector_load %arg7[%get3A_290, %get3A_291] {strides = array<i32>} : memref<128x128xi32, #tpu.memory_space<vmem>>, vector<16xi32>,
      %ne3A_293 = arith.constant 0 : i32
      %ne3A_294 = vector.broadcast %ne3A_293 : i32 to vector<16xi32>
      %ne3A_295 = arith.cmpi ne, %get3A_292, %ne3A_294 : vector<16xi32>
      %all_reduce_population_count3A_296 = tpu.all_reduce %ne3A_295 {dim = 0 : i64, kind = #tpu.reduction_kind<sum>} : vector<16xi1> -> vector<16xi32>
      %add3A_297 = arith.addi %add3A_289, %all_reduce_population_count3A_296 : vector<16xi32>
      %iota3A_298 = tpu.iota {dimensions = array<i32: 0>} : vector<16xi32>
      %get3A_299 = arith.index_cast %add3A_189 : i32 to index
      %get3A_300 = arith.constant 56 : index
      %get3A_301 = tpu.vector_load %arg7[%get3A_299, %get3A_300] {strides = array<i32>} : memref<128x128xi32, #tpu.memory_space<vmem>>, vector<16xi32>,
      %ge3A_302 = arith.constant 8 : i32
      %ge3A_303 = vector.broadcast %ge3A_302 : i32 to vector<16xi32>
      %ge3A_304 = arith.cmpi sge, %iota3A_298, %ge3A_303 : vector<16xi32>
      %ne3A_305 = arith.constant 0 : i32
      %ne3A_306 = vector.broadcast %ne3A_305 : i32 to vector<16xi32>
      %ne3A_307 = arith.cmpi ne, %get3A_301, %ne3A_306 : vector<16xi32>
      %and3A_308 = arith.andi %ge3A_304, %ne3A_307 : vector<16xi1>
      %all_reduce_population_count3A_309 = tpu.all_reduce %and3A_308 {dim = 0 : i64, kind = #tpu.reduction_kind<sum>} : vector<16xi1> -> vector<16xi32>
      %add3A_310 = arith.addi %add3A_297, %all_reduce_population_count3A_309 : vector<16xi32>
      %convert_element_type3A_311 = arith.sitofp %add3A_310 : vector<16xi32> to vector<16xf32>
      %broadcast_in_dim3A_312 = arith.constant 1.000000e+00 : f32
      %broadcast_in_dim3A_313 = vector.broadcast %broadcast_in_dim3A_312 : f32 to vector<16xf32>
      %max3A_314 = arith.maximumf %convert_element_type3A_311, %broadcast_in_dim3A_313 : vector<16xf32>
      %div3A_315 = arith.divf %add3A_198, %max3A_314 : vector<16xf32>
      %swap3A_316 = arith.index_cast %add3A_189 : i32 to index
      %swap3A_317 = arith.constant 0 : index
      %swap3A_318 = tpu.vector_load %arg10[%swap3A_316, %swap3A_317] {strides = array<i32>} : memref<128x32xf32, #tpu.memory_space<vmem>>, vector<16xf32>,
      tpu.vector_store %arg10[%swap3A_316, %swap3A_317], %div3A_315 {strides = array<i32>} : memref<128x32xf32, #tpu.memory_space<vmem>>, vector<16xf32>,
      %div3A_319 = arith.divf %add3A_199, %max3A_314 : vector<16xf32>
      %swap3A_320 = arith.index_cast %add3A_189 : i32 to index
      %swap3A_321 = arith.constant 16 : index
      %swap3A_322 = tpu.vector_load %arg10[%swap3A_320, %swap3A_321] {strides = array<i32>} : memref<128x32xf32, #tpu.memory_space<vmem>>, vector<16xf32>,
      tpu.vector_store %arg10[%swap3A_320, %swap3A_321], %div3A_319 {strides = array<i32>} : memref<128x32xf32, #tpu.memory_space<vmem>>, vector<16xf32>,
    }
    %scan3A_26 = arith.constant 64 : i32
    "tpu.region"() ({
      %run_scoped3A = tpu.sem_alloc : memref<!tpu.dma_semaphore, #tpu.memory_space<semaphore_mem>>
      %dma_start3A_27 = arith.constant 0 : i32
      %dma_start3A_28 = tpu.memref_slice %arg5[%mul3A_2, %dma_start3A_27] : memref<4096x32xf32, #tpu.memory_space<hbm>> -> memref<128x32xf32, #tpu.memory_space<hbm>>
      %dma_start3A_29 = arith.constant 0 : i32
      %dma_start3A_30 = tpu.memref_slice %arg5[%mul3A_2, %dma_start3A_29] : memref<4096x32xf32, #tpu.memory_space<hbm>> -> memref<128x32xf32, #tpu.memory_space<hbm>>
      tpu.enqueue_dma source(%arg10 : memref<128x32xf32, #tpu.memory_space<vmem>>) target(%dma_start3A_30 : memref<128x32xf32, #tpu.memory_space<hbm>>) target_semaphore(%run_scoped3A : memref<!tpu.dma_semaphore, #tpu.memory_space<semaphore_mem>>)
      %dma_wait3A = arith.constant 0 : i32
      %dma_wait3A_31 = tpu.memref_slice %arg5[%mul3A_2, %dma_wait3A] : memref<4096x32xf32, #tpu.memory_space<hbm>> -> memref<128x32xf32, #tpu.memory_space<hbm>>
      %dma_wait3A_32 = arith.constant 0 : i32
      %dma_wait3A_33 = tpu.memref_slice %arg5[%mul3A_2, %dma_wait3A_32] : memref<4096x32xf32, #tpu.memory_space<hbm>> -> memref<128x32xf32, #tpu.memory_space<hbm>>
      tpu.wait_dma2 semaphore(%run_scoped3A : memref<!tpu.dma_semaphore, #tpu.memory_space<semaphore_mem>>) src(%arg10 : memref<128x32xf32, #tpu.memory_space<vmem>>) dst(%dma_wait3A_33 : memref<128x32xf32, #tpu.memory_space<hbm>>)
      tpu.yield
    }) : () -> ()
    return
  }
}

module attributes {stable_mosaic.version = 14 : i64} {
  func.func @body(%arg0: i32, %arg1: memref<512x256xi32, #tpu.memory_space<vmem>>, %arg2: memref<512x128xi32, #tpu.memory_space<vmem>>, %arg3: memref<512x128xi32, #tpu.memory_space<vmem>>) attributes {dimension_semantics = [#tpu.dimension_semantics<arbitrary>], iteration_bounds = array<i64: 8>, scalar_prefetch = 0 : i64, scratch_operands = 0 : i64, tpu.core_type = #tpu.core_type<tc>, window_params = [{transform_indices = @transform_0, window_bounds = array<i64: 512, 256>}, {transform_indices = @transform_1, window_bounds = array<i64: 512, 128>}, {transform_indices = @transform_2, window_bounds = array<i64: 512, 128>}]} {
    %get3A = arith.constant 0 : index
    %get3A_0 = arith.constant 0 : index
    %get3A_1 = vector.load %arg1[%get3A, %get3A_0] : memref<512x256xi32, #tpu.memory_space<vmem>>, vector<512x256xi32>
    %and3A = arith.constant -512 : i32
    %and3A_2 = vector.broadcast %and3A : i32 to vector<512x256xi32>
    %and3A_3 = arith.andi %get3A_1, %and3A_2 : vector<512x256xi32>
    %and3A_4 = arith.constant 127 : i32
    %and3A_5 = vector.broadcast %and3A_4 : i32 to vector<512x256xi32>
    %and3A_6 = arith.andi %get3A_1, %and3A_5 : vector<512x256xi32>
    %shift_left3A = arith.constant 2 : i32
    %shift_left3A_7 = vector.broadcast %shift_left3A : i32 to vector<512x256xi32>
    %shift_left3A_8 = arith.shli %and3A_6, %shift_left3A_7 : vector<512x256xi32>
    %add3A = arith.addi %and3A_3, %shift_left3A_8 : vector<512x256xi32>
    %shift_right_arithmetic3A = arith.constant 7 : i32
    %shift_right_arithmetic3A_9 = vector.broadcast %shift_right_arithmetic3A : i32 to vector<512x256xi32>
    %shift_right_arithmetic3A_10 = arith.shrsi %get3A_1, %shift_right_arithmetic3A_9 : vector<512x256xi32>
    %and3A_11 = arith.constant 3 : i32
    %and3A_12 = vector.broadcast %and3A_11 : i32 to vector<512x256xi32>
    %and3A_13 = arith.andi %shift_right_arithmetic3A_10, %and3A_12 : vector<512x256xi32>
    %add3A_14 = arith.addi %add3A, %and3A_13 : vector<512x256xi32>
    %slice3A = vector.extract_strided_slice %add3A_14 {offsets = [0, 0], sizes = [512, 128], strides = [1, 1]} : vector<512x256xi32> to vector<512x128xi32>
    %swap3A = arith.constant 0 : index
    %swap3A_15 = arith.constant 0 : index
    %swap3A_16 = vector.load %arg2[%swap3A, %swap3A_15] : memref<512x128xi32, #tpu.memory_space<vmem>>, vector<512x128xi32>
    tpu.vector_store %arg2[%swap3A, %swap3A_15], %slice3A {strides = array<i32>} : memref<512x128xi32, #tpu.memory_space<vmem>>, vector<512x128xi32>,
    %slice3A_17 = vector.extract_strided_slice %add3A_14 {offsets = [0, 128], sizes = [512, 128], strides = [1, 1]} : vector<512x256xi32> to vector<512x128xi32>
    %swap3A_18 = arith.constant 0 : index
    %swap3A_19 = arith.constant 0 : index
    %swap3A_20 = vector.load %arg3[%swap3A_18, %swap3A_19] : memref<512x128xi32, #tpu.memory_space<vmem>>, vector<512x128xi32>
    tpu.vector_store %arg3[%swap3A_18, %swap3A_19], %slice3A_17 {strides = array<i32>} : memref<512x128xi32, #tpu.memory_space<vmem>>, vector<512x128xi32>,
    return
  }
  func.func @transform_0(%arg0: i32) -> (i32, i32) {
    %c0_i32 = arith.constant 0 : i32
    %c0_i32_0 = arith.constant 0 : i32
    return %arg0, %c0_i32 : i32, i32
  }
  func.func @transform_1(%arg0: i32) -> (i32, i32) {
    %c0_i32 = arith.constant 0 : i32
    %c0_i32_0 = arith.constant 0 : i32
    return %arg0, %c0_i32 : i32, i32
  }
  func.func @transform_2(%arg0: i32) -> (i32, i32) {
    %c0_i32 = arith.constant 0 : i32
    %c0_i32_0 = arith.constant 0 : i32
    return %arg0, %c0_i32 : i32, i32
  }
}

module attributes {stable_mosaic.version = 14 : i64} {
  func.func @body(%arg0: i32, %arg1: memref<32x65536xf32, #tpu.memory_space<vmem>>, %arg2: memref<16384x128xf32, #tpu.memory_space<vmem>>) attributes {dimension_semantics = [#tpu.dimension_semantics<parallel>], iteration_bounds = array<i64: 16>, scalar_prefetch = 0 : i64, scratch_operands = 0 : i64, tpu.core_type = #tpu.core_type<tc>, window_params = [{transform_indices = @transform_0, window_bounds = array<i64: 32, 65536>}, {transform_indices = @transform_1, window_bounds = array<i64: 16384, 128>}]} {
    %get3A = arith.constant 0 : index
    %get3A_0 = arith.constant 0 : index
    %get3A_1 = vector.load %arg1[%get3A, %get3A_0] : memref<32x65536xf32, #tpu.memory_space<vmem>>, vector<32x512xf32>
    %slice3A = vector.extract_strided_slice %get3A_1 {offsets = [0, 0], sizes = [32, 128], strides = [1, 1]} : vector<32x512xf32> to vector<32x128xf32>
    %slice3A_2 = vector.extract_strided_slice %get3A_1 {offsets = [0, 128], sizes = [32, 128], strides = [1, 1]} : vector<32x512xf32> to vector<32x128xf32>
    %slice3A_3 = vector.extract_strided_slice %get3A_1 {offsets = [0, 256], sizes = [32, 128], strides = [1, 1]} : vector<32x512xf32> to vector<32x128xf32>
    %slice3A_4 = vector.extract_strided_slice %get3A_1 {offsets = [0, 384], sizes = [32, 128], strides = [1, 1]} : vector<32x512xf32> to vector<32x128xf32>
    %concatenate3A = tpu.concatenate %slice3A, %slice3A_2, %slice3A_3, %slice3A_4 in 0 : vector<32x128xf32>, vector<32x128xf32>, vector<32x128xf32>, vector<32x128xf32> -> vector<128x128xf32>
    %transpose3A = tpu.transpose %concatenate3A, [1, 0] : vector<128x128xf32> -> vector<128x128xf32>
    %swap3A = arith.constant 0 : index
    %swap3A_5 = arith.constant 0 : index
    %swap3A_6 = vector.load %arg2[%swap3A, %swap3A_5] : memref<16384x128xf32, #tpu.memory_space<vmem>>, vector<128x128xf32>
    tpu.vector_store %arg2[%swap3A, %swap3A_5], %transpose3A {strides = array<i32>} : memref<16384x128xf32, #tpu.memory_space<vmem>>, vector<128x128xf32>,
    %get3A_7 = arith.constant 0 : index
    %get3A_8 = arith.constant 512 : index
    %get3A_9 = vector.load %arg1[%get3A_7, %get3A_8] : memref<32x65536xf32, #tpu.memory_space<vmem>>, vector<32x512xf32>
    %slice3A_10 = vector.extract_strided_slice %get3A_9 {offsets = [0, 0], sizes = [32, 128], strides = [1, 1]} : vector<32x512xf32> to vector<32x128xf32>
    %slice3A_11 = vector.extract_strided_slice %get3A_9 {offsets = [0, 128], sizes = [32, 128], strides = [1, 1]} : vector<32x512xf32> to vector<32x128xf32>
    %slice3A_12 = vector.extract_strided_slice %get3A_9 {offsets = [0, 256], sizes = [32, 128], strides = [1, 1]} : vector<32x512xf32> to vector<32x128xf32>
    %slice3A_13 = vector.extract_strided_slice %get3A_9 {offsets = [0, 384], sizes = [32, 128], strides = [1, 1]} : vector<32x512xf32> to vector<32x128xf32>
    %concatenate3A_14 = tpu.concatenate %slice3A_10, %slice3A_11, %slice3A_12, %slice3A_13 in 0 : vector<32x128xf32>, vector<32x128xf32>, vector<32x128xf32>, vector<32x128xf32> -> vector<128x128xf32>
    %transpose3A_15 = tpu.transpose %concatenate3A_14, [1, 0] : vector<128x128xf32> -> vector<128x128xf32>
    %swap3A_16 = arith.constant 128 : index
    %swap3A_17 = arith.constant 0 : index
    %swap3A_18 = vector.load %arg2[%swap3A_16, %swap3A_17] : memref<16384x128xf32, #tpu.memory_space<vmem>>, vector<128x128xf32>
    tpu.vector_store %arg2[%swap3A_16, %swap3A_17], %transpose3A_15 {strides = array<i32>} : memref<16384x128xf32, #tpu.memory_space<vmem>>, vector<128x128xf32>,
    %get3A_19 = arith.constant 0 : index
    %get3A_20 = arith.constant 1024 : index
    %get3A_21 = vector.load %arg1[%get3A_19, %get3A_20] : memref<32x65536xf32, #tpu.memory_space<vmem>>, vector<32x512xf32>
    %slice3A_22 = vector.extract_strided_slice %get3A_21 {offsets = [0, 0], sizes = [32, 128], strides = [1, 1]} : vector<32x512xf32> to vector<32x128xf32>
    %slice3A_23 = vector.extract_strided_slice %get3A_21 {offsets = [0, 128], sizes = [32, 128], strides = [1, 1]} : vector<32x512xf32> to vector<32x128xf32>
    %slice3A_24 = vector.extract_strided_slice %get3A_21 {offsets = [0, 256], sizes = [32, 128], strides = [1, 1]} : vector<32x512xf32> to vector<32x128xf32>
    %slice3A_25 = vector.extract_strided_slice %get3A_21 {offsets = [0, 384], sizes = [32, 128], strides = [1, 1]} : vector<32x512xf32> to vector<32x128xf32>
    %concatenate3A_26 = tpu.concatenate %slice3A_22, %slice3A_23, %slice3A_24, %slice3A_25 in 0 : vector<32x128xf32>, vector<32x128xf32>, vector<32x128xf32>, vector<32x128xf32> -> vector<128x128xf32>
    %transpose3A_27 = tpu.transpose %concatenate3A_26, [1, 0] : vector<128x128xf32> -> vector<128x128xf32>
    %swap3A_28 = arith.constant 256 : index
    %swap3A_29 = arith.constant 0 : index
    %swap3A_30 = vector.load %arg2[%swap3A_28, %swap3A_29] : memref<16384x128xf32, #tpu.memory_space<vmem>>, vector<128x128xf32>
    tpu.vector_store %arg2[%swap3A_28, %swap3A_29], %transpose3A_27 {strides = array<i32>} : memref<16384x128xf32, #tpu.memory_space<vmem>>, vector<128x128xf32>,
    %get3A_31 = arith.constant 0 : index
    %get3A_32 = arith.constant 1536 : index
    %get3A_33 = vector.load %arg1[%get3A_31, %get3A_32] : memref<32x65536xf32, #tpu.memory_space<vmem>>, vector<32x512xf32>
    %slice3A_34 = vector.extract_strided_slice %get3A_33 {offsets = [0, 0], sizes = [32, 128], strides = [1, 1]} : vector<32x512xf32> to vector<32x128xf32>
    %slice3A_35 = vector.extract_strided_slice %get3A_33 {offsets = [0, 128], sizes = [32, 128], strides = [1, 1]} : vector<32x512xf32> to vector<32x128xf32>
    %slice3A_36 = vector.extract_strided_slice %get3A_33 {offsets = [0, 256], sizes = [32, 128], strides = [1, 1]} : vector<32x512xf32> to vector<32x128xf32>
    %slice3A_37 = vector.extract_strided_slice %get3A_33 {offsets = [0, 384], sizes = [32, 128], strides = [1, 1]} : vector<32x512xf32> to vector<32x128xf32>
    %concatenate3A_38 = tpu.concatenate %slice3A_34, %slice3A_35, %slice3A_36, %slice3A_37 in 0 : vector<32x128xf32>, vector<32x128xf32>, vector<32x128xf32>, vector<32x128xf32> -> vector<128x128xf32>
    %transpose3A_39 = tpu.transpose %concatenate3A_38, [1, 0] : vector<128x128xf32> -> vector<128x128xf32>
    %swap3A_40 = arith.constant 384 : index
    %swap3A_41 = arith.constant 0 : index
    %swap3A_42 = vector.load %arg2[%swap3A_40, %swap3A_41] : memref<16384x128xf32, #tpu.memory_space<vmem>>, vector<128x128xf32>
    tpu.vector_store %arg2[%swap3A_40, %swap3A_41], %transpose3A_39 {strides = array<i32>} : memref<16384x128xf32, #tpu.memory_space<vmem>>, vector<128x128xf32>,
    %get3A_43 = arith.constant 0 : index
    %get3A_44 = arith.constant 2048 : index
    %get3A_45 = vector.load %arg1[%get3A_43, %get3A_44] : memref<32x65536xf32, #tpu.memory_space<vmem>>, vector<32x512xf32>
    %slice3A_46 = vector.extract_strided_slice %get3A_45 {offsets = [0, 0], sizes = [32, 128], strides = [1, 1]} : vector<32x512xf32> to vector<32x128xf32>
    %slice3A_47 = vector.extract_strided_slice %get3A_45 {offsets = [0, 128], sizes = [32, 128], strides = [1, 1]} : vector<32x512xf32> to vector<32x128xf32>
    %slice3A_48 = vector.extract_strided_slice %get3A_45 {offsets = [0, 256], sizes = [32, 128], strides = [1, 1]} : vector<32x512xf32> to vector<32x128xf32>
    %slice3A_49 = vector.extract_strided_slice %get3A_45 {offsets = [0, 384], sizes = [32, 128], strides = [1, 1]} : vector<32x512xf32> to vector<32x128xf32>
    %concatenate3A_50 = tpu.concatenate %slice3A_46, %slice3A_47, %slice3A_48, %slice3A_49 in 0 : vector<32x128xf32>, vector<32x128xf32>, vector<32x128xf32>, vector<32x128xf32> -> vector<128x128xf32>
    %transpose3A_51 = tpu.transpose %concatenate3A_50, [1, 0] : vector<128x128xf32> -> vector<128x128xf32>
    %swap3A_52 = arith.constant 512 : index
    %swap3A_53 = arith.constant 0 : index
    %swap3A_54 = vector.load %arg2[%swap3A_52, %swap3A_53] : memref<16384x128xf32, #tpu.memory_space<vmem>>, vector<128x128xf32>
    tpu.vector_store %arg2[%swap3A_52, %swap3A_53], %transpose3A_51 {strides = array<i32>} : memref<16384x128xf32, #tpu.memory_space<vmem>>, vector<128x128xf32>,
    %get3A_55 = arith.constant 0 : index
    %get3A_56 = arith.constant 2560 : index
    %get3A_57 = vector.load %arg1[%get3A_55, %get3A_56] : memref<32x65536xf32, #tpu.memory_space<vmem>>, vector<32x512xf32>
    %slice3A_58 = vector.extract_strided_slice %get3A_57 {offsets = [0, 0], sizes = [32, 128], strides = [1, 1]} : vector<32x512xf32> to vector<32x128xf32>
    %slice3A_59 = vector.extract_strided_slice %get3A_57 {offsets = [0, 128], sizes = [32, 128], strides = [1, 1]} : vector<32x512xf32> to vector<32x128xf32>
    %slice3A_60 = vector.extract_strided_slice %get3A_57 {offsets = [0, 256], sizes = [32, 128], strides = [1, 1]} : vector<32x512xf32> to vector<32x128xf32>
    %slice3A_61 = vector.extract_strided_slice %get3A_57 {offsets = [0, 384], sizes = [32, 128], strides = [1, 1]} : vector<32x512xf32> to vector<32x128xf32>
    %concatenate3A_62 = tpu.concatenate %slice3A_58, %slice3A_59, %slice3A_60, %slice3A_61 in 0 : vector<32x128xf32>, vector<32x128xf32>, vector<32x128xf32>, vector<32x128xf32> -> vector<128x128xf32>
    %transpose3A_63 = tpu.transpose %concatenate3A_62, [1, 0] : vector<128x128xf32> -> vector<128x128xf32>
    %swap3A_64 = arith.constant 640 : index
    %swap3A_65 = arith.constant 0 : index
    %swap3A_66 = vector.load %arg2[%swap3A_64, %swap3A_65] : memref<16384x128xf32, #tpu.memory_space<vmem>>, vector<128x128xf32>
    tpu.vector_store %arg2[%swap3A_64, %swap3A_65], %transpose3A_63 {strides = array<i32>} : memref<16384x128xf32, #tpu.memory_space<vmem>>, vector<128x128xf32>,
    %get3A_67 = arith.constant 0 : index
    %get3A_68 = arith.constant 3072 : index
    %get3A_69 = vector.load %arg1[%get3A_67, %get3A_68] : memref<32x65536xf32, #tpu.memory_space<vmem>>, vector<32x512xf32>
    %slice3A_70 = vector.extract_strided_slice %get3A_69 {offsets = [0, 0], sizes = [32, 128], strides = [1, 1]} : vector<32x512xf32> to vector<32x128xf32>
    %slice3A_71 = vector.extract_strided_slice %get3A_69 {offsets = [0, 128], sizes = [32, 128], strides = [1, 1]} : vector<32x512xf32> to vector<32x128xf32>
    %slice3A_72 = vector.extract_strided_slice %get3A_69 {offsets = [0, 256], sizes = [32, 128], strides = [1, 1]} : vector<32x512xf32> to vector<32x128xf32>
    %slice3A_73 = vector.extract_strided_slice %get3A_69 {offsets = [0, 384], sizes = [32, 128], strides = [1, 1]} : vector<32x512xf32> to vector<32x128xf32>
    %concatenate3A_74 = tpu.concatenate %slice3A_70, %slice3A_71, %slice3A_72, %slice3A_73 in 0 : vector<32x128xf32>, vector<32x128xf32>, vector<32x128xf32>, vector<32x128xf32> -> vector<128x128xf32>
    %transpose3A_75 = tpu.transpose %concatenate3A_74, [1, 0] : vector<128x128xf32> -> vector<128x128xf32>
    %swap3A_76 = arith.constant 768 : index
    %swap3A_77 = arith.constant 0 : index
    %swap3A_78 = vector.load %arg2[%swap3A_76, %swap3A_77] : memref<16384x128xf32, #tpu.memory_space<vmem>>, vector<128x128xf32>
    tpu.vector_store %arg2[%swap3A_76, %swap3A_77], %transpose3A_75 {strides = array<i32>} : memref<16384x128xf32, #tpu.memory_space<vmem>>, vector<128x128xf32>,
    %get3A_79 = arith.constant 0 : index
    %get3A_80 = arith.constant 3584 : index
    %get3A_81 = vector.load %arg1[%get3A_79, %get3A_80] : memref<32x65536xf32, #tpu.memory_space<vmem>>, vector<32x512xf32>
    %slice3A_82 = vector.extract_strided_slice %get3A_81 {offsets = [0, 0], sizes = [32, 128], strides = [1, 1]} : vector<32x512xf32> to vector<32x128xf32>
    %slice3A_83 = vector.extract_strided_slice %get3A_81 {offsets = [0, 128], sizes = [32, 128], strides = [1, 1]} : vector<32x512xf32> to vector<32x128xf32>
    %slice3A_84 = vector.extract_strided_slice %get3A_81 {offsets = [0, 256], sizes = [32, 128], strides = [1, 1]} : vector<32x512xf32> to vector<32x128xf32>
    %slice3A_85 = vector.extract_strided_slice %get3A_81 {offsets = [0, 384], sizes = [32, 128], strides = [1, 1]} : vector<32x512xf32> to vector<32x128xf32>
    %concatenate3A_86 = tpu.concatenate %slice3A_82, %slice3A_83, %slice3A_84, %slice3A_85 in 0 : vector<32x128xf32>, vector<32x128xf32>, vector<32x128xf32>, vector<32x128xf32> -> vector<128x128xf32>
    %transpose3A_87 = tpu.transpose %concatenate3A_86, [1, 0] : vector<128x128xf32> -> vector<128x128xf32>
    %swap3A_88 = arith.constant 896 : index
    %swap3A_89 = arith.constant 0 : index
    %swap3A_90 = vector.load %arg2[%swap3A_88, %swap3A_89] : memref<16384x128xf32, #tpu.memory_space<vmem>>, vector<128x128xf32>
    tpu.vector_store %arg2[%swap3A_88, %swap3A_89], %transpose3A_87 {strides = array<i32>} : memref<16384x128xf32, #tpu.memory_space<vmem>>, vector<128x128xf32>,
    %get3A_91 = arith.constant 0 : index
    %get3A_92 = arith.constant 4096 : index
    %get3A_93 = vector.load %arg1[%get3A_91, %get3A_92] : memref<32x65536xf32, #tpu.memory_space<vmem>>, vector<32x512xf32>
    %slice3A_94 = vector.extract_strided_slice %get3A_93 {offsets = [0, 0], sizes = [32, 128], strides = [1, 1]} : vector<32x512xf32> to vector<32x128xf32>
    %slice3A_95 = vector.extract_strided_slice %get3A_93 {offsets = [0, 128], sizes = [32, 128], strides = [1, 1]} : vector<32x512xf32> to vector<32x128xf32>
    %slice3A_96 = vector.extract_strided_slice %get3A_93 {offsets = [0, 256], sizes = [32, 128], strides = [1, 1]} : vector<32x512xf32> to vector<32x128xf32>
    %slice3A_97 = vector.extract_strided_slice %get3A_93 {offsets = [0, 384], sizes = [32, 128], strides = [1, 1]} : vector<32x512xf32> to vector<32x128xf32>
    %concatenate3A_98 = tpu.concatenate %slice3A_94, %slice3A_95, %slice3A_96, %slice3A_97 in 0 : vector<32x128xf32>, vector<32x128xf32>, vector<32x128xf32>, vector<32x128xf32> -> vector<128x128xf32>
    %transpose3A_99 = tpu.transpose %concatenate3A_98, [1, 0] : vector<128x128xf32> -> vector<128x128xf32>
    %swap3A_100 = arith.constant 1024 : index
    %swap3A_101 = arith.constant 0 : index
    %swap3A_102 = vector.load %arg2[%swap3A_100, %swap3A_101] : memref<16384x128xf32, #tpu.memory_space<vmem>>, vector<128x128xf32>
    tpu.vector_store %arg2[%swap3A_100, %swap3A_101], %transpose3A_99 {strides = array<i32>} : memref<16384x128xf32, #tpu.memory_space<vmem>>, vector<128x128xf32>,
    %get3A_103 = arith.constant 0 : index
    %get3A_104 = arith.constant 4608 : index
    %get3A_105 = vector.load %arg1[%get3A_103, %get3A_104] : memref<32x65536xf32, #tpu.memory_space<vmem>>, vector<32x512xf32>
    %slice3A_106 = vector.extract_strided_slice %get3A_105 {offsets = [0, 0], sizes = [32, 128], strides = [1, 1]} : vector<32x512xf32> to vector<32x128xf32>
    %slice3A_107 = vector.extract_strided_slice %get3A_105 {offsets = [0, 128], sizes = [32, 128], strides = [1, 1]} : vector<32x512xf32> to vector<32x128xf32>
    %slice3A_108 = vector.extract_strided_slice %get3A_105 {offsets = [0, 256], sizes = [32, 128], strides = [1, 1]} : vector<32x512xf32> to vector<32x128xf32>
    %slice3A_109 = vector.extract_strided_slice %get3A_105 {offsets = [0, 384], sizes = [32, 128], strides = [1, 1]} : vector<32x512xf32> to vector<32x128xf32>
    %concatenate3A_110 = tpu.concatenate %slice3A_106, %slice3A_107, %slice3A_108, %slice3A_109 in 0 : vector<32x128xf32>, vector<32x128xf32>, vector<32x128xf32>, vector<32x128xf32> -> vector<128x128xf32>
    %transpose3A_111 = tpu.transpose %concatenate3A_110, [1, 0] : vector<128x128xf32> -> vector<128x128xf32>
    %swap3A_112 = arith.constant 1152 : index
    %swap3A_113 = arith.constant 0 : index
    %swap3A_114 = vector.load %arg2[%swap3A_112, %swap3A_113] : memref<16384x128xf32, #tpu.memory_space<vmem>>, vector<128x128xf32>
    tpu.vector_store %arg2[%swap3A_112, %swap3A_113], %transpose3A_111 {strides = array<i32>} : memref<16384x128xf32, #tpu.memory_space<vmem>>, vector<128x128xf32>,
    %get3A_115 = arith.constant 0 : index
    %get3A_116 = arith.constant 5120 : index
    %get3A_117 = vector.load %arg1[%get3A_115, %get3A_116] : memref<32x65536xf32, #tpu.memory_space<vmem>>, vector<32x512xf32>
    %slice3A_118 = vector.extract_strided_slice %get3A_117 {offsets = [0, 0], sizes = [32, 128], strides = [1, 1]} : vector<32x512xf32> to vector<32x128xf32>
    %slice3A_119 = vector.extract_strided_slice %get3A_117 {offsets = [0, 128], sizes = [32, 128], strides = [1, 1]} : vector<32x512xf32> to vector<32x128xf32>
    %slice3A_120 = vector.extract_strided_slice %get3A_117 {offsets = [0, 256], sizes = [32, 128], strides = [1, 1]} : vector<32x512xf32> to vector<32x128xf32>
    %slice3A_121 = vector.extract_strided_slice %get3A_117 {offsets = [0, 384], sizes = [32, 128], strides = [1, 1]} : vector<32x512xf32> to vector<32x128xf32>
    %concatenate3A_122 = tpu.concatenate %slice3A_118, %slice3A_119, %slice3A_120, %slice3A_121 in 0 : vector<32x128xf32>, vector<32x128xf32>, vector<32x128xf32>, vector<32x128xf32> -> vector<128x128xf32>
    %transpose3A_123 = tpu.transpose %concatenate3A_122, [1, 0] : vector<128x128xf32> -> vector<128x128xf32>
    %swap3A_124 = arith.constant 1280 : index
    %swap3A_125 = arith.constant 0 : index
    %swap3A_126 = vector.load %arg2[%swap3A_124, %swap3A_125] : memref<16384x128xf32, #tpu.memory_space<vmem>>, vector<128x128xf32>
    tpu.vector_store %arg2[%swap3A_124, %swap3A_125], %transpose3A_123 {strides = array<i32>} : memref<16384x128xf32, #tpu.memory_space<vmem>>, vector<128x128xf32>,
    %get3A_127 = arith.constant 0 : index
    %get3A_128 = arith.constant 5632 : index
    %get3A_129 = vector.load %arg1[%get3A_127, %get3A_128] : memref<32x65536xf32, #tpu.memory_space<vmem>>, vector<32x512xf32>
    %slice3A_130 = vector.extract_strided_slice %get3A_129 {offsets = [0, 0], sizes = [32, 128], strides = [1, 1]} : vector<32x512xf32> to vector<32x128xf32>
    %slice3A_131 = vector.extract_strided_slice %get3A_129 {offsets = [0, 128], sizes = [32, 128], strides = [1, 1]} : vector<32x512xf32> to vector<32x128xf32>
    %slice3A_132 = vector.extract_strided_slice %get3A_129 {offsets = [0, 256], sizes = [32, 128], strides = [1, 1]} : vector<32x512xf32> to vector<32x128xf32>
    %slice3A_133 = vector.extract_strided_slice %get3A_129 {offsets = [0, 384], sizes = [32, 128], strides = [1, 1]} : vector<32x512xf32> to vector<32x128xf32>
    %concatenate3A_134 = tpu.concatenate %slice3A_130, %slice3A_131, %slice3A_132, %slice3A_133 in 0 : vector<32x128xf32>, vector<32x128xf32>, vector<32x128xf32>, vector<32x128xf32> -> vector<128x128xf32>
    %transpose3A_135 = tpu.transpose %concatenate3A_134, [1, 0] : vector<128x128xf32> -> vector<128x128xf32>
    %swap3A_136 = arith.constant 1408 : index
    %swap3A_137 = arith.constant 0 : index
    %swap3A_138 = vector.load %arg2[%swap3A_136, %swap3A_137] : memref<16384x128xf32, #tpu.memory_space<vmem>>, vector<128x128xf32>
    tpu.vector_store %arg2[%swap3A_136, %swap3A_137], %transpose3A_135 {strides = array<i32>} : memref<16384x128xf32, #tpu.memory_space<vmem>>, vector<128x128xf32>,
    %get3A_139 = arith.constant 0 : index
    %get3A_140 = arith.constant 6144 : index
    %get3A_141 = vector.load %arg1[%get3A_139, %get3A_140] : memref<32x65536xf32, #tpu.memory_space<vmem>>, vector<32x512xf32>
    %slice3A_142 = vector.extract_strided_slice %get3A_141 {offsets = [0, 0], sizes = [32, 128], strides = [1, 1]} : vector<32x512xf32> to vector<32x128xf32>
    %slice3A_143 = vector.extract_strided_slice %get3A_141 {offsets = [0, 128], sizes = [32, 128], strides = [1, 1]} : vector<32x512xf32> to vector<32x128xf32>
    %slice3A_144 = vector.extract_strided_slice %get3A_141 {offsets = [0, 256], sizes = [32, 128], strides = [1, 1]} : vector<32x512xf32> to vector<32x128xf32>
    %slice3A_145 = vector.extract_strided_slice %get3A_141 {offsets = [0, 384], sizes = [32, 128], strides = [1, 1]} : vector<32x512xf32> to vector<32x128xf32>
    %concatenate3A_146 = tpu.concatenate %slice3A_142, %slice3A_143, %slice3A_144, %slice3A_145 in 0 : vector<32x128xf32>, vector<32x128xf32>, vector<32x128xf32>, vector<32x128xf32> -> vector<128x128xf32>
    %transpose3A_147 = tpu.transpose %concatenate3A_146, [1, 0] : vector<128x128xf32> -> vector<128x128xf32>
    %swap3A_148 = arith.constant 1536 : index
    %swap3A_149 = arith.constant 0 : index
    %swap3A_150 = vector.load %arg2[%swap3A_148, %swap3A_149] : memref<16384x128xf32, #tpu.memory_space<vmem>>, vector<128x128xf32>
    tpu.vector_store %arg2[%swap3A_148, %swap3A_149], %transpose3A_147 {strides = array<i32>} : memref<16384x128xf32, #tpu.memory_space<vmem>>, vector<128x128xf32>,
    %get3A_151 = arith.constant 0 : index
    %get3A_152 = arith.constant 6656 : index
    %get3A_153 = vector.load %arg1[%get3A_151, %get3A_152] : memref<32x65536xf32, #tpu.memory_space<vmem>>, vector<32x512xf32>
    %slice3A_154 = vector.extract_strided_slice %get3A_153 {offsets = [0, 0], sizes = [32, 128], strides = [1, 1]} : vector<32x512xf32> to vector<32x128xf32>
    %slice3A_155 = vector.extract_strided_slice %get3A_153 {offsets = [0, 128], sizes = [32, 128], strides = [1, 1]} : vector<32x512xf32> to vector<32x128xf32>
    %slice3A_156 = vector.extract_strided_slice %get3A_153 {offsets = [0, 256], sizes = [32, 128], strides = [1, 1]} : vector<32x512xf32> to vector<32x128xf32>
    %slice3A_157 = vector.extract_strided_slice %get3A_153 {offsets = [0, 384], sizes = [32, 128], strides = [1, 1]} : vector<32x512xf32> to vector<32x128xf32>
    %concatenate3A_158 = tpu.concatenate %slice3A_154, %slice3A_155, %slice3A_156, %slice3A_157 in 0 : vector<32x128xf32>, vector<32x128xf32>, vector<32x128xf32>, vector<32x128xf32> -> vector<128x128xf32>
    %transpose3A_159 = tpu.transpose %concatenate3A_158, [1, 0] : vector<128x128xf32> -> vector<128x128xf32>
    %swap3A_160 = arith.constant 1664 : index
    %swap3A_161 = arith.constant 0 : index
    %swap3A_162 = vector.load %arg2[%swap3A_160, %swap3A_161] : memref<16384x128xf32, #tpu.memory_space<vmem>>, vector<128x128xf32>
    tpu.vector_store %arg2[%swap3A_160, %swap3A_161], %transpose3A_159 {strides = array<i32>} : memref<16384x128xf32, #tpu.memory_space<vmem>>, vector<128x128xf32>,
    %get3A_163 = arith.constant 0 : index
    %get3A_164 = arith.constant 7168 : index
    %get3A_165 = vector.load %arg1[%get3A_163, %get3A_164] : memref<32x65536xf32, #tpu.memory_space<vmem>>, vector<32x512xf32>
    %slice3A_166 = vector.extract_strided_slice %get3A_165 {offsets = [0, 0], sizes = [32, 128], strides = [1, 1]} : vector<32x512xf32> to vector<32x128xf32>
    %slice3A_167 = vector.extract_strided_slice %get3A_165 {offsets = [0, 128], sizes = [32, 128], strides = [1, 1]} : vector<32x512xf32> to vector<32x128xf32>
    %slice3A_168 = vector.extract_strided_slice %get3A_165 {offsets = [0, 256], sizes = [32, 128], strides = [1, 1]} : vector<32x512xf32> to vector<32x128xf32>
    %slice3A_169 = vector.extract_strided_slice %get3A_165 {offsets = [0, 384], sizes = [32, 128], strides = [1, 1]} : vector<32x512xf32> to vector<32x128xf32>
    %concatenate3A_170 = tpu.concatenate %slice3A_166, %slice3A_167, %slice3A_168, %slice3A_169 in 0 : vector<32x128xf32>, vector<32x128xf32>, vector<32x128xf32>, vector<32x128xf32> -> vector<128x128xf32>
    %transpose3A_171 = tpu.transpose %concatenate3A_170, [1, 0] : vector<128x128xf32> -> vector<128x128xf32>
    %swap3A_172 = arith.constant 1792 : index
    %swap3A_173 = arith.constant 0 : index
    %swap3A_174 = vector.load %arg2[%swap3A_172, %swap3A_173] : memref<16384x128xf32, #tpu.memory_space<vmem>>, vector<128x128xf32>
    tpu.vector_store %arg2[%swap3A_172, %swap3A_173], %transpose3A_171 {strides = array<i32>} : memref<16384x128xf32, #tpu.memory_space<vmem>>, vector<128x128xf32>,
    %get3A_175 = arith.constant 0 : index
    %get3A_176 = arith.constant 7680 : index
    %get3A_177 = vector.load %arg1[%get3A_175, %get3A_176] : memref<32x65536xf32, #tpu.memory_space<vmem>>, vector<32x512xf32>
    %slice3A_178 = vector.extract_strided_slice %get3A_177 {offsets = [0, 0], sizes = [32, 128], strides = [1, 1]} : vector<32x512xf32> to vector<32x128xf32>
    %slice3A_179 = vector.extract_strided_slice %get3A_177 {offsets = [0, 128], sizes = [32, 128], strides = [1, 1]} : vector<32x512xf32> to vector<32x128xf32>
    %slice3A_180 = vector.extract_strided_slice %get3A_177 {offsets = [0, 256], sizes = [32, 128], strides = [1, 1]} : vector<32x512xf32> to vector<32x128xf32>
    %slice3A_181 = vector.extract_strided_slice %get3A_177 {offsets = [0, 384], sizes = [32, 128], strides = [1, 1]} : vector<32x512xf32> to vector<32x128xf32>
    %concatenate3A_182 = tpu.concatenate %slice3A_178, %slice3A_179, %slice3A_180, %slice3A_181 in 0 : vector<32x128xf32>, vector<32x128xf32>, vector<32x128xf32>, vector<32x128xf32> -> vector<128x128xf32>
    %transpose3A_183 = tpu.transpose %concatenate3A_182, [1, 0] : vector<128x128xf32> -> vector<128x128xf32>
    %swap3A_184 = arith.constant 1920 : index
    %swap3A_185 = arith.constant 0 : index
    %swap3A_186 = vector.load %arg2[%swap3A_184, %swap3A_185] : memref<16384x128xf32, #tpu.memory_space<vmem>>, vector<128x128xf32>
    tpu.vector_store %arg2[%swap3A_184, %swap3A_185], %transpose3A_183 {strides = array<i32>} : memref<16384x128xf32, #tpu.memory_space<vmem>>, vector<128x128xf32>,
    %get3A_187 = arith.constant 0 : index
    %get3A_188 = arith.constant 8192 : index
    %get3A_189 = vector.load %arg1[%get3A_187, %get3A_188] : memref<32x65536xf32, #tpu.memory_space<vmem>>, vector<32x512xf32>
    %slice3A_190 = vector.extract_strided_slice %get3A_189 {offsets = [0, 0], sizes = [32, 128], strides = [1, 1]} : vector<32x512xf32> to vector<32x128xf32>
    %slice3A_191 = vector.extract_strided_slice %get3A_189 {offsets = [0, 128], sizes = [32, 128], strides = [1, 1]} : vector<32x512xf32> to vector<32x128xf32>
    %slice3A_192 = vector.extract_strided_slice %get3A_189 {offsets = [0, 256], sizes = [32, 128], strides = [1, 1]} : vector<32x512xf32> to vector<32x128xf32>
    %slice3A_193 = vector.extract_strided_slice %get3A_189 {offsets = [0, 384], sizes = [32, 128], strides = [1, 1]} : vector<32x512xf32> to vector<32x128xf32>
    %concatenate3A_194 = tpu.concatenate %slice3A_190, %slice3A_191, %slice3A_192, %slice3A_193 in 0 : vector<32x128xf32>, vector<32x128xf32>, vector<32x128xf32>, vector<32x128xf32> -> vector<128x128xf32>
    %transpose3A_195 = tpu.transpose %concatenate3A_194, [1, 0] : vector<128x128xf32> -> vector<128x128xf32>
    %swap3A_196 = arith.constant 2048 : index
    %swap3A_197 = arith.constant 0 : index
    %swap3A_198 = vector.load %arg2[%swap3A_196, %swap3A_197] : memref<16384x128xf32, #tpu.memory_space<vmem>>, vector<128x128xf32>
    tpu.vector_store %arg2[%swap3A_196, %swap3A_197], %transpose3A_195 {strides = array<i32>} : memref<16384x128xf32, #tpu.memory_space<vmem>>, vector<128x128xf32>,
    %get3A_199 = arith.constant 0 : index
    %get3A_200 = arith.constant 8704 : index
    %get3A_201 = vector.load %arg1[%get3A_199, %get3A_200] : memref<32x65536xf32, #tpu.memory_space<vmem>>, vector<32x512xf32>
    %slice3A_202 = vector.extract_strided_slice %get3A_201 {offsets = [0, 0], sizes = [32, 128], strides = [1, 1]} : vector<32x512xf32> to vector<32x128xf32>
    %slice3A_203 = vector.extract_strided_slice %get3A_201 {offsets = [0, 128], sizes = [32, 128], strides = [1, 1]} : vector<32x512xf32> to vector<32x128xf32>
    %slice3A_204 = vector.extract_strided_slice %get3A_201 {offsets = [0, 256], sizes = [32, 128], strides = [1, 1]} : vector<32x512xf32> to vector<32x128xf32>
    %slice3A_205 = vector.extract_strided_slice %get3A_201 {offsets = [0, 384], sizes = [32, 128], strides = [1, 1]} : vector<32x512xf32> to vector<32x128xf32>
    %concatenate3A_206 = tpu.concatenate %slice3A_202, %slice3A_203, %slice3A_204, %slice3A_205 in 0 : vector<32x128xf32>, vector<32x128xf32>, vector<32x128xf32>, vector<32x128xf32> -> vector<128x128xf32>
    %transpose3A_207 = tpu.transpose %concatenate3A_206, [1, 0] : vector<128x128xf32> -> vector<128x128xf32>
    %swap3A_208 = arith.constant 2176 : index
    %swap3A_209 = arith.constant 0 : index
    %swap3A_210 = vector.load %arg2[%swap3A_208, %swap3A_209] : memref<16384x128xf32, #tpu.memory_space<vmem>>, vector<128x128xf32>
    tpu.vector_store %arg2[%swap3A_208, %swap3A_209], %transpose3A_207 {strides = array<i32>} : memref<16384x128xf32, #tpu.memory_space<vmem>>, vector<128x128xf32>,
    %get3A_211 = arith.constant 0 : index
    %get3A_212 = arith.constant 9216 : index
    %get3A_213 = vector.load %arg1[%get3A_211, %get3A_212] : memref<32x65536xf32, #tpu.memory_space<vmem>>, vector<32x512xf32>
    %slice3A_214 = vector.extract_strided_slice %get3A_213 {offsets = [0, 0], sizes = [32, 128], strides = [1, 1]} : vector<32x512xf32> to vector<32x128xf32>
    %slice3A_215 = vector.extract_strided_slice %get3A_213 {offsets = [0, 128], sizes = [32, 128], strides = [1, 1]} : vector<32x512xf32> to vector<32x128xf32>
    %slice3A_216 = vector.extract_strided_slice %get3A_213 {offsets = [0, 256], sizes = [32, 128], strides = [1, 1]} : vector<32x512xf32> to vector<32x128xf32>
    %slice3A_217 = vector.extract_strided_slice %get3A_213 {offsets = [0, 384], sizes = [32, 128], strides = [1, 1]} : vector<32x512xf32> to vector<32x128xf32>
    %concatenate3A_218 = tpu.concatenate %slice3A_214, %slice3A_215, %slice3A_216, %slice3A_217 in 0 : vector<32x128xf32>, vector<32x128xf32>, vector<32x128xf32>, vector<32x128xf32> -> vector<128x128xf32>
    %transpose3A_219 = tpu.transpose %concatenate3A_218, [1, 0] : vector<128x128xf32> -> vector<128x128xf32>
    %swap3A_220 = arith.constant 2304 : index
    %swap3A_221 = arith.constant 0 : index
    %swap3A_222 = vector.load %arg2[%swap3A_220, %swap3A_221] : memref<16384x128xf32, #tpu.memory_space<vmem>>, vector<128x128xf32>
    tpu.vector_store %arg2[%swap3A_220, %swap3A_221], %transpose3A_219 {strides = array<i32>} : memref<16384x128xf32, #tpu.memory_space<vmem>>, vector<128x128xf32>,
    %get3A_223 = arith.constant 0 : index
    %get3A_224 = arith.constant 9728 : index
    %get3A_225 = vector.load %arg1[%get3A_223, %get3A_224] : memref<32x65536xf32, #tpu.memory_space<vmem>>, vector<32x512xf32>
    %slice3A_226 = vector.extract_strided_slice %get3A_225 {offsets = [0, 0], sizes = [32, 128], strides = [1, 1]} : vector<32x512xf32> to vector<32x128xf32>
    %slice3A_227 = vector.extract_strided_slice %get3A_225 {offsets = [0, 128], sizes = [32, 128], strides = [1, 1]} : vector<32x512xf32> to vector<32x128xf32>
    %slice3A_228 = vector.extract_strided_slice %get3A_225 {offsets = [0, 256], sizes = [32, 128], strides = [1, 1]} : vector<32x512xf32> to vector<32x128xf32>
    %slice3A_229 = vector.extract_strided_slice %get3A_225 {offsets = [0, 384], sizes = [32, 128], strides = [1, 1]} : vector<32x512xf32> to vector<32x128xf32>
    %concatenate3A_230 = tpu.concatenate %slice3A_226, %slice3A_227, %slice3A_228, %slice3A_229 in 0 : vector<32x128xf32>, vector<32x128xf32>, vector<32x128xf32>, vector<32x128xf32> -> vector<128x128xf32>
    %transpose3A_231 = tpu.transpose %concatenate3A_230, [1, 0] : vector<128x128xf32> -> vector<128x128xf32>
    %swap3A_232 = arith.constant 2432 : index
    %swap3A_233 = arith.constant 0 : index
    %swap3A_234 = vector.load %arg2[%swap3A_232, %swap3A_233] : memref<16384x128xf32, #tpu.memory_space<vmem>>, vector<128x128xf32>
    tpu.vector_store %arg2[%swap3A_232, %swap3A_233], %transpose3A_231 {strides = array<i32>} : memref<16384x128xf32, #tpu.memory_space<vmem>>, vector<128x128xf32>,
    %get3A_235 = arith.constant 0 : index
    %get3A_236 = arith.constant 10240 : index
    %get3A_237 = vector.load %arg1[%get3A_235, %get3A_236] : memref<32x65536xf32, #tpu.memory_space<vmem>>, vector<32x512xf32>
    %slice3A_238 = vector.extract_strided_slice %get3A_237 {offsets = [0, 0], sizes = [32, 128], strides = [1, 1]} : vector<32x512xf32> to vector<32x128xf32>
    %slice3A_239 = vector.extract_strided_slice %get3A_237 {offsets = [0, 128], sizes = [32, 128], strides = [1, 1]} : vector<32x512xf32> to vector<32x128xf32>
    %slice3A_240 = vector.extract_strided_slice %get3A_237 {offsets = [0, 256], sizes = [32, 128], strides = [1, 1]} : vector<32x512xf32> to vector<32x128xf32>
    %slice3A_241 = vector.extract_strided_slice %get3A_237 {offsets = [0, 384], sizes = [32, 128], strides = [1, 1]} : vector<32x512xf32> to vector<32x128xf32>
    %concatenate3A_242 = tpu.concatenate %slice3A_238, %slice3A_239, %slice3A_240, %slice3A_241 in 0 : vector<32x128xf32>, vector<32x128xf32>, vector<32x128xf32>, vector<32x128xf32> -> vector<128x128xf32>
    %transpose3A_243 = tpu.transpose %concatenate3A_242, [1, 0] : vector<128x128xf32> -> vector<128x128xf32>
    %swap3A_244 = arith.constant 2560 : index
    %swap3A_245 = arith.constant 0 : index
    %swap3A_246 = vector.load %arg2[%swap3A_244, %swap3A_245] : memref<16384x128xf32, #tpu.memory_space<vmem>>, vector<128x128xf32>
    tpu.vector_store %arg2[%swap3A_244, %swap3A_245], %transpose3A_243 {strides = array<i32>} : memref<16384x128xf32, #tpu.memory_space<vmem>>, vector<128x128xf32>,
    %get3A_247 = arith.constant 0 : index
    %get3A_248 = arith.constant 10752 : index
    %get3A_249 = vector.load %arg1[%get3A_247, %get3A_248] : memref<32x65536xf32, #tpu.memory_space<vmem>>, vector<32x512xf32>
    %slice3A_250 = vector.extract_strided_slice %get3A_249 {offsets = [0, 0], sizes = [32, 128], strides = [1, 1]} : vector<32x512xf32> to vector<32x128xf32>
    %slice3A_251 = vector.extract_strided_slice %get3A_249 {offsets = [0, 128], sizes = [32, 128], strides = [1, 1]} : vector<32x512xf32> to vector<32x128xf32>
    %slice3A_252 = vector.extract_strided_slice %get3A_249 {offsets = [0, 256], sizes = [32, 128], strides = [1, 1]} : vector<32x512xf32> to vector<32x128xf32>
    %slice3A_253 = vector.extract_strided_slice %get3A_249 {offsets = [0, 384], sizes = [32, 128], strides = [1, 1]} : vector<32x512xf32> to vector<32x128xf32>
    %concatenate3A_254 = tpu.concatenate %slice3A_250, %slice3A_251, %slice3A_252, %slice3A_253 in 0 : vector<32x128xf32>, vector<32x128xf32>, vector<32x128xf32>, vector<32x128xf32> -> vector<128x128xf32>
    %transpose3A_255 = tpu.transpose %concatenate3A_254, [1, 0] : vector<128x128xf32> -> vector<128x128xf32>
    %swap3A_256 = arith.constant 2688 : index
    %swap3A_257 = arith.constant 0 : index
    %swap3A_258 = vector.load %arg2[%swap3A_256, %swap3A_257] : memref<16384x128xf32, #tpu.memory_space<vmem>>, vector<128x128xf32>
    tpu.vector_store %arg2[%swap3A_256, %swap3A_257], %transpose3A_255 {strides = array<i32>} : memref<16384x128xf32, #tpu.memory_space<vmem>>, vector<128x128xf32>,
    %get3A_259 = arith.constant 0 : index
    %get3A_260 = arith.constant 11264 : index
    %get3A_261 = vector.load %arg1[%get3A_259, %get3A_260] : memref<32x65536xf32, #tpu.memory_space<vmem>>, vector<32x512xf32>
    %slice3A_262 = vector.extract_strided_slice %get3A_261 {offsets = [0, 0], sizes = [32, 128], strides = [1, 1]} : vector<32x512xf32> to vector<32x128xf32>
    %slice3A_263 = vector.extract_strided_slice %get3A_261 {offsets = [0, 128], sizes = [32, 128], strides = [1, 1]} : vector<32x512xf32> to vector<32x128xf32>
    %slice3A_264 = vector.extract_strided_slice %get3A_261 {offsets = [0, 256], sizes = [32, 128], strides = [1, 1]} : vector<32x512xf32> to vector<32x128xf32>
    %slice3A_265 = vector.extract_strided_slice %get3A_261 {offsets = [0, 384], sizes = [32, 128], strides = [1, 1]} : vector<32x512xf32> to vector<32x128xf32>
    %concatenate3A_266 = tpu.concatenate %slice3A_262, %slice3A_263, %slice3A_264, %slice3A_265 in 0 : vector<32x128xf32>, vector<32x128xf32>, vector<32x128xf32>, vector<32x128xf32> -> vector<128x128xf32>
    %transpose3A_267 = tpu.transpose %concatenate3A_266, [1, 0] : vector<128x128xf32> -> vector<128x128xf32>
    %swap3A_268 = arith.constant 2816 : index
    %swap3A_269 = arith.constant 0 : index
    %swap3A_270 = vector.load %arg2[%swap3A_268, %swap3A_269] : memref<16384x128xf32, #tpu.memory_space<vmem>>, vector<128x128xf32>
    tpu.vector_store %arg2[%swap3A_268, %swap3A_269], %transpose3A_267 {strides = array<i32>} : memref<16384x128xf32, #tpu.memory_space<vmem>>, vector<128x128xf32>,
    %get3A_271 = arith.constant 0 : index
    %get3A_272 = arith.constant 11776 : index
    %get3A_273 = vector.load %arg1[%get3A_271, %get3A_272] : memref<32x65536xf32, #tpu.memory_space<vmem>>, vector<32x512xf32>
    %slice3A_274 = vector.extract_strided_slice %get3A_273 {offsets = [0, 0], sizes = [32, 128], strides = [1, 1]} : vector<32x512xf32> to vector<32x128xf32>
    %slice3A_275 = vector.extract_strided_slice %get3A_273 {offsets = [0, 128], sizes = [32, 128], strides = [1, 1]} : vector<32x512xf32> to vector<32x128xf32>
    %slice3A_276 = vector.extract_strided_slice %get3A_273 {offsets = [0, 256], sizes = [32, 128], strides = [1, 1]} : vector<32x512xf32> to vector<32x128xf32>
    %slice3A_277 = vector.extract_strided_slice %get3A_273 {offsets = [0, 384], sizes = [32, 128], strides = [1, 1]} : vector<32x512xf32> to vector<32x128xf32>
    %concatenate3A_278 = tpu.concatenate %slice3A_274, %slice3A_275, %slice3A_276, %slice3A_277 in 0 : vector<32x128xf32>, vector<32x128xf32>, vector<32x128xf32>, vector<32x128xf32> -> vector<128x128xf32>
    %transpose3A_279 = tpu.transpose %concatenate3A_278, [1, 0] : vector<128x128xf32> -> vector<128x128xf32>
    %swap3A_280 = arith.constant 2944 : index
    %swap3A_281 = arith.constant 0 : index
    %swap3A_282 = vector.load %arg2[%swap3A_280, %swap3A_281] : memref<16384x128xf32, #tpu.memory_space<vmem>>, vector<128x128xf32>
    tpu.vector_store %arg2[%swap3A_280, %swap3A_281], %transpose3A_279 {strides = array<i32>} : memref<16384x128xf32, #tpu.memory_space<vmem>>, vector<128x128xf32>,
    %get3A_283 = arith.constant 0 : index
    %get3A_284 = arith.constant 12288 : index
    %get3A_285 = vector.load %arg1[%get3A_283, %get3A_284] : memref<32x65536xf32, #tpu.memory_space<vmem>>, vector<32x512xf32>
    %slice3A_286 = vector.extract_strided_slice %get3A_285 {offsets = [0, 0], sizes = [32, 128], strides = [1, 1]} : vector<32x512xf32> to vector<32x128xf32>
    %slice3A_287 = vector.extract_strided_slice %get3A_285 {offsets = [0, 128], sizes = [32, 128], strides = [1, 1]} : vector<32x512xf32> to vector<32x128xf32>
    %slice3A_288 = vector.extract_strided_slice %get3A_285 {offsets = [0, 256], sizes = [32, 128], strides = [1, 1]} : vector<32x512xf32> to vector<32x128xf32>
    %slice3A_289 = vector.extract_strided_slice %get3A_285 {offsets = [0, 384], sizes = [32, 128], strides = [1, 1]} : vector<32x512xf32> to vector<32x128xf32>
    %concatenate3A_290 = tpu.concatenate %slice3A_286, %slice3A_287, %slice3A_288, %slice3A_289 in 0 : vector<32x128xf32>, vector<32x128xf32>, vector<32x128xf32>, vector<32x128xf32> -> vector<128x128xf32>
    %transpose3A_291 = tpu.transpose %concatenate3A_290, [1, 0] : vector<128x128xf32> -> vector<128x128xf32>
    %swap3A_292 = arith.constant 3072 : index
    %swap3A_293 = arith.constant 0 : index
    %swap3A_294 = vector.load %arg2[%swap3A_292, %swap3A_293] : memref<16384x128xf32, #tpu.memory_space<vmem>>, vector<128x128xf32>
    tpu.vector_store %arg2[%swap3A_292, %swap3A_293], %transpose3A_291 {strides = array<i32>} : memref<16384x128xf32, #tpu.memory_space<vmem>>, vector<128x128xf32>,
    %get3A_295 = arith.constant 0 : index
    %get3A_296 = arith.constant 12800 : index
    %get3A_297 = vector.load %arg1[%get3A_295, %get3A_296] : memref<32x65536xf32, #tpu.memory_space<vmem>>, vector<32x512xf32>
    %slice3A_298 = vector.extract_strided_slice %get3A_297 {offsets = [0, 0], sizes = [32, 128], strides = [1, 1]} : vector<32x512xf32> to vector<32x128xf32>
    %slice3A_299 = vector.extract_strided_slice %get3A_297 {offsets = [0, 128], sizes = [32, 128], strides = [1, 1]} : vector<32x512xf32> to vector<32x128xf32>
    %slice3A_300 = vector.extract_strided_slice %get3A_297 {offsets = [0, 256], sizes = [32, 128], strides = [1, 1]} : vector<32x512xf32> to vector<32x128xf32>
    %slice3A_301 = vector.extract_strided_slice %get3A_297 {offsets = [0, 384], sizes = [32, 128], strides = [1, 1]} : vector<32x512xf32> to vector<32x128xf32>
    %concatenate3A_302 = tpu.concatenate %slice3A_298, %slice3A_299, %slice3A_300, %slice3A_301 in 0 : vector<32x128xf32>, vector<32x128xf32>, vector<32x128xf32>, vector<32x128xf32> -> vector<128x128xf32>
    %transpose3A_303 = tpu.transpose %concatenate3A_302, [1, 0] : vector<128x128xf32> -> vector<128x128xf32>
    %swap3A_304 = arith.constant 3200 : index
    %swap3A_305 = arith.constant 0 : index
    %swap3A_306 = vector.load %arg2[%swap3A_304, %swap3A_305] : memref<16384x128xf32, #tpu.memory_space<vmem>>, vector<128x128xf32>
    tpu.vector_store %arg2[%swap3A_304, %swap3A_305], %transpose3A_303 {strides = array<i32>} : memref<16384x128xf32, #tpu.memory_space<vmem>>, vector<128x128xf32>,
    %get3A_307 = arith.constant 0 : index
    %get3A_308 = arith.constant 13312 : index
    %get3A_309 = vector.load %arg1[%get3A_307, %get3A_308] : memref<32x65536xf32, #tpu.memory_space<vmem>>, vector<32x512xf32>
    %slice3A_310 = vector.extract_strided_slice %get3A_309 {offsets = [0, 0], sizes = [32, 128], strides = [1, 1]} : vector<32x512xf32> to vector<32x128xf32>
    %slice3A_311 = vector.extract_strided_slice %get3A_309 {offsets = [0, 128], sizes = [32, 128], strides = [1, 1]} : vector<32x512xf32> to vector<32x128xf32>
    %slice3A_312 = vector.extract_strided_slice %get3A_309 {offsets = [0, 256], sizes = [32, 128], strides = [1, 1]} : vector<32x512xf32> to vector<32x128xf32>
    %slice3A_313 = vector.extract_strided_slice %get3A_309 {offsets = [0, 384], sizes = [32, 128], strides = [1, 1]} : vector<32x512xf32> to vector<32x128xf32>
    %concatenate3A_314 = tpu.concatenate %slice3A_310, %slice3A_311, %slice3A_312, %slice3A_313 in 0 : vector<32x128xf32>, vector<32x128xf32>, vector<32x128xf32>, vector<32x128xf32> -> vector<128x128xf32>
    %transpose3A_315 = tpu.transpose %concatenate3A_314, [1, 0] : vector<128x128xf32> -> vector<128x128xf32>
    %swap3A_316 = arith.constant 3328 : index
    %swap3A_317 = arith.constant 0 : index
    %swap3A_318 = vector.load %arg2[%swap3A_316, %swap3A_317] : memref<16384x128xf32, #tpu.memory_space<vmem>>, vector<128x128xf32>
    tpu.vector_store %arg2[%swap3A_316, %swap3A_317], %transpose3A_315 {strides = array<i32>} : memref<16384x128xf32, #tpu.memory_space<vmem>>, vector<128x128xf32>,
    %get3A_319 = arith.constant 0 : index
    %get3A_320 = arith.constant 13824 : index
    %get3A_321 = vector.load %arg1[%get3A_319, %get3A_320] : memref<32x65536xf32, #tpu.memory_space<vmem>>, vector<32x512xf32>
    %slice3A_322 = vector.extract_strided_slice %get3A_321 {offsets = [0, 0], sizes = [32, 128], strides = [1, 1]} : vector<32x512xf32> to vector<32x128xf32>
    %slice3A_323 = vector.extract_strided_slice %get3A_321 {offsets = [0, 128], sizes = [32, 128], strides = [1, 1]} : vector<32x512xf32> to vector<32x128xf32>
    %slice3A_324 = vector.extract_strided_slice %get3A_321 {offsets = [0, 256], sizes = [32, 128], strides = [1, 1]} : vector<32x512xf32> to vector<32x128xf32>
    %slice3A_325 = vector.extract_strided_slice %get3A_321 {offsets = [0, 384], sizes = [32, 128], strides = [1, 1]} : vector<32x512xf32> to vector<32x128xf32>
    %concatenate3A_326 = tpu.concatenate %slice3A_322, %slice3A_323, %slice3A_324, %slice3A_325 in 0 : vector<32x128xf32>, vector<32x128xf32>, vector<32x128xf32>, vector<32x128xf32> -> vector<128x128xf32>
    %transpose3A_327 = tpu.transpose %concatenate3A_326, [1, 0] : vector<128x128xf32> -> vector<128x128xf32>
    %swap3A_328 = arith.constant 3456 : index
    %swap3A_329 = arith.constant 0 : index
    %swap3A_330 = vector.load %arg2[%swap3A_328, %swap3A_329] : memref<16384x128xf32, #tpu.memory_space<vmem>>, vector<128x128xf32>
    tpu.vector_store %arg2[%swap3A_328, %swap3A_329], %transpose3A_327 {strides = array<i32>} : memref<16384x128xf32, #tpu.memory_space<vmem>>, vector<128x128xf32>,
    %get3A_331 = arith.constant 0 : index
    %get3A_332 = arith.constant 14336 : index
    %get3A_333 = vector.load %arg1[%get3A_331, %get3A_332] : memref<32x65536xf32, #tpu.memory_space<vmem>>, vector<32x512xf32>
    %slice3A_334 = vector.extract_strided_slice %get3A_333 {offsets = [0, 0], sizes = [32, 128], strides = [1, 1]} : vector<32x512xf32> to vector<32x128xf32>
    %slice3A_335 = vector.extract_strided_slice %get3A_333 {offsets = [0, 128], sizes = [32, 128], strides = [1, 1]} : vector<32x512xf32> to vector<32x128xf32>
    %slice3A_336 = vector.extract_strided_slice %get3A_333 {offsets = [0, 256], sizes = [32, 128], strides = [1, 1]} : vector<32x512xf32> to vector<32x128xf32>
    %slice3A_337 = vector.extract_strided_slice %get3A_333 {offsets = [0, 384], sizes = [32, 128], strides = [1, 1]} : vector<32x512xf32> to vector<32x128xf32>
    %concatenate3A_338 = tpu.concatenate %slice3A_334, %slice3A_335, %slice3A_336, %slice3A_337 in 0 : vector<32x128xf32>, vector<32x128xf32>, vector<32x128xf32>, vector<32x128xf32> -> vector<128x128xf32>
    %transpose3A_339 = tpu.transpose %concatenate3A_338, [1, 0] : vector<128x128xf32> -> vector<128x128xf32>
    %swap3A_340 = arith.constant 3584 : index
    %swap3A_341 = arith.constant 0 : index
    %swap3A_342 = vector.load %arg2[%swap3A_340, %swap3A_341] : memref<16384x128xf32, #tpu.memory_space<vmem>>, vector<128x128xf32>
    tpu.vector_store %arg2[%swap3A_340, %swap3A_341], %transpose3A_339 {strides = array<i32>} : memref<16384x128xf32, #tpu.memory_space<vmem>>, vector<128x128xf32>,
    %get3A_343 = arith.constant 0 : index
    %get3A_344 = arith.constant 14848 : index
    %get3A_345 = vector.load %arg1[%get3A_343, %get3A_344] : memref<32x65536xf32, #tpu.memory_space<vmem>>, vector<32x512xf32>
    %slice3A_346 = vector.extract_strided_slice %get3A_345 {offsets = [0, 0], sizes = [32, 128], strides = [1, 1]} : vector<32x512xf32> to vector<32x128xf32>
    %slice3A_347 = vector.extract_strided_slice %get3A_345 {offsets = [0, 128], sizes = [32, 128], strides = [1, 1]} : vector<32x512xf32> to vector<32x128xf32>
    %slice3A_348 = vector.extract_strided_slice %get3A_345 {offsets = [0, 256], sizes = [32, 128], strides = [1, 1]} : vector<32x512xf32> to vector<32x128xf32>
    %slice3A_349 = vector.extract_strided_slice %get3A_345 {offsets = [0, 384], sizes = [32, 128], strides = [1, 1]} : vector<32x512xf32> to vector<32x128xf32>
    %concatenate3A_350 = tpu.concatenate %slice3A_346, %slice3A_347, %slice3A_348, %slice3A_349 in 0 : vector<32x128xf32>, vector<32x128xf32>, vector<32x128xf32>, vector<32x128xf32> -> vector<128x128xf32>
    %transpose3A_351 = tpu.transpose %concatenate3A_350, [1, 0] : vector<128x128xf32> -> vector<128x128xf32>
    %swap3A_352 = arith.constant 3712 : index
    %swap3A_353 = arith.constant 0 : index
    %swap3A_354 = vector.load %arg2[%swap3A_352, %swap3A_353] : memref<16384x128xf32, #tpu.memory_space<vmem>>, vector<128x128xf32>
    tpu.vector_store %arg2[%swap3A_352, %swap3A_353], %transpose3A_351 {strides = array<i32>} : memref<16384x128xf32, #tpu.memory_space<vmem>>, vector<128x128xf32>,
    %get3A_355 = arith.constant 0 : index
    %get3A_356 = arith.constant 15360 : index
    %get3A_357 = vector.load %arg1[%get3A_355, %get3A_356] : memref<32x65536xf32, #tpu.memory_space<vmem>>, vector<32x512xf32>
    %slice3A_358 = vector.extract_strided_slice %get3A_357 {offsets = [0, 0], sizes = [32, 128], strides = [1, 1]} : vector<32x512xf32> to vector<32x128xf32>
    %slice3A_359 = vector.extract_strided_slice %get3A_357 {offsets = [0, 128], sizes = [32, 128], strides = [1, 1]} : vector<32x512xf32> to vector<32x128xf32>
    %slice3A_360 = vector.extract_strided_slice %get3A_357 {offsets = [0, 256], sizes = [32, 128], strides = [1, 1]} : vector<32x512xf32> to vector<32x128xf32>
    %slice3A_361 = vector.extract_strided_slice %get3A_357 {offsets = [0, 384], sizes = [32, 128], strides = [1, 1]} : vector<32x512xf32> to vector<32x128xf32>
    %concatenate3A_362 = tpu.concatenate %slice3A_358, %slice3A_359, %slice3A_360, %slice3A_361 in 0 : vector<32x128xf32>, vector<32x128xf32>, vector<32x128xf32>, vector<32x128xf32> -> vector<128x128xf32>
    %transpose3A_363 = tpu.transpose %concatenate3A_362, [1, 0] : vector<128x128xf32> -> vector<128x128xf32>
    %swap3A_364 = arith.constant 3840 : index
    %swap3A_365 = arith.constant 0 : index
    %swap3A_366 = vector.load %arg2[%swap3A_364, %swap3A_365] : memref<16384x128xf32, #tpu.memory_space<vmem>>, vector<128x128xf32>
    tpu.vector_store %arg2[%swap3A_364, %swap3A_365], %transpose3A_363 {strides = array<i32>} : memref<16384x128xf32, #tpu.memory_space<vmem>>, vector<128x128xf32>,
    %get3A_367 = arith.constant 0 : index
    %get3A_368 = arith.constant 15872 : index
    %get3A_369 = vector.load %arg1[%get3A_367, %get3A_368] : memref<32x65536xf32, #tpu.memory_space<vmem>>, vector<32x512xf32>
    %slice3A_370 = vector.extract_strided_slice %get3A_369 {offsets = [0, 0], sizes = [32, 128], strides = [1, 1]} : vector<32x512xf32> to vector<32x128xf32>
    %slice3A_371 = vector.extract_strided_slice %get3A_369 {offsets = [0, 128], sizes = [32, 128], strides = [1, 1]} : vector<32x512xf32> to vector<32x128xf32>
    %slice3A_372 = vector.extract_strided_slice %get3A_369 {offsets = [0, 256], sizes = [32, 128], strides = [1, 1]} : vector<32x512xf32> to vector<32x128xf32>
    %slice3A_373 = vector.extract_strided_slice %get3A_369 {offsets = [0, 384], sizes = [32, 128], strides = [1, 1]} : vector<32x512xf32> to vector<32x128xf32>
    %concatenate3A_374 = tpu.concatenate %slice3A_370, %slice3A_371, %slice3A_372, %slice3A_373 in 0 : vector<32x128xf32>, vector<32x128xf32>, vector<32x128xf32>, vector<32x128xf32> -> vector<128x128xf32>
    %transpose3A_375 = tpu.transpose %concatenate3A_374, [1, 0] : vector<128x128xf32> -> vector<128x128xf32>
    %swap3A_376 = arith.constant 3968 : index
    %swap3A_377 = arith.constant 0 : index
    %swap3A_378 = vector.load %arg2[%swap3A_376, %swap3A_377] : memref<16384x128xf32, #tpu.memory_space<vmem>>, vector<128x128xf32>
    tpu.vector_store %arg2[%swap3A_376, %swap3A_377], %transpose3A_375 {strides = array<i32>} : memref<16384x128xf32, #tpu.memory_space<vmem>>, vector<128x128xf32>,
    %get3A_379 = arith.constant 0 : index
    %get3A_380 = arith.constant 16384 : index
    %get3A_381 = vector.load %arg1[%get3A_379, %get3A_380] : memref<32x65536xf32, #tpu.memory_space<vmem>>, vector<32x512xf32>
    %slice3A_382 = vector.extract_strided_slice %get3A_381 {offsets = [0, 0], sizes = [32, 128], strides = [1, 1]} : vector<32x512xf32> to vector<32x128xf32>
    %slice3A_383 = vector.extract_strided_slice %get3A_381 {offsets = [0, 128], sizes = [32, 128], strides = [1, 1]} : vector<32x512xf32> to vector<32x128xf32>
    %slice3A_384 = vector.extract_strided_slice %get3A_381 {offsets = [0, 256], sizes = [32, 128], strides = [1, 1]} : vector<32x512xf32> to vector<32x128xf32>
    %slice3A_385 = vector.extract_strided_slice %get3A_381 {offsets = [0, 384], sizes = [32, 128], strides = [1, 1]} : vector<32x512xf32> to vector<32x128xf32>
    %concatenate3A_386 = tpu.concatenate %slice3A_382, %slice3A_383, %slice3A_384, %slice3A_385 in 0 : vector<32x128xf32>, vector<32x128xf32>, vector<32x128xf32>, vector<32x128xf32> -> vector<128x128xf32>
    %transpose3A_387 = tpu.transpose %concatenate3A_386, [1, 0] : vector<128x128xf32> -> vector<128x128xf32>
    %swap3A_388 = arith.constant 4096 : index
    %swap3A_389 = arith.constant 0 : index
    %swap3A_390 = vector.load %arg2[%swap3A_388, %swap3A_389] : memref<16384x128xf32, #tpu.memory_space<vmem>>, vector<128x128xf32>
    tpu.vector_store %arg2[%swap3A_388, %swap3A_389], %transpose3A_387 {strides = array<i32>} : memref<16384x128xf32, #tpu.memory_space<vmem>>, vector<128x128xf32>,
    %get3A_391 = arith.constant 0 : index
    %get3A_392 = arith.constant 16896 : index
    %get3A_393 = vector.load %arg1[%get3A_391, %get3A_392] : memref<32x65536xf32, #tpu.memory_space<vmem>>, vector<32x512xf32>
    %slice3A_394 = vector.extract_strided_slice %get3A_393 {offsets = [0, 0], sizes = [32, 128], strides = [1, 1]} : vector<32x512xf32> to vector<32x128xf32>
    %slice3A_395 = vector.extract_strided_slice %get3A_393 {offsets = [0, 128], sizes = [32, 128], strides = [1, 1]} : vector<32x512xf32> to vector<32x128xf32>
    %slice3A_396 = vector.extract_strided_slice %get3A_393 {offsets = [0, 256], sizes = [32, 128], strides = [1, 1]} : vector<32x512xf32> to vector<32x128xf32>
    %slice3A_397 = vector.extract_strided_slice %get3A_393 {offsets = [0, 384], sizes = [32, 128], strides = [1, 1]} : vector<32x512xf32> to vector<32x128xf32>
    %concatenate3A_398 = tpu.concatenate %slice3A_394, %slice3A_395, %slice3A_396, %slice3A_397 in 0 : vector<32x128xf32>, vector<32x128xf32>, vector<32x128xf32>, vector<32x128xf32> -> vector<128x128xf32>
    %transpose3A_399 = tpu.transpose %concatenate3A_398, [1, 0] : vector<128x128xf32> -> vector<128x128xf32>
    %swap3A_400 = arith.constant 4224 : index
    %swap3A_401 = arith.constant 0 : index
    %swap3A_402 = vector.load %arg2[%swap3A_400, %swap3A_401] : memref<16384x128xf32, #tpu.memory_space<vmem>>, vector<128x128xf32>
    tpu.vector_store %arg2[%swap3A_400, %swap3A_401], %transpose3A_399 {strides = array<i32>} : memref<16384x128xf32, #tpu.memory_space<vmem>>, vector<128x128xf32>,
    %get3A_403 = arith.constant 0 : index
    %get3A_404 = arith.constant 17408 : index
    %get3A_405 = vector.load %arg1[%get3A_403, %get3A_404] : memref<32x65536xf32, #tpu.memory_space<vmem>>, vector<32x512xf32>
    %slice3A_406 = vector.extract_strided_slice %get3A_405 {offsets = [0, 0], sizes = [32, 128], strides = [1, 1]} : vector<32x512xf32> to vector<32x128xf32>
    %slice3A_407 = vector.extract_strided_slice %get3A_405 {offsets = [0, 128], sizes = [32, 128], strides = [1, 1]} : vector<32x512xf32> to vector<32x128xf32>
    %slice3A_408 = vector.extract_strided_slice %get3A_405 {offsets = [0, 256], sizes = [32, 128], strides = [1, 1]} : vector<32x512xf32> to vector<32x128xf32>
    %slice3A_409 = vector.extract_strided_slice %get3A_405 {offsets = [0, 384], sizes = [32, 128], strides = [1, 1]} : vector<32x512xf32> to vector<32x128xf32>
    %concatenate3A_410 = tpu.concatenate %slice3A_406, %slice3A_407, %slice3A_408, %slice3A_409 in 0 : vector<32x128xf32>, vector<32x128xf32>, vector<32x128xf32>, vector<32x128xf32> -> vector<128x128xf32>
    %transpose3A_411 = tpu.transpose %concatenate3A_410, [1, 0] : vector<128x128xf32> -> vector<128x128xf32>
    %swap3A_412 = arith.constant 4352 : index
    %swap3A_413 = arith.constant 0 : index
    %swap3A_414 = vector.load %arg2[%swap3A_412, %swap3A_413] : memref<16384x128xf32, #tpu.memory_space<vmem>>, vector<128x128xf32>
    tpu.vector_store %arg2[%swap3A_412, %swap3A_413], %transpose3A_411 {strides = array<i32>} : memref<16384x128xf32, #tpu.memory_space<vmem>>, vector<128x128xf32>,
    %get3A_415 = arith.constant 0 : index
    %get3A_416 = arith.constant 17920 : index
    %get3A_417 = vector.load %arg1[%get3A_415, %get3A_416] : memref<32x65536xf32, #tpu.memory_space<vmem>>, vector<32x512xf32>
    %slice3A_418 = vector.extract_strided_slice %get3A_417 {offsets = [0, 0], sizes = [32, 128], strides = [1, 1]} : vector<32x512xf32> to vector<32x128xf32>
    %slice3A_419 = vector.extract_strided_slice %get3A_417 {offsets = [0, 128], sizes = [32, 128], strides = [1, 1]} : vector<32x512xf32> to vector<32x128xf32>
    %slice3A_420 = vector.extract_strided_slice %get3A_417 {offsets = [0, 256], sizes = [32, 128], strides = [1, 1]} : vector<32x512xf32> to vector<32x128xf32>
    %slice3A_421 = vector.extract_strided_slice %get3A_417 {offsets = [0, 384], sizes = [32, 128], strides = [1, 1]} : vector<32x512xf32> to vector<32x128xf32>
    %concatenate3A_422 = tpu.concatenate %slice3A_418, %slice3A_419, %slice3A_420, %slice3A_421 in 0 : vector<32x128xf32>, vector<32x128xf32>, vector<32x128xf32>, vector<32x128xf32> -> vector<128x128xf32>
    %transpose3A_423 = tpu.transpose %concatenate3A_422, [1, 0] : vector<128x128xf32> -> vector<128x128xf32>
    %swap3A_424 = arith.constant 4480 : index
    %swap3A_425 = arith.constant 0 : index
    %swap3A_426 = vector.load %arg2[%swap3A_424, %swap3A_425] : memref<16384x128xf32, #tpu.memory_space<vmem>>, vector<128x128xf32>
    tpu.vector_store %arg2[%swap3A_424, %swap3A_425], %transpose3A_423 {strides = array<i32>} : memref<16384x128xf32, #tpu.memory_space<vmem>>, vector<128x128xf32>,
    %get3A_427 = arith.constant 0 : index
    %get3A_428 = arith.constant 18432 : index
    %get3A_429 = vector.load %arg1[%get3A_427, %get3A_428] : memref<32x65536xf32, #tpu.memory_space<vmem>>, vector<32x512xf32>
    %slice3A_430 = vector.extract_strided_slice %get3A_429 {offsets = [0, 0], sizes = [32, 128], strides = [1, 1]} : vector<32x512xf32> to vector<32x128xf32>
    %slice3A_431 = vector.extract_strided_slice %get3A_429 {offsets = [0, 128], sizes = [32, 128], strides = [1, 1]} : vector<32x512xf32> to vector<32x128xf32>
    %slice3A_432 = vector.extract_strided_slice %get3A_429 {offsets = [0, 256], sizes = [32, 128], strides = [1, 1]} : vector<32x512xf32> to vector<32x128xf32>
    %slice3A_433 = vector.extract_strided_slice %get3A_429 {offsets = [0, 384], sizes = [32, 128], strides = [1, 1]} : vector<32x512xf32> to vector<32x128xf32>
    %concatenate3A_434 = tpu.concatenate %slice3A_430, %slice3A_431, %slice3A_432, %slice3A_433 in 0 : vector<32x128xf32>, vector<32x128xf32>, vector<32x128xf32>, vector<32x128xf32> -> vector<128x128xf32>
    %transpose3A_435 = tpu.transpose %concatenate3A_434, [1, 0] : vector<128x128xf32> -> vector<128x128xf32>
    %swap3A_436 = arith.constant 4608 : index
    %swap3A_437 = arith.constant 0 : index
    %swap3A_438 = vector.load %arg2[%swap3A_436, %swap3A_437] : memref<16384x128xf32, #tpu.memory_space<vmem>>, vector<128x128xf32>
    tpu.vector_store %arg2[%swap3A_436, %swap3A_437], %transpose3A_435 {strides = array<i32>} : memref<16384x128xf32, #tpu.memory_space<vmem>>, vector<128x128xf32>,
    %get3A_439 = arith.constant 0 : index
    %get3A_440 = arith.constant 18944 : index
    %get3A_441 = vector.load %arg1[%get3A_439, %get3A_440] : memref<32x65536xf32, #tpu.memory_space<vmem>>, vector<32x512xf32>
    %slice3A_442 = vector.extract_strided_slice %get3A_441 {offsets = [0, 0], sizes = [32, 128], strides = [1, 1]} : vector<32x512xf32> to vector<32x128xf32>
    %slice3A_443 = vector.extract_strided_slice %get3A_441 {offsets = [0, 128], sizes = [32, 128], strides = [1, 1]} : vector<32x512xf32> to vector<32x128xf32>
    %slice3A_444 = vector.extract_strided_slice %get3A_441 {offsets = [0, 256], sizes = [32, 128], strides = [1, 1]} : vector<32x512xf32> to vector<32x128xf32>
    %slice3A_445 = vector.extract_strided_slice %get3A_441 {offsets = [0, 384], sizes = [32, 128], strides = [1, 1]} : vector<32x512xf32> to vector<32x128xf32>
    %concatenate3A_446 = tpu.concatenate %slice3A_442, %slice3A_443, %slice3A_444, %slice3A_445 in 0 : vector<32x128xf32>, vector<32x128xf32>, vector<32x128xf32>, vector<32x128xf32> -> vector<128x128xf32>
    %transpose3A_447 = tpu.transpose %concatenate3A_446, [1, 0] : vector<128x128xf32> -> vector<128x128xf32>
    %swap3A_448 = arith.constant 4736 : index
    %swap3A_449 = arith.constant 0 : index
    %swap3A_450 = vector.load %arg2[%swap3A_448, %swap3A_449] : memref<16384x128xf32, #tpu.memory_space<vmem>>, vector<128x128xf32>
    tpu.vector_store %arg2[%swap3A_448, %swap3A_449], %transpose3A_447 {strides = array<i32>} : memref<16384x128xf32, #tpu.memory_space<vmem>>, vector<128x128xf32>,
    %get3A_451 = arith.constant 0 : index
    %get3A_452 = arith.constant 19456 : index
    %get3A_453 = vector.load %arg1[%get3A_451, %get3A_452] : memref<32x65536xf32, #tpu.memory_space<vmem>>, vector<32x512xf32>
    %slice3A_454 = vector.extract_strided_slice %get3A_453 {offsets = [0, 0], sizes = [32, 128], strides = [1, 1]} : vector<32x512xf32> to vector<32x128xf32>
    %slice3A_455 = vector.extract_strided_slice %get3A_453 {offsets = [0, 128], sizes = [32, 128], strides = [1, 1]} : vector<32x512xf32> to vector<32x128xf32>
    %slice3A_456 = vector.extract_strided_slice %get3A_453 {offsets = [0, 256], sizes = [32, 128], strides = [1, 1]} : vector<32x512xf32> to vector<32x128xf32>
    %slice3A_457 = vector.extract_strided_slice %get3A_453 {offsets = [0, 384], sizes = [32, 128], strides = [1, 1]} : vector<32x512xf32> to vector<32x128xf32>
    %concatenate3A_458 = tpu.concatenate %slice3A_454, %slice3A_455, %slice3A_456, %slice3A_457 in 0 : vector<32x128xf32>, vector<32x128xf32>, vector<32x128xf32>, vector<32x128xf32> -> vector<128x128xf32>
    %transpose3A_459 = tpu.transpose %concatenate3A_458, [1, 0] : vector<128x128xf32> -> vector<128x128xf32>
    %swap3A_460 = arith.constant 4864 : index
    %swap3A_461 = arith.constant 0 : index
    %swap3A_462 = vector.load %arg2[%swap3A_460, %swap3A_461] : memref<16384x128xf32, #tpu.memory_space<vmem>>, vector<128x128xf32>
    tpu.vector_store %arg2[%swap3A_460, %swap3A_461], %transpose3A_459 {strides = array<i32>} : memref<16384x128xf32, #tpu.memory_space<vmem>>, vector<128x128xf32>,
    %get3A_463 = arith.constant 0 : index
    %get3A_464 = arith.constant 19968 : index
    %get3A_465 = vector.load %arg1[%get3A_463, %get3A_464] : memref<32x65536xf32, #tpu.memory_space<vmem>>, vector<32x512xf32>
    %slice3A_466 = vector.extract_strided_slice %get3A_465 {offsets = [0, 0], sizes = [32, 128], strides = [1, 1]} : vector<32x512xf32> to vector<32x128xf32>
    %slice3A_467 = vector.extract_strided_slice %get3A_465 {offsets = [0, 128], sizes = [32, 128], strides = [1, 1]} : vector<32x512xf32> to vector<32x128xf32>
    %slice3A_468 = vector.extract_strided_slice %get3A_465 {offsets = [0, 256], sizes = [32, 128], strides = [1, 1]} : vector<32x512xf32> to vector<32x128xf32>
    %slice3A_469 = vector.extract_strided_slice %get3A_465 {offsets = [0, 384], sizes = [32, 128], strides = [1, 1]} : vector<32x512xf32> to vector<32x128xf32>
    %concatenate3A_470 = tpu.concatenate %slice3A_466, %slice3A_467, %slice3A_468, %slice3A_469 in 0 : vector<32x128xf32>, vector<32x128xf32>, vector<32x128xf32>, vector<32x128xf32> -> vector<128x128xf32>
    %transpose3A_471 = tpu.transpose %concatenate3A_470, [1, 0] : vector<128x128xf32> -> vector<128x128xf32>
    %swap3A_472 = arith.constant 4992 : index
    %swap3A_473 = arith.constant 0 : index
    %swap3A_474 = vector.load %arg2[%swap3A_472, %swap3A_473] : memref<16384x128xf32, #tpu.memory_space<vmem>>, vector<128x128xf32>
    tpu.vector_store %arg2[%swap3A_472, %swap3A_473], %transpose3A_471 {strides = array<i32>} : memref<16384x128xf32, #tpu.memory_space<vmem>>, vector<128x128xf32>,
    %get3A_475 = arith.constant 0 : index
    %get3A_476 = arith.constant 20480 : index
    %get3A_477 = vector.load %arg1[%get3A_475, %get3A_476] : memref<32x65536xf32, #tpu.memory_space<vmem>>, vector<32x512xf32>
    %slice3A_478 = vector.extract_strided_slice %get3A_477 {offsets = [0, 0], sizes = [32, 128], strides = [1, 1]} : vector<32x512xf32> to vector<32x128xf32>
    %slice3A_479 = vector.extract_strided_slice %get3A_477 {offsets = [0, 128], sizes = [32, 128], strides = [1, 1]} : vector<32x512xf32> to vector<32x128xf32>
    %slice3A_480 = vector.extract_strided_slice %get3A_477 {offsets = [0, 256], sizes = [32, 128], strides = [1, 1]} : vector<32x512xf32> to vector<32x128xf32>
    %slice3A_481 = vector.extract_strided_slice %get3A_477 {offsets = [0, 384], sizes = [32, 128], strides = [1, 1]} : vector<32x512xf32> to vector<32x128xf32>
    %concatenate3A_482 = tpu.concatenate %slice3A_478, %slice3A_479, %slice3A_480, %slice3A_481 in 0 : vector<32x128xf32>, vector<32x128xf32>, vector<32x128xf32>, vector<32x128xf32> -> vector<128x128xf32>
    %transpose3A_483 = tpu.transpose %concatenate3A_482, [1, 0] : vector<128x128xf32> -> vector<128x128xf32>
    %swap3A_484 = arith.constant 5120 : index
    %swap3A_485 = arith.constant 0 : index
    %swap3A_486 = vector.load %arg2[%swap3A_484, %swap3A_485] : memref<16384x128xf32, #tpu.memory_space<vmem>>, vector<128x128xf32>
    tpu.vector_store %arg2[%swap3A_484, %swap3A_485], %transpose3A_483 {strides = array<i32>} : memref<16384x128xf32, #tpu.memory_space<vmem>>, vector<128x128xf32>,
    %get3A_487 = arith.constant 0 : index
    %get3A_488 = arith.constant 20992 : index
    %get3A_489 = vector.load %arg1[%get3A_487, %get3A_488] : memref<32x65536xf32, #tpu.memory_space<vmem>>, vector<32x512xf32>
    %slice3A_490 = vector.extract_strided_slice %get3A_489 {offsets = [0, 0], sizes = [32, 128], strides = [1, 1]} : vector<32x512xf32> to vector<32x128xf32>
    %slice3A_491 = vector.extract_strided_slice %get3A_489 {offsets = [0, 128], sizes = [32, 128], strides = [1, 1]} : vector<32x512xf32> to vector<32x128xf32>
    %slice3A_492 = vector.extract_strided_slice %get3A_489 {offsets = [0, 256], sizes = [32, 128], strides = [1, 1]} : vector<32x512xf32> to vector<32x128xf32>
    %slice3A_493 = vector.extract_strided_slice %get3A_489 {offsets = [0, 384], sizes = [32, 128], strides = [1, 1]} : vector<32x512xf32> to vector<32x128xf32>
    %concatenate3A_494 = tpu.concatenate %slice3A_490, %slice3A_491, %slice3A_492, %slice3A_493 in 0 : vector<32x128xf32>, vector<32x128xf32>, vector<32x128xf32>, vector<32x128xf32> -> vector<128x128xf32>
    %transpose3A_495 = tpu.transpose %concatenate3A_494, [1, 0] : vector<128x128xf32> -> vector<128x128xf32>
    %swap3A_496 = arith.constant 5248 : index
    %swap3A_497 = arith.constant 0 : index
    %swap3A_498 = vector.load %arg2[%swap3A_496, %swap3A_497] : memref<16384x128xf32, #tpu.memory_space<vmem>>, vector<128x128xf32>
    tpu.vector_store %arg2[%swap3A_496, %swap3A_497], %transpose3A_495 {strides = array<i32>} : memref<16384x128xf32, #tpu.memory_space<vmem>>, vector<128x128xf32>,
    %get3A_499 = arith.constant 0 : index
    %get3A_500 = arith.constant 21504 : index
    %get3A_501 = vector.load %arg1[%get3A_499, %get3A_500] : memref<32x65536xf32, #tpu.memory_space<vmem>>, vector<32x512xf32>
    %slice3A_502 = vector.extract_strided_slice %get3A_501 {offsets = [0, 0], sizes = [32, 128], strides = [1, 1]} : vector<32x512xf32> to vector<32x128xf32>
    %slice3A_503 = vector.extract_strided_slice %get3A_501 {offsets = [0, 128], sizes = [32, 128], strides = [1, 1]} : vector<32x512xf32> to vector<32x128xf32>
    %slice3A_504 = vector.extract_strided_slice %get3A_501 {offsets = [0, 256], sizes = [32, 128], strides = [1, 1]} : vector<32x512xf32> to vector<32x128xf32>
    %slice3A_505 = vector.extract_strided_slice %get3A_501 {offsets = [0, 384], sizes = [32, 128], strides = [1, 1]} : vector<32x512xf32> to vector<32x128xf32>
    %concatenate3A_506 = tpu.concatenate %slice3A_502, %slice3A_503, %slice3A_504, %slice3A_505 in 0 : vector<32x128xf32>, vector<32x128xf32>, vector<32x128xf32>, vector<32x128xf32> -> vector<128x128xf32>
    %transpose3A_507 = tpu.transpose %concatenate3A_506, [1, 0] : vector<128x128xf32> -> vector<128x128xf32>
    %swap3A_508 = arith.constant 5376 : index
    %swap3A_509 = arith.constant 0 : index
    %swap3A_510 = vector.load %arg2[%swap3A_508, %swap3A_509] : memref<16384x128xf32, #tpu.memory_space<vmem>>, vector<128x128xf32>
    tpu.vector_store %arg2[%swap3A_508, %swap3A_509], %transpose3A_507 {strides = array<i32>} : memref<16384x128xf32, #tpu.memory_space<vmem>>, vector<128x128xf32>,
    %get3A_511 = arith.constant 0 : index
    %get3A_512 = arith.constant 22016 : index
    %get3A_513 = vector.load %arg1[%get3A_511, %get3A_512] : memref<32x65536xf32, #tpu.memory_space<vmem>>, vector<32x512xf32>
    %slice3A_514 = vector.extract_strided_slice %get3A_513 {offsets = [0, 0], sizes = [32, 128], strides = [1, 1]} : vector<32x512xf32> to vector<32x128xf32>
    %slice3A_515 = vector.extract_strided_slice %get3A_513 {offsets = [0, 128], sizes = [32, 128], strides = [1, 1]} : vector<32x512xf32> to vector<32x128xf32>
    %slice3A_516 = vector.extract_strided_slice %get3A_513 {offsets = [0, 256], sizes = [32, 128], strides = [1, 1]} : vector<32x512xf32> to vector<32x128xf32>
    %slice3A_517 = vector.extract_strided_slice %get3A_513 {offsets = [0, 384], sizes = [32, 128], strides = [1, 1]} : vector<32x512xf32> to vector<32x128xf32>
    %concatenate3A_518 = tpu.concatenate %slice3A_514, %slice3A_515, %slice3A_516, %slice3A_517 in 0 : vector<32x128xf32>, vector<32x128xf32>, vector<32x128xf32>, vector<32x128xf32> -> vector<128x128xf32>
    %transpose3A_519 = tpu.transpose %concatenate3A_518, [1, 0] : vector<128x128xf32> -> vector<128x128xf32>
    %swap3A_520 = arith.constant 5504 : index
    %swap3A_521 = arith.constant 0 : index
    %swap3A_522 = vector.load %arg2[%swap3A_520, %swap3A_521] : memref<16384x128xf32, #tpu.memory_space<vmem>>, vector<128x128xf32>
    tpu.vector_store %arg2[%swap3A_520, %swap3A_521], %transpose3A_519 {strides = array<i32>} : memref<16384x128xf32, #tpu.memory_space<vmem>>, vector<128x128xf32>,
    %get3A_523 = arith.constant 0 : index
    %get3A_524 = arith.constant 22528 : index
    %get3A_525 = vector.load %arg1[%get3A_523, %get3A_524] : memref<32x65536xf32, #tpu.memory_space<vmem>>, vector<32x512xf32>
    %slice3A_526 = vector.extract_strided_slice %get3A_525 {offsets = [0, 0], sizes = [32, 128], strides = [1, 1]} : vector<32x512xf32> to vector<32x128xf32>
    %slice3A_527 = vector.extract_strided_slice %get3A_525 {offsets = [0, 128], sizes = [32, 128], strides = [1, 1]} : vector<32x512xf32> to vector<32x128xf32>
    %slice3A_528 = vector.extract_strided_slice %get3A_525 {offsets = [0, 256], sizes = [32, 128], strides = [1, 1]} : vector<32x512xf32> to vector<32x128xf32>
    %slice3A_529 = vector.extract_strided_slice %get3A_525 {offsets = [0, 384], sizes = [32, 128], strides = [1, 1]} : vector<32x512xf32> to vector<32x128xf32>
    %concatenate3A_530 = tpu.concatenate %slice3A_526, %slice3A_527, %slice3A_528, %slice3A_529 in 0 : vector<32x128xf32>, vector<32x128xf32>, vector<32x128xf32>, vector<32x128xf32> -> vector<128x128xf32>
    %transpose3A_531 = tpu.transpose %concatenate3A_530, [1, 0] : vector<128x128xf32> -> vector<128x128xf32>
    %swap3A_532 = arith.constant 5632 : index
    %swap3A_533 = arith.constant 0 : index
    %swap3A_534 = vector.load %arg2[%swap3A_532, %swap3A_533] : memref<16384x128xf32, #tpu.memory_space<vmem>>, vector<128x128xf32>
    tpu.vector_store %arg2[%swap3A_532, %swap3A_533], %transpose3A_531 {strides = array<i32>} : memref<16384x128xf32, #tpu.memory_space<vmem>>, vector<128x128xf32>,
    %get3A_535 = arith.constant 0 : index
    %get3A_536 = arith.constant 23040 : index
    %get3A_537 = vector.load %arg1[%get3A_535, %get3A_536] : memref<32x65536xf32, #tpu.memory_space<vmem>>, vector<32x512xf32>
    %slice3A_538 = vector.extract_strided_slice %get3A_537 {offsets = [0, 0], sizes = [32, 128], strides = [1, 1]} : vector<32x512xf32> to vector<32x128xf32>
    %slice3A_539 = vector.extract_strided_slice %get3A_537 {offsets = [0, 128], sizes = [32, 128], strides = [1, 1]} : vector<32x512xf32> to vector<32x128xf32>
    %slice3A_540 = vector.extract_strided_slice %get3A_537 {offsets = [0, 256], sizes = [32, 128], strides = [1, 1]} : vector<32x512xf32> to vector<32x128xf32>
    %slice3A_541 = vector.extract_strided_slice %get3A_537 {offsets = [0, 384], sizes = [32, 128], strides = [1, 1]} : vector<32x512xf32> to vector<32x128xf32>
    %concatenate3A_542 = tpu.concatenate %slice3A_538, %slice3A_539, %slice3A_540, %slice3A_541 in 0 : vector<32x128xf32>, vector<32x128xf32>, vector<32x128xf32>, vector<32x128xf32> -> vector<128x128xf32>
    %transpose3A_543 = tpu.transpose %concatenate3A_542, [1, 0] : vector<128x128xf32> -> vector<128x128xf32>
    %swap3A_544 = arith.constant 5760 : index
    %swap3A_545 = arith.constant 0 : index
    %swap3A_546 = vector.load %arg2[%swap3A_544, %swap3A_545] : memref<16384x128xf32, #tpu.memory_space<vmem>>, vector<128x128xf32>
    tpu.vector_store %arg2[%swap3A_544, %swap3A_545], %transpose3A_543 {strides = array<i32>} : memref<16384x128xf32, #tpu.memory_space<vmem>>, vector<128x128xf32>,
    %get3A_547 = arith.constant 0 : index
    %get3A_548 = arith.constant 23552 : index
    %get3A_549 = vector.load %arg1[%get3A_547, %get3A_548] : memref<32x65536xf32, #tpu.memory_space<vmem>>, vector<32x512xf32>
    %slice3A_550 = vector.extract_strided_slice %get3A_549 {offsets = [0, 0], sizes = [32, 128], strides = [1, 1]} : vector<32x512xf32> to vector<32x128xf32>
    %slice3A_551 = vector.extract_strided_slice %get3A_549 {offsets = [0, 128], sizes = [32, 128], strides = [1, 1]} : vector<32x512xf32> to vector<32x128xf32>
    %slice3A_552 = vector.extract_strided_slice %get3A_549 {offsets = [0, 256], sizes = [32, 128], strides = [1, 1]} : vector<32x512xf32> to vector<32x128xf32>
    %slice3A_553 = vector.extract_strided_slice %get3A_549 {offsets = [0, 384], sizes = [32, 128], strides = [1, 1]} : vector<32x512xf32> to vector<32x128xf32>
    %concatenate3A_554 = tpu.concatenate %slice3A_550, %slice3A_551, %slice3A_552, %slice3A_553 in 0 : vector<32x128xf32>, vector<32x128xf32>, vector<32x128xf32>, vector<32x128xf32> -> vector<128x128xf32>
    %transpose3A_555 = tpu.transpose %concatenate3A_554, [1, 0] : vector<128x128xf32> -> vector<128x128xf32>
    %swap3A_556 = arith.constant 5888 : index
    %swap3A_557 = arith.constant 0 : index
    %swap3A_558 = vector.load %arg2[%swap3A_556, %swap3A_557] : memref<16384x128xf32, #tpu.memory_space<vmem>>, vector<128x128xf32>
    tpu.vector_store %arg2[%swap3A_556, %swap3A_557], %transpose3A_555 {strides = array<i32>} : memref<16384x128xf32, #tpu.memory_space<vmem>>, vector<128x128xf32>,
    %get3A_559 = arith.constant 0 : index
    %get3A_560 = arith.constant 24064 : index
    %get3A_561 = vector.load %arg1[%get3A_559, %get3A_560] : memref<32x65536xf32, #tpu.memory_space<vmem>>, vector<32x512xf32>
    %slice3A_562 = vector.extract_strided_slice %get3A_561 {offsets = [0, 0], sizes = [32, 128], strides = [1, 1]} : vector<32x512xf32> to vector<32x128xf32>
    %slice3A_563 = vector.extract_strided_slice %get3A_561 {offsets = [0, 128], sizes = [32, 128], strides = [1, 1]} : vector<32x512xf32> to vector<32x128xf32>
    %slice3A_564 = vector.extract_strided_slice %get3A_561 {offsets = [0, 256], sizes = [32, 128], strides = [1, 1]} : vector<32x512xf32> to vector<32x128xf32>
    %slice3A_565 = vector.extract_strided_slice %get3A_561 {offsets = [0, 384], sizes = [32, 128], strides = [1, 1]} : vector<32x512xf32> to vector<32x128xf32>
    %concatenate3A_566 = tpu.concatenate %slice3A_562, %slice3A_563, %slice3A_564, %slice3A_565 in 0 : vector<32x128xf32>, vector<32x128xf32>, vector<32x128xf32>, vector<32x128xf32> -> vector<128x128xf32>
    %transpose3A_567 = tpu.transpose %concatenate3A_566, [1, 0] : vector<128x128xf32> -> vector<128x128xf32>
    %swap3A_568 = arith.constant 6016 : index
    %swap3A_569 = arith.constant 0 : index
    %swap3A_570 = vector.load %arg2[%swap3A_568, %swap3A_569] : memref<16384x128xf32, #tpu.memory_space<vmem>>, vector<128x128xf32>
    tpu.vector_store %arg2[%swap3A_568, %swap3A_569], %transpose3A_567 {strides = array<i32>} : memref<16384x128xf32, #tpu.memory_space<vmem>>, vector<128x128xf32>,
    %get3A_571 = arith.constant 0 : index
    %get3A_572 = arith.constant 24576 : index
    %get3A_573 = vector.load %arg1[%get3A_571, %get3A_572] : memref<32x65536xf32, #tpu.memory_space<vmem>>, vector<32x512xf32>
    %slice3A_574 = vector.extract_strided_slice %get3A_573 {offsets = [0, 0], sizes = [32, 128], strides = [1, 1]} : vector<32x512xf32> to vector<32x128xf32>
    %slice3A_575 = vector.extract_strided_slice %get3A_573 {offsets = [0, 128], sizes = [32, 128], strides = [1, 1]} : vector<32x512xf32> to vector<32x128xf32>
    %slice3A_576 = vector.extract_strided_slice %get3A_573 {offsets = [0, 256], sizes = [32, 128], strides = [1, 1]} : vector<32x512xf32> to vector<32x128xf32>
    %slice3A_577 = vector.extract_strided_slice %get3A_573 {offsets = [0, 384], sizes = [32, 128], strides = [1, 1]} : vector<32x512xf32> to vector<32x128xf32>
    %concatenate3A_578 = tpu.concatenate %slice3A_574, %slice3A_575, %slice3A_576, %slice3A_577 in 0 : vector<32x128xf32>, vector<32x128xf32>, vector<32x128xf32>, vector<32x128xf32> -> vector<128x128xf32>
    %transpose3A_579 = tpu.transpose %concatenate3A_578, [1, 0] : vector<128x128xf32> -> vector<128x128xf32>
    %swap3A_580 = arith.constant 6144 : index
    %swap3A_581 = arith.constant 0 : index
    %swap3A_582 = vector.load %arg2[%swap3A_580, %swap3A_581] : memref<16384x128xf32, #tpu.memory_space<vmem>>, vector<128x128xf32>
    tpu.vector_store %arg2[%swap3A_580, %swap3A_581], %transpose3A_579 {strides = array<i32>} : memref<16384x128xf32, #tpu.memory_space<vmem>>, vector<128x128xf32>,
    %get3A_583 = arith.constant 0 : index
    %get3A_584 = arith.constant 25088 : index
    %get3A_585 = vector.load %arg1[%get3A_583, %get3A_584] : memref<32x65536xf32, #tpu.memory_space<vmem>>, vector<32x512xf32>
    %slice3A_586 = vector.extract_strided_slice %get3A_585 {offsets = [0, 0], sizes = [32, 128], strides = [1, 1]} : vector<32x512xf32> to vector<32x128xf32>
    %slice3A_587 = vector.extract_strided_slice %get3A_585 {offsets = [0, 128], sizes = [32, 128], strides = [1, 1]} : vector<32x512xf32> to vector<32x128xf32>
    %slice3A_588 = vector.extract_strided_slice %get3A_585 {offsets = [0, 256], sizes = [32, 128], strides = [1, 1]} : vector<32x512xf32> to vector<32x128xf32>
    %slice3A_589 = vector.extract_strided_slice %get3A_585 {offsets = [0, 384], sizes = [32, 128], strides = [1, 1]} : vector<32x512xf32> to vector<32x128xf32>
    %concatenate3A_590 = tpu.concatenate %slice3A_586, %slice3A_587, %slice3A_588, %slice3A_589 in 0 : vector<32x128xf32>, vector<32x128xf32>, vector<32x128xf32>, vector<32x128xf32> -> vector<128x128xf32>
    %transpose3A_591 = tpu.transpose %concatenate3A_590, [1, 0] : vector<128x128xf32> -> vector<128x128xf32>
    %swap3A_592 = arith.constant 6272 : index
    %swap3A_593 = arith.constant 0 : index
    %swap3A_594 = vector.load %arg2[%swap3A_592, %swap3A_593] : memref<16384x128xf32, #tpu.memory_space<vmem>>, vector<128x128xf32>
    tpu.vector_store %arg2[%swap3A_592, %swap3A_593], %transpose3A_591 {strides = array<i32>} : memref<16384x128xf32, #tpu.memory_space<vmem>>, vector<128x128xf32>,
    %get3A_595 = arith.constant 0 : index
    %get3A_596 = arith.constant 25600 : index
    %get3A_597 = vector.load %arg1[%get3A_595, %get3A_596] : memref<32x65536xf32, #tpu.memory_space<vmem>>, vector<32x512xf32>
    %slice3A_598 = vector.extract_strided_slice %get3A_597 {offsets = [0, 0], sizes = [32, 128], strides = [1, 1]} : vector<32x512xf32> to vector<32x128xf32>
    %slice3A_599 = vector.extract_strided_slice %get3A_597 {offsets = [0, 128], sizes = [32, 128], strides = [1, 1]} : vector<32x512xf32> to vector<32x128xf32>
    %slice3A_600 = vector.extract_strided_slice %get3A_597 {offsets = [0, 256], sizes = [32, 128], strides = [1, 1]} : vector<32x512xf32> to vector<32x128xf32>
    %slice3A_601 = vector.extract_strided_slice %get3A_597 {offsets = [0, 384], sizes = [32, 128], strides = [1, 1]} : vector<32x512xf32> to vector<32x128xf32>
    %concatenate3A_602 = tpu.concatenate %slice3A_598, %slice3A_599, %slice3A_600, %slice3A_601 in 0 : vector<32x128xf32>, vector<32x128xf32>, vector<32x128xf32>, vector<32x128xf32> -> vector<128x128xf32>
    %transpose3A_603 = tpu.transpose %concatenate3A_602, [1, 0] : vector<128x128xf32> -> vector<128x128xf32>
    %swap3A_604 = arith.constant 6400 : index
    %swap3A_605 = arith.constant 0 : index
    %swap3A_606 = vector.load %arg2[%swap3A_604, %swap3A_605] : memref<16384x128xf32, #tpu.memory_space<vmem>>, vector<128x128xf32>
    tpu.vector_store %arg2[%swap3A_604, %swap3A_605], %transpose3A_603 {strides = array<i32>} : memref<16384x128xf32, #tpu.memory_space<vmem>>, vector<128x128xf32>,
    %get3A_607 = arith.constant 0 : index
    %get3A_608 = arith.constant 26112 : index
    %get3A_609 = vector.load %arg1[%get3A_607, %get3A_608] : memref<32x65536xf32, #tpu.memory_space<vmem>>, vector<32x512xf32>
    %slice3A_610 = vector.extract_strided_slice %get3A_609 {offsets = [0, 0], sizes = [32, 128], strides = [1, 1]} : vector<32x512xf32> to vector<32x128xf32>
    %slice3A_611 = vector.extract_strided_slice %get3A_609 {offsets = [0, 128], sizes = [32, 128], strides = [1, 1]} : vector<32x512xf32> to vector<32x128xf32>
    %slice3A_612 = vector.extract_strided_slice %get3A_609 {offsets = [0, 256], sizes = [32, 128], strides = [1, 1]} : vector<32x512xf32> to vector<32x128xf32>
    %slice3A_613 = vector.extract_strided_slice %get3A_609 {offsets = [0, 384], sizes = [32, 128], strides = [1, 1]} : vector<32x512xf32> to vector<32x128xf32>
    %concatenate3A_614 = tpu.concatenate %slice3A_610, %slice3A_611, %slice3A_612, %slice3A_613 in 0 : vector<32x128xf32>, vector<32x128xf32>, vector<32x128xf32>, vector<32x128xf32> -> vector<128x128xf32>
    %transpose3A_615 = tpu.transpose %concatenate3A_614, [1, 0] : vector<128x128xf32> -> vector<128x128xf32>
    %swap3A_616 = arith.constant 6528 : index
    %swap3A_617 = arith.constant 0 : index
    %swap3A_618 = vector.load %arg2[%swap3A_616, %swap3A_617] : memref<16384x128xf32, #tpu.memory_space<vmem>>, vector<128x128xf32>
    tpu.vector_store %arg2[%swap3A_616, %swap3A_617], %transpose3A_615 {strides = array<i32>} : memref<16384x128xf32, #tpu.memory_space<vmem>>, vector<128x128xf32>,
    %get3A_619 = arith.constant 0 : index
    %get3A_620 = arith.constant 26624 : index
    %get3A_621 = vector.load %arg1[%get3A_619, %get3A_620] : memref<32x65536xf32, #tpu.memory_space<vmem>>, vector<32x512xf32>
    %slice3A_622 = vector.extract_strided_slice %get3A_621 {offsets = [0, 0], sizes = [32, 128], strides = [1, 1]} : vector<32x512xf32> to vector<32x128xf32>
    %slice3A_623 = vector.extract_strided_slice %get3A_621 {offsets = [0, 128], sizes = [32, 128], strides = [1, 1]} : vector<32x512xf32> to vector<32x128xf32>
    %slice3A_624 = vector.extract_strided_slice %get3A_621 {offsets = [0, 256], sizes = [32, 128], strides = [1, 1]} : vector<32x512xf32> to vector<32x128xf32>
    %slice3A_625 = vector.extract_strided_slice %get3A_621 {offsets = [0, 384], sizes = [32, 128], strides = [1, 1]} : vector<32x512xf32> to vector<32x128xf32>
    %concatenate3A_626 = tpu.concatenate %slice3A_622, %slice3A_623, %slice3A_624, %slice3A_625 in 0 : vector<32x128xf32>, vector<32x128xf32>, vector<32x128xf32>, vector<32x128xf32> -> vector<128x128xf32>
    %transpose3A_627 = tpu.transpose %concatenate3A_626, [1, 0] : vector<128x128xf32> -> vector<128x128xf32>
    %swap3A_628 = arith.constant 6656 : index
    %swap3A_629 = arith.constant 0 : index
    %swap3A_630 = vector.load %arg2[%swap3A_628, %swap3A_629] : memref<16384x128xf32, #tpu.memory_space<vmem>>, vector<128x128xf32>
    tpu.vector_store %arg2[%swap3A_628, %swap3A_629], %transpose3A_627 {strides = array<i32>} : memref<16384x128xf32, #tpu.memory_space<vmem>>, vector<128x128xf32>,
    %get3A_631 = arith.constant 0 : index
    %get3A_632 = arith.constant 27136 : index
    %get3A_633 = vector.load %arg1[%get3A_631, %get3A_632] : memref<32x65536xf32, #tpu.memory_space<vmem>>, vector<32x512xf32>
    %slice3A_634 = vector.extract_strided_slice %get3A_633 {offsets = [0, 0], sizes = [32, 128], strides = [1, 1]} : vector<32x512xf32> to vector<32x128xf32>
    %slice3A_635 = vector.extract_strided_slice %get3A_633 {offsets = [0, 128], sizes = [32, 128], strides = [1, 1]} : vector<32x512xf32> to vector<32x128xf32>
    %slice3A_636 = vector.extract_strided_slice %get3A_633 {offsets = [0, 256], sizes = [32, 128], strides = [1, 1]} : vector<32x512xf32> to vector<32x128xf32>
    %slice3A_637 = vector.extract_strided_slice %get3A_633 {offsets = [0, 384], sizes = [32, 128], strides = [1, 1]} : vector<32x512xf32> to vector<32x128xf32>
    %concatenate3A_638 = tpu.concatenate %slice3A_634, %slice3A_635, %slice3A_636, %slice3A_637 in 0 : vector<32x128xf32>, vector<32x128xf32>, vector<32x128xf32>, vector<32x128xf32> -> vector<128x128xf32>
    %transpose3A_639 = tpu.transpose %concatenate3A_638, [1, 0] : vector<128x128xf32> -> vector<128x128xf32>
    %swap3A_640 = arith.constant 6784 : index
    %swap3A_641 = arith.constant 0 : index
    %swap3A_642 = vector.load %arg2[%swap3A_640, %swap3A_641] : memref<16384x128xf32, #tpu.memory_space<vmem>>, vector<128x128xf32>
    tpu.vector_store %arg2[%swap3A_640, %swap3A_641], %transpose3A_639 {strides = array<i32>} : memref<16384x128xf32, #tpu.memory_space<vmem>>, vector<128x128xf32>,
    %get3A_643 = arith.constant 0 : index
    %get3A_644 = arith.constant 27648 : index
    %get3A_645 = vector.load %arg1[%get3A_643, %get3A_644] : memref<32x65536xf32, #tpu.memory_space<vmem>>, vector<32x512xf32>
    %slice3A_646 = vector.extract_strided_slice %get3A_645 {offsets = [0, 0], sizes = [32, 128], strides = [1, 1]} : vector<32x512xf32> to vector<32x128xf32>
    %slice3A_647 = vector.extract_strided_slice %get3A_645 {offsets = [0, 128], sizes = [32, 128], strides = [1, 1]} : vector<32x512xf32> to vector<32x128xf32>
    %slice3A_648 = vector.extract_strided_slice %get3A_645 {offsets = [0, 256], sizes = [32, 128], strides = [1, 1]} : vector<32x512xf32> to vector<32x128xf32>
    %slice3A_649 = vector.extract_strided_slice %get3A_645 {offsets = [0, 384], sizes = [32, 128], strides = [1, 1]} : vector<32x512xf32> to vector<32x128xf32>
    %concatenate3A_650 = tpu.concatenate %slice3A_646, %slice3A_647, %slice3A_648, %slice3A_649 in 0 : vector<32x128xf32>, vector<32x128xf32>, vector<32x128xf32>, vector<32x128xf32> -> vector<128x128xf32>
    %transpose3A_651 = tpu.transpose %concatenate3A_650, [1, 0] : vector<128x128xf32> -> vector<128x128xf32>
    %swap3A_652 = arith.constant 6912 : index
    %swap3A_653 = arith.constant 0 : index
    %swap3A_654 = vector.load %arg2[%swap3A_652, %swap3A_653] : memref<16384x128xf32, #tpu.memory_space<vmem>>, vector<128x128xf32>
    tpu.vector_store %arg2[%swap3A_652, %swap3A_653], %transpose3A_651 {strides = array<i32>} : memref<16384x128xf32, #tpu.memory_space<vmem>>, vector<128x128xf32>,
    %get3A_655 = arith.constant 0 : index
    %get3A_656 = arith.constant 28160 : index
    %get3A_657 = vector.load %arg1[%get3A_655, %get3A_656] : memref<32x65536xf32, #tpu.memory_space<vmem>>, vector<32x512xf32>
    %slice3A_658 = vector.extract_strided_slice %get3A_657 {offsets = [0, 0], sizes = [32, 128], strides = [1, 1]} : vector<32x512xf32> to vector<32x128xf32>
    %slice3A_659 = vector.extract_strided_slice %get3A_657 {offsets = [0, 128], sizes = [32, 128], strides = [1, 1]} : vector<32x512xf32> to vector<32x128xf32>
    %slice3A_660 = vector.extract_strided_slice %get3A_657 {offsets = [0, 256], sizes = [32, 128], strides = [1, 1]} : vector<32x512xf32> to vector<32x128xf32>
    %slice3A_661 = vector.extract_strided_slice %get3A_657 {offsets = [0, 384], sizes = [32, 128], strides = [1, 1]} : vector<32x512xf32> to vector<32x128xf32>
    %concatenate3A_662 = tpu.concatenate %slice3A_658, %slice3A_659, %slice3A_660, %slice3A_661 in 0 : vector<32x128xf32>, vector<32x128xf32>, vector<32x128xf32>, vector<32x128xf32> -> vector<128x128xf32>
    %transpose3A_663 = tpu.transpose %concatenate3A_662, [1, 0] : vector<128x128xf32> -> vector<128x128xf32>
    %swap3A_664 = arith.constant 7040 : index
    %swap3A_665 = arith.constant 0 : index
    %swap3A_666 = vector.load %arg2[%swap3A_664, %swap3A_665] : memref<16384x128xf32, #tpu.memory_space<vmem>>, vector<128x128xf32>
    tpu.vector_store %arg2[%swap3A_664, %swap3A_665], %transpose3A_663 {strides = array<i32>} : memref<16384x128xf32, #tpu.memory_space<vmem>>, vector<128x128xf32>,
    %get3A_667 = arith.constant 0 : index
    %get3A_668 = arith.constant 28672 : index
    %get3A_669 = vector.load %arg1[%get3A_667, %get3A_668] : memref<32x65536xf32, #tpu.memory_space<vmem>>, vector<32x512xf32>
    %slice3A_670 = vector.extract_strided_slice %get3A_669 {offsets = [0, 0], sizes = [32, 128], strides = [1, 1]} : vector<32x512xf32> to vector<32x128xf32>
    %slice3A_671 = vector.extract_strided_slice %get3A_669 {offsets = [0, 128], sizes = [32, 128], strides = [1, 1]} : vector<32x512xf32> to vector<32x128xf32>
    %slice3A_672 = vector.extract_strided_slice %get3A_669 {offsets = [0, 256], sizes = [32, 128], strides = [1, 1]} : vector<32x512xf32> to vector<32x128xf32>
    %slice3A_673 = vector.extract_strided_slice %get3A_669 {offsets = [0, 384], sizes = [32, 128], strides = [1, 1]} : vector<32x512xf32> to vector<32x128xf32>
    %concatenate3A_674 = tpu.concatenate %slice3A_670, %slice3A_671, %slice3A_672, %slice3A_673 in 0 : vector<32x128xf32>, vector<32x128xf32>, vector<32x128xf32>, vector<32x128xf32> -> vector<128x128xf32>
    %transpose3A_675 = tpu.transpose %concatenate3A_674, [1, 0] : vector<128x128xf32> -> vector<128x128xf32>
    %swap3A_676 = arith.constant 7168 : index
    %swap3A_677 = arith.constant 0 : index
    %swap3A_678 = vector.load %arg2[%swap3A_676, %swap3A_677] : memref<16384x128xf32, #tpu.memory_space<vmem>>, vector<128x128xf32>
    tpu.vector_store %arg2[%swap3A_676, %swap3A_677], %transpose3A_675 {strides = array<i32>} : memref<16384x128xf32, #tpu.memory_space<vmem>>, vector<128x128xf32>,
    %get3A_679 = arith.constant 0 : index
    %get3A_680 = arith.constant 29184 : index
    %get3A_681 = vector.load %arg1[%get3A_679, %get3A_680] : memref<32x65536xf32, #tpu.memory_space<vmem>>, vector<32x512xf32>
    %slice3A_682 = vector.extract_strided_slice %get3A_681 {offsets = [0, 0], sizes = [32, 128], strides = [1, 1]} : vector<32x512xf32> to vector<32x128xf32>
    %slice3A_683 = vector.extract_strided_slice %get3A_681 {offsets = [0, 128], sizes = [32, 128], strides = [1, 1]} : vector<32x512xf32> to vector<32x128xf32>
    %slice3A_684 = vector.extract_strided_slice %get3A_681 {offsets = [0, 256], sizes = [32, 128], strides = [1, 1]} : vector<32x512xf32> to vector<32x128xf32>
    %slice3A_685 = vector.extract_strided_slice %get3A_681 {offsets = [0, 384], sizes = [32, 128], strides = [1, 1]} : vector<32x512xf32> to vector<32x128xf32>
    %concatenate3A_686 = tpu.concatenate %slice3A_682, %slice3A_683, %slice3A_684, %slice3A_685 in 0 : vector<32x128xf32>, vector<32x128xf32>, vector<32x128xf32>, vector<32x128xf32> -> vector<128x128xf32>
    %transpose3A_687 = tpu.transpose %concatenate3A_686, [1, 0] : vector<128x128xf32> -> vector<128x128xf32>
    %swap3A_688 = arith.constant 7296 : index
    %swap3A_689 = arith.constant 0 : index
    %swap3A_690 = vector.load %arg2[%swap3A_688, %swap3A_689] : memref<16384x128xf32, #tpu.memory_space<vmem>>, vector<128x128xf32>
    tpu.vector_store %arg2[%swap3A_688, %swap3A_689], %transpose3A_687 {strides = array<i32>} : memref<16384x128xf32, #tpu.memory_space<vmem>>, vector<128x128xf32>,
    %get3A_691 = arith.constant 0 : index
    %get3A_692 = arith.constant 29696 : index
    %get3A_693 = vector.load %arg1[%get3A_691, %get3A_692] : memref<32x65536xf32, #tpu.memory_space<vmem>>, vector<32x512xf32>
    %slice3A_694 = vector.extract_strided_slice %get3A_693 {offsets = [0, 0], sizes = [32, 128], strides = [1, 1]} : vector<32x512xf32> to vector<32x128xf32>
    %slice3A_695 = vector.extract_strided_slice %get3A_693 {offsets = [0, 128], sizes = [32, 128], strides = [1, 1]} : vector<32x512xf32> to vector<32x128xf32>
    %slice3A_696 = vector.extract_strided_slice %get3A_693 {offsets = [0, 256], sizes = [32, 128], strides = [1, 1]} : vector<32x512xf32> to vector<32x128xf32>
    %slice3A_697 = vector.extract_strided_slice %get3A_693 {offsets = [0, 384], sizes = [32, 128], strides = [1, 1]} : vector<32x512xf32> to vector<32x128xf32>
    %concatenate3A_698 = tpu.concatenate %slice3A_694, %slice3A_695, %slice3A_696, %slice3A_697 in 0 : vector<32x128xf32>, vector<32x128xf32>, vector<32x128xf32>, vector<32x128xf32> -> vector<128x128xf32>
    %transpose3A_699 = tpu.transpose %concatenate3A_698, [1, 0] : vector<128x128xf32> -> vector<128x128xf32>
    %swap3A_700 = arith.constant 7424 : index
    %swap3A_701 = arith.constant 0 : index
    %swap3A_702 = vector.load %arg2[%swap3A_700, %swap3A_701] : memref<16384x128xf32, #tpu.memory_space<vmem>>, vector<128x128xf32>
    tpu.vector_store %arg2[%swap3A_700, %swap3A_701], %transpose3A_699 {strides = array<i32>} : memref<16384x128xf32, #tpu.memory_space<vmem>>, vector<128x128xf32>,
    %get3A_703 = arith.constant 0 : index
    %get3A_704 = arith.constant 30208 : index
    %get3A_705 = vector.load %arg1[%get3A_703, %get3A_704] : memref<32x65536xf32, #tpu.memory_space<vmem>>, vector<32x512xf32>
    %slice3A_706 = vector.extract_strided_slice %get3A_705 {offsets = [0, 0], sizes = [32, 128], strides = [1, 1]} : vector<32x512xf32> to vector<32x128xf32>
    %slice3A_707 = vector.extract_strided_slice %get3A_705 {offsets = [0, 128], sizes = [32, 128], strides = [1, 1]} : vector<32x512xf32> to vector<32x128xf32>
    %slice3A_708 = vector.extract_strided_slice %get3A_705 {offsets = [0, 256], sizes = [32, 128], strides = [1, 1]} : vector<32x512xf32> to vector<32x128xf32>
    %slice3A_709 = vector.extract_strided_slice %get3A_705 {offsets = [0, 384], sizes = [32, 128], strides = [1, 1]} : vector<32x512xf32> to vector<32x128xf32>
    %concatenate3A_710 = tpu.concatenate %slice3A_706, %slice3A_707, %slice3A_708, %slice3A_709 in 0 : vector<32x128xf32>, vector<32x128xf32>, vector<32x128xf32>, vector<32x128xf32> -> vector<128x128xf32>
    %transpose3A_711 = tpu.transpose %concatenate3A_710, [1, 0] : vector<128x128xf32> -> vector<128x128xf32>
    %swap3A_712 = arith.constant 7552 : index
    %swap3A_713 = arith.constant 0 : index
    %swap3A_714 = vector.load %arg2[%swap3A_712, %swap3A_713] : memref<16384x128xf32, #tpu.memory_space<vmem>>, vector<128x128xf32>
    tpu.vector_store %arg2[%swap3A_712, %swap3A_713], %transpose3A_711 {strides = array<i32>} : memref<16384x128xf32, #tpu.memory_space<vmem>>, vector<128x128xf32>,
    %get3A_715 = arith.constant 0 : index
    %get3A_716 = arith.constant 30720 : index
    %get3A_717 = vector.load %arg1[%get3A_715, %get3A_716] : memref<32x65536xf32, #tpu.memory_space<vmem>>, vector<32x512xf32>
    %slice3A_718 = vector.extract_strided_slice %get3A_717 {offsets = [0, 0], sizes = [32, 128], strides = [1, 1]} : vector<32x512xf32> to vector<32x128xf32>
    %slice3A_719 = vector.extract_strided_slice %get3A_717 {offsets = [0, 128], sizes = [32, 128], strides = [1, 1]} : vector<32x512xf32> to vector<32x128xf32>
    %slice3A_720 = vector.extract_strided_slice %get3A_717 {offsets = [0, 256], sizes = [32, 128], strides = [1, 1]} : vector<32x512xf32> to vector<32x128xf32>
    %slice3A_721 = vector.extract_strided_slice %get3A_717 {offsets = [0, 384], sizes = [32, 128], strides = [1, 1]} : vector<32x512xf32> to vector<32x128xf32>
    %concatenate3A_722 = tpu.concatenate %slice3A_718, %slice3A_719, %slice3A_720, %slice3A_721 in 0 : vector<32x128xf32>, vector<32x128xf32>, vector<32x128xf32>, vector<32x128xf32> -> vector<128x128xf32>
    %transpose3A_723 = tpu.transpose %concatenate3A_722, [1, 0] : vector<128x128xf32> -> vector<128x128xf32>
    %swap3A_724 = arith.constant 7680 : index
    %swap3A_725 = arith.constant 0 : index
    %swap3A_726 = vector.load %arg2[%swap3A_724, %swap3A_725] : memref<16384x128xf32, #tpu.memory_space<vmem>>, vector<128x128xf32>
    tpu.vector_store %arg2[%swap3A_724, %swap3A_725], %transpose3A_723 {strides = array<i32>} : memref<16384x128xf32, #tpu.memory_space<vmem>>, vector<128x128xf32>,
    %get3A_727 = arith.constant 0 : index
    %get3A_728 = arith.constant 31232 : index
    %get3A_729 = vector.load %arg1[%get3A_727, %get3A_728] : memref<32x65536xf32, #tpu.memory_space<vmem>>, vector<32x512xf32>
    %slice3A_730 = vector.extract_strided_slice %get3A_729 {offsets = [0, 0], sizes = [32, 128], strides = [1, 1]} : vector<32x512xf32> to vector<32x128xf32>
    %slice3A_731 = vector.extract_strided_slice %get3A_729 {offsets = [0, 128], sizes = [32, 128], strides = [1, 1]} : vector<32x512xf32> to vector<32x128xf32>
    %slice3A_732 = vector.extract_strided_slice %get3A_729 {offsets = [0, 256], sizes = [32, 128], strides = [1, 1]} : vector<32x512xf32> to vector<32x128xf32>
    %slice3A_733 = vector.extract_strided_slice %get3A_729 {offsets = [0, 384], sizes = [32, 128], strides = [1, 1]} : vector<32x512xf32> to vector<32x128xf32>
    %concatenate3A_734 = tpu.concatenate %slice3A_730, %slice3A_731, %slice3A_732, %slice3A_733 in 0 : vector<32x128xf32>, vector<32x128xf32>, vector<32x128xf32>, vector<32x128xf32> -> vector<128x128xf32>
    %transpose3A_735 = tpu.transpose %concatenate3A_734, [1, 0] : vector<128x128xf32> -> vector<128x128xf32>
    %swap3A_736 = arith.constant 7808 : index
    %swap3A_737 = arith.constant 0 : index
    %swap3A_738 = vector.load %arg2[%swap3A_736, %swap3A_737] : memref<16384x128xf32, #tpu.memory_space<vmem>>, vector<128x128xf32>
    tpu.vector_store %arg2[%swap3A_736, %swap3A_737], %transpose3A_735 {strides = array<i32>} : memref<16384x128xf32, #tpu.memory_space<vmem>>, vector<128x128xf32>,
    %get3A_739 = arith.constant 0 : index
    %get3A_740 = arith.constant 31744 : index
    %get3A_741 = vector.load %arg1[%get3A_739, %get3A_740] : memref<32x65536xf32, #tpu.memory_space<vmem>>, vector<32x512xf32>
    %slice3A_742 = vector.extract_strided_slice %get3A_741 {offsets = [0, 0], sizes = [32, 128], strides = [1, 1]} : vector<32x512xf32> to vector<32x128xf32>
    %slice3A_743 = vector.extract_strided_slice %get3A_741 {offsets = [0, 128], sizes = [32, 128], strides = [1, 1]} : vector<32x512xf32> to vector<32x128xf32>
    %slice3A_744 = vector.extract_strided_slice %get3A_741 {offsets = [0, 256], sizes = [32, 128], strides = [1, 1]} : vector<32x512xf32> to vector<32x128xf32>
    %slice3A_745 = vector.extract_strided_slice %get3A_741 {offsets = [0, 384], sizes = [32, 128], strides = [1, 1]} : vector<32x512xf32> to vector<32x128xf32>
    %concatenate3A_746 = tpu.concatenate %slice3A_742, %slice3A_743, %slice3A_744, %slice3A_745 in 0 : vector<32x128xf32>, vector<32x128xf32>, vector<32x128xf32>, vector<32x128xf32> -> vector<128x128xf32>
    %transpose3A_747 = tpu.transpose %concatenate3A_746, [1, 0] : vector<128x128xf32> -> vector<128x128xf32>
    %swap3A_748 = arith.constant 7936 : index
    %swap3A_749 = arith.constant 0 : index
    %swap3A_750 = vector.load %arg2[%swap3A_748, %swap3A_749] : memref<16384x128xf32, #tpu.memory_space<vmem>>, vector<128x128xf32>
    tpu.vector_store %arg2[%swap3A_748, %swap3A_749], %transpose3A_747 {strides = array<i32>} : memref<16384x128xf32, #tpu.memory_space<vmem>>, vector<128x128xf32>,
    %get3A_751 = arith.constant 0 : index
    %get3A_752 = arith.constant 32256 : index
    %get3A_753 = vector.load %arg1[%get3A_751, %get3A_752] : memref<32x65536xf32, #tpu.memory_space<vmem>>, vector<32x512xf32>
    %slice3A_754 = vector.extract_strided_slice %get3A_753 {offsets = [0, 0], sizes = [32, 128], strides = [1, 1]} : vector<32x512xf32> to vector<32x128xf32>
    %slice3A_755 = vector.extract_strided_slice %get3A_753 {offsets = [0, 128], sizes = [32, 128], strides = [1, 1]} : vector<32x512xf32> to vector<32x128xf32>
    %slice3A_756 = vector.extract_strided_slice %get3A_753 {offsets = [0, 256], sizes = [32, 128], strides = [1, 1]} : vector<32x512xf32> to vector<32x128xf32>
    %slice3A_757 = vector.extract_strided_slice %get3A_753 {offsets = [0, 384], sizes = [32, 128], strides = [1, 1]} : vector<32x512xf32> to vector<32x128xf32>
    %concatenate3A_758 = tpu.concatenate %slice3A_754, %slice3A_755, %slice3A_756, %slice3A_757 in 0 : vector<32x128xf32>, vector<32x128xf32>, vector<32x128xf32>, vector<32x128xf32> -> vector<128x128xf32>
    %transpose3A_759 = tpu.transpose %concatenate3A_758, [1, 0] : vector<128x128xf32> -> vector<128x128xf32>
    %swap3A_760 = arith.constant 8064 : index
    %swap3A_761 = arith.constant 0 : index
    %swap3A_762 = vector.load %arg2[%swap3A_760, %swap3A_761] : memref<16384x128xf32, #tpu.memory_space<vmem>>, vector<128x128xf32>
    tpu.vector_store %arg2[%swap3A_760, %swap3A_761], %transpose3A_759 {strides = array<i32>} : memref<16384x128xf32, #tpu.memory_space<vmem>>, vector<128x128xf32>,
    %get3A_763 = arith.constant 0 : index
    %get3A_764 = arith.constant 32768 : index
    %get3A_765 = vector.load %arg1[%get3A_763, %get3A_764] : memref<32x65536xf32, #tpu.memory_space<vmem>>, vector<32x512xf32>
    %slice3A_766 = vector.extract_strided_slice %get3A_765 {offsets = [0, 0], sizes = [32, 128], strides = [1, 1]} : vector<32x512xf32> to vector<32x128xf32>
    %slice3A_767 = vector.extract_strided_slice %get3A_765 {offsets = [0, 128], sizes = [32, 128], strides = [1, 1]} : vector<32x512xf32> to vector<32x128xf32>
    %slice3A_768 = vector.extract_strided_slice %get3A_765 {offsets = [0, 256], sizes = [32, 128], strides = [1, 1]} : vector<32x512xf32> to vector<32x128xf32>
    %slice3A_769 = vector.extract_strided_slice %get3A_765 {offsets = [0, 384], sizes = [32, 128], strides = [1, 1]} : vector<32x512xf32> to vector<32x128xf32>
    %concatenate3A_770 = tpu.concatenate %slice3A_766, %slice3A_767, %slice3A_768, %slice3A_769 in 0 : vector<32x128xf32>, vector<32x128xf32>, vector<32x128xf32>, vector<32x128xf32> -> vector<128x128xf32>
    %transpose3A_771 = tpu.transpose %concatenate3A_770, [1, 0] : vector<128x128xf32> -> vector<128x128xf32>
    %swap3A_772 = arith.constant 8192 : index
    %swap3A_773 = arith.constant 0 : index
    %swap3A_774 = vector.load %arg2[%swap3A_772, %swap3A_773] : memref<16384x128xf32, #tpu.memory_space<vmem>>, vector<128x128xf32>
    tpu.vector_store %arg2[%swap3A_772, %swap3A_773], %transpose3A_771 {strides = array<i32>} : memref<16384x128xf32, #tpu.memory_space<vmem>>, vector<128x128xf32>,
    %get3A_775 = arith.constant 0 : index
    %get3A_776 = arith.constant 33280 : index
    %get3A_777 = vector.load %arg1[%get3A_775, %get3A_776] : memref<32x65536xf32, #tpu.memory_space<vmem>>, vector<32x512xf32>
    %slice3A_778 = vector.extract_strided_slice %get3A_777 {offsets = [0, 0], sizes = [32, 128], strides = [1, 1]} : vector<32x512xf32> to vector<32x128xf32>
    %slice3A_779 = vector.extract_strided_slice %get3A_777 {offsets = [0, 128], sizes = [32, 128], strides = [1, 1]} : vector<32x512xf32> to vector<32x128xf32>
    %slice3A_780 = vector.extract_strided_slice %get3A_777 {offsets = [0, 256], sizes = [32, 128], strides = [1, 1]} : vector<32x512xf32> to vector<32x128xf32>
    %slice3A_781 = vector.extract_strided_slice %get3A_777 {offsets = [0, 384], sizes = [32, 128], strides = [1, 1]} : vector<32x512xf32> to vector<32x128xf32>
    %concatenate3A_782 = tpu.concatenate %slice3A_778, %slice3A_779, %slice3A_780, %slice3A_781 in 0 : vector<32x128xf32>, vector<32x128xf32>, vector<32x128xf32>, vector<32x128xf32> -> vector<128x128xf32>
    %transpose3A_783 = tpu.transpose %concatenate3A_782, [1, 0] : vector<128x128xf32> -> vector<128x128xf32>
    %swap3A_784 = arith.constant 8320 : index
    %swap3A_785 = arith.constant 0 : index
    %swap3A_786 = vector.load %arg2[%swap3A_784, %swap3A_785] : memref<16384x128xf32, #tpu.memory_space<vmem>>, vector<128x128xf32>
    tpu.vector_store %arg2[%swap3A_784, %swap3A_785], %transpose3A_783 {strides = array<i32>} : memref<16384x128xf32, #tpu.memory_space<vmem>>, vector<128x128xf32>,
    %get3A_787 = arith.constant 0 : index
    %get3A_788 = arith.constant 33792 : index
    %get3A_789 = vector.load %arg1[%get3A_787, %get3A_788] : memref<32x65536xf32, #tpu.memory_space<vmem>>, vector<32x512xf32>
    %slice3A_790 = vector.extract_strided_slice %get3A_789 {offsets = [0, 0], sizes = [32, 128], strides = [1, 1]} : vector<32x512xf32> to vector<32x128xf32>
    %slice3A_791 = vector.extract_strided_slice %get3A_789 {offsets = [0, 128], sizes = [32, 128], strides = [1, 1]} : vector<32x512xf32> to vector<32x128xf32>
    %slice3A_792 = vector.extract_strided_slice %get3A_789 {offsets = [0, 256], sizes = [32, 128], strides = [1, 1]} : vector<32x512xf32> to vector<32x128xf32>
    %slice3A_793 = vector.extract_strided_slice %get3A_789 {offsets = [0, 384], sizes = [32, 128], strides = [1, 1]} : vector<32x512xf32> to vector<32x128xf32>
    %concatenate3A_794 = tpu.concatenate %slice3A_790, %slice3A_791, %slice3A_792, %slice3A_793 in 0 : vector<32x128xf32>, vector<32x128xf32>, vector<32x128xf32>, vector<32x128xf32> -> vector<128x128xf32>
    %transpose3A_795 = tpu.transpose %concatenate3A_794, [1, 0] : vector<128x128xf32> -> vector<128x128xf32>
    %swap3A_796 = arith.constant 8448 : index
    %swap3A_797 = arith.constant 0 : index
    %swap3A_798 = vector.load %arg2[%swap3A_796, %swap3A_797] : memref<16384x128xf32, #tpu.memory_space<vmem>>, vector<128x128xf32>
    tpu.vector_store %arg2[%swap3A_796, %swap3A_797], %transpose3A_795 {strides = array<i32>} : memref<16384x128xf32, #tpu.memory_space<vmem>>, vector<128x128xf32>,
    %get3A_799 = arith.constant 0 : index
    %get3A_800 = arith.constant 34304 : index
    %get3A_801 = vector.load %arg1[%get3A_799, %get3A_800] : memref<32x65536xf32, #tpu.memory_space<vmem>>, vector<32x512xf32>
    %slice3A_802 = vector.extract_strided_slice %get3A_801 {offsets = [0, 0], sizes = [32, 128], strides = [1, 1]} : vector<32x512xf32> to vector<32x128xf32>
    %slice3A_803 = vector.extract_strided_slice %get3A_801 {offsets = [0, 128], sizes = [32, 128], strides = [1, 1]} : vector<32x512xf32> to vector<32x128xf32>
    %slice3A_804 = vector.extract_strided_slice %get3A_801 {offsets = [0, 256], sizes = [32, 128], strides = [1, 1]} : vector<32x512xf32> to vector<32x128xf32>
    %slice3A_805 = vector.extract_strided_slice %get3A_801 {offsets = [0, 384], sizes = [32, 128], strides = [1, 1]} : vector<32x512xf32> to vector<32x128xf32>
    %concatenate3A_806 = tpu.concatenate %slice3A_802, %slice3A_803, %slice3A_804, %slice3A_805 in 0 : vector<32x128xf32>, vector<32x128xf32>, vector<32x128xf32>, vector<32x128xf32> -> vector<128x128xf32>
    %transpose3A_807 = tpu.transpose %concatenate3A_806, [1, 0] : vector<128x128xf32> -> vector<128x128xf32>
    %swap3A_808 = arith.constant 8576 : index
    %swap3A_809 = arith.constant 0 : index
    %swap3A_810 = vector.load %arg2[%swap3A_808, %swap3A_809] : memref<16384x128xf32, #tpu.memory_space<vmem>>, vector<128x128xf32>
    tpu.vector_store %arg2[%swap3A_808, %swap3A_809], %transpose3A_807 {strides = array<i32>} : memref<16384x128xf32, #tpu.memory_space<vmem>>, vector<128x128xf32>,
    %get3A_811 = arith.constant 0 : index
    %get3A_812 = arith.constant 34816 : index
    %get3A_813 = vector.load %arg1[%get3A_811, %get3A_812] : memref<32x65536xf32, #tpu.memory_space<vmem>>, vector<32x512xf32>
    %slice3A_814 = vector.extract_strided_slice %get3A_813 {offsets = [0, 0], sizes = [32, 128], strides = [1, 1]} : vector<32x512xf32> to vector<32x128xf32>
    %slice3A_815 = vector.extract_strided_slice %get3A_813 {offsets = [0, 128], sizes = [32, 128], strides = [1, 1]} : vector<32x512xf32> to vector<32x128xf32>
    %slice3A_816 = vector.extract_strided_slice %get3A_813 {offsets = [0, 256], sizes = [32, 128], strides = [1, 1]} : vector<32x512xf32> to vector<32x128xf32>
    %slice3A_817 = vector.extract_strided_slice %get3A_813 {offsets = [0, 384], sizes = [32, 128], strides = [1, 1]} : vector<32x512xf32> to vector<32x128xf32>
    %concatenate3A_818 = tpu.concatenate %slice3A_814, %slice3A_815, %slice3A_816, %slice3A_817 in 0 : vector<32x128xf32>, vector<32x128xf32>, vector<32x128xf32>, vector<32x128xf32> -> vector<128x128xf32>
    %transpose3A_819 = tpu.transpose %concatenate3A_818, [1, 0] : vector<128x128xf32> -> vector<128x128xf32>
    %swap3A_820 = arith.constant 8704 : index
    %swap3A_821 = arith.constant 0 : index
    %swap3A_822 = vector.load %arg2[%swap3A_820, %swap3A_821] : memref<16384x128xf32, #tpu.memory_space<vmem>>, vector<128x128xf32>
    tpu.vector_store %arg2[%swap3A_820, %swap3A_821], %transpose3A_819 {strides = array<i32>} : memref<16384x128xf32, #tpu.memory_space<vmem>>, vector<128x128xf32>,
    %get3A_823 = arith.constant 0 : index
    %get3A_824 = arith.constant 35328 : index
    %get3A_825 = vector.load %arg1[%get3A_823, %get3A_824] : memref<32x65536xf32, #tpu.memory_space<vmem>>, vector<32x512xf32>
    %slice3A_826 = vector.extract_strided_slice %get3A_825 {offsets = [0, 0], sizes = [32, 128], strides = [1, 1]} : vector<32x512xf32> to vector<32x128xf32>
    %slice3A_827 = vector.extract_strided_slice %get3A_825 {offsets = [0, 128], sizes = [32, 128], strides = [1, 1]} : vector<32x512xf32> to vector<32x128xf32>
    %slice3A_828 = vector.extract_strided_slice %get3A_825 {offsets = [0, 256], sizes = [32, 128], strides = [1, 1]} : vector<32x512xf32> to vector<32x128xf32>
    %slice3A_829 = vector.extract_strided_slice %get3A_825 {offsets = [0, 384], sizes = [32, 128], strides = [1, 1]} : vector<32x512xf32> to vector<32x128xf32>
    %concatenate3A_830 = tpu.concatenate %slice3A_826, %slice3A_827, %slice3A_828, %slice3A_829 in 0 : vector<32x128xf32>, vector<32x128xf32>, vector<32x128xf32>, vector<32x128xf32> -> vector<128x128xf32>
    %transpose3A_831 = tpu.transpose %concatenate3A_830, [1, 0] : vector<128x128xf32> -> vector<128x128xf32>
    %swap3A_832 = arith.constant 8832 : index
    %swap3A_833 = arith.constant 0 : index
    %swap3A_834 = vector.load %arg2[%swap3A_832, %swap3A_833] : memref<16384x128xf32, #tpu.memory_space<vmem>>, vector<128x128xf32>
    tpu.vector_store %arg2[%swap3A_832, %swap3A_833], %transpose3A_831 {strides = array<i32>} : memref<16384x128xf32, #tpu.memory_space<vmem>>, vector<128x128xf32>,
    %get3A_835 = arith.constant 0 : index
    %get3A_836 = arith.constant 35840 : index
    %get3A_837 = vector.load %arg1[%get3A_835, %get3A_836] : memref<32x65536xf32, #tpu.memory_space<vmem>>, vector<32x512xf32>
    %slice3A_838 = vector.extract_strided_slice %get3A_837 {offsets = [0, 0], sizes = [32, 128], strides = [1, 1]} : vector<32x512xf32> to vector<32x128xf32>
    %slice3A_839 = vector.extract_strided_slice %get3A_837 {offsets = [0, 128], sizes = [32, 128], strides = [1, 1]} : vector<32x512xf32> to vector<32x128xf32>
    %slice3A_840 = vector.extract_strided_slice %get3A_837 {offsets = [0, 256], sizes = [32, 128], strides = [1, 1]} : vector<32x512xf32> to vector<32x128xf32>
    %slice3A_841 = vector.extract_strided_slice %get3A_837 {offsets = [0, 384], sizes = [32, 128], strides = [1, 1]} : vector<32x512xf32> to vector<32x128xf32>
    %concatenate3A_842 = tpu.concatenate %slice3A_838, %slice3A_839, %slice3A_840, %slice3A_841 in 0 : vector<32x128xf32>, vector<32x128xf32>, vector<32x128xf32>, vector<32x128xf32> -> vector<128x128xf32>
    %transpose3A_843 = tpu.transpose %concatenate3A_842, [1, 0] : vector<128x128xf32> -> vector<128x128xf32>
    %swap3A_844 = arith.constant 8960 : index
    %swap3A_845 = arith.constant 0 : index
    %swap3A_846 = vector.load %arg2[%swap3A_844, %swap3A_845] : memref<16384x128xf32, #tpu.memory_space<vmem>>, vector<128x128xf32>
    tpu.vector_store %arg2[%swap3A_844, %swap3A_845], %transpose3A_843 {strides = array<i32>} : memref<16384x128xf32, #tpu.memory_space<vmem>>, vector<128x128xf32>,
    %get3A_847 = arith.constant 0 : index
    %get3A_848 = arith.constant 36352 : index
    %get3A_849 = vector.load %arg1[%get3A_847, %get3A_848] : memref<32x65536xf32, #tpu.memory_space<vmem>>, vector<32x512xf32>
    %slice3A_850 = vector.extract_strided_slice %get3A_849 {offsets = [0, 0], sizes = [32, 128], strides = [1, 1]} : vector<32x512xf32> to vector<32x128xf32>
    %slice3A_851 = vector.extract_strided_slice %get3A_849 {offsets = [0, 128], sizes = [32, 128], strides = [1, 1]} : vector<32x512xf32> to vector<32x128xf32>
    %slice3A_852 = vector.extract_strided_slice %get3A_849 {offsets = [0, 256], sizes = [32, 128], strides = [1, 1]} : vector<32x512xf32> to vector<32x128xf32>
    %slice3A_853 = vector.extract_strided_slice %get3A_849 {offsets = [0, 384], sizes = [32, 128], strides = [1, 1]} : vector<32x512xf32> to vector<32x128xf32>
    %concatenate3A_854 = tpu.concatenate %slice3A_850, %slice3A_851, %slice3A_852, %slice3A_853 in 0 : vector<32x128xf32>, vector<32x128xf32>, vector<32x128xf32>, vector<32x128xf32> -> vector<128x128xf32>
    %transpose3A_855 = tpu.transpose %concatenate3A_854, [1, 0] : vector<128x128xf32> -> vector<128x128xf32>
    %swap3A_856 = arith.constant 9088 : index
    %swap3A_857 = arith.constant 0 : index
    %swap3A_858 = vector.load %arg2[%swap3A_856, %swap3A_857] : memref<16384x128xf32, #tpu.memory_space<vmem>>, vector<128x128xf32>
    tpu.vector_store %arg2[%swap3A_856, %swap3A_857], %transpose3A_855 {strides = array<i32>} : memref<16384x128xf32, #tpu.memory_space<vmem>>, vector<128x128xf32>,
    %get3A_859 = arith.constant 0 : index
    %get3A_860 = arith.constant 36864 : index
    %get3A_861 = vector.load %arg1[%get3A_859, %get3A_860] : memref<32x65536xf32, #tpu.memory_space<vmem>>, vector<32x512xf32>
    %slice3A_862 = vector.extract_strided_slice %get3A_861 {offsets = [0, 0], sizes = [32, 128], strides = [1, 1]} : vector<32x512xf32> to vector<32x128xf32>
    %slice3A_863 = vector.extract_strided_slice %get3A_861 {offsets = [0, 128], sizes = [32, 128], strides = [1, 1]} : vector<32x512xf32> to vector<32x128xf32>
    %slice3A_864 = vector.extract_strided_slice %get3A_861 {offsets = [0, 256], sizes = [32, 128], strides = [1, 1]} : vector<32x512xf32> to vector<32x128xf32>
    %slice3A_865 = vector.extract_strided_slice %get3A_861 {offsets = [0, 384], sizes = [32, 128], strides = [1, 1]} : vector<32x512xf32> to vector<32x128xf32>
    %concatenate3A_866 = tpu.concatenate %slice3A_862, %slice3A_863, %slice3A_864, %slice3A_865 in 0 : vector<32x128xf32>, vector<32x128xf32>, vector<32x128xf32>, vector<32x128xf32> -> vector<128x128xf32>
    %transpose3A_867 = tpu.transpose %concatenate3A_866, [1, 0] : vector<128x128xf32> -> vector<128x128xf32>
    %swap3A_868 = arith.constant 9216 : index
    %swap3A_869 = arith.constant 0 : index
    %swap3A_870 = vector.load %arg2[%swap3A_868, %swap3A_869] : memref<16384x128xf32, #tpu.memory_space<vmem>>, vector<128x128xf32>
    tpu.vector_store %arg2[%swap3A_868, %swap3A_869], %transpose3A_867 {strides = array<i32>} : memref<16384x128xf32, #tpu.memory_space<vmem>>, vector<128x128xf32>,
    %get3A_871 = arith.constant 0 : index
    %get3A_872 = arith.constant 37376 : index
    %get3A_873 = vector.load %arg1[%get3A_871, %get3A_872] : memref<32x65536xf32, #tpu.memory_space<vmem>>, vector<32x512xf32>
    %slice3A_874 = vector.extract_strided_slice %get3A_873 {offsets = [0, 0], sizes = [32, 128], strides = [1, 1]} : vector<32x512xf32> to vector<32x128xf32>
    %slice3A_875 = vector.extract_strided_slice %get3A_873 {offsets = [0, 128], sizes = [32, 128], strides = [1, 1]} : vector<32x512xf32> to vector<32x128xf32>
    %slice3A_876 = vector.extract_strided_slice %get3A_873 {offsets = [0, 256], sizes = [32, 128], strides = [1, 1]} : vector<32x512xf32> to vector<32x128xf32>
    %slice3A_877 = vector.extract_strided_slice %get3A_873 {offsets = [0, 384], sizes = [32, 128], strides = [1, 1]} : vector<32x512xf32> to vector<32x128xf32>
    %concatenate3A_878 = tpu.concatenate %slice3A_874, %slice3A_875, %slice3A_876, %slice3A_877 in 0 : vector<32x128xf32>, vector<32x128xf32>, vector<32x128xf32>, vector<32x128xf32> -> vector<128x128xf32>
    %transpose3A_879 = tpu.transpose %concatenate3A_878, [1, 0] : vector<128x128xf32> -> vector<128x128xf32>
    %swap3A_880 = arith.constant 9344 : index
    %swap3A_881 = arith.constant 0 : index
    %swap3A_882 = vector.load %arg2[%swap3A_880, %swap3A_881] : memref<16384x128xf32, #tpu.memory_space<vmem>>, vector<128x128xf32>
    tpu.vector_store %arg2[%swap3A_880, %swap3A_881], %transpose3A_879 {strides = array<i32>} : memref<16384x128xf32, #tpu.memory_space<vmem>>, vector<128x128xf32>,
    %get3A_883 = arith.constant 0 : index
    %get3A_884 = arith.constant 37888 : index
    %get3A_885 = vector.load %arg1[%get3A_883, %get3A_884] : memref<32x65536xf32, #tpu.memory_space<vmem>>, vector<32x512xf32>
    %slice3A_886 = vector.extract_strided_slice %get3A_885 {offsets = [0, 0], sizes = [32, 128], strides = [1, 1]} : vector<32x512xf32> to vector<32x128xf32>
    %slice3A_887 = vector.extract_strided_slice %get3A_885 {offsets = [0, 128], sizes = [32, 128], strides = [1, 1]} : vector<32x512xf32> to vector<32x128xf32>
    %slice3A_888 = vector.extract_strided_slice %get3A_885 {offsets = [0, 256], sizes = [32, 128], strides = [1, 1]} : vector<32x512xf32> to vector<32x128xf32>
    %slice3A_889 = vector.extract_strided_slice %get3A_885 {offsets = [0, 384], sizes = [32, 128], strides = [1, 1]} : vector<32x512xf32> to vector<32x128xf32>
    %concatenate3A_890 = tpu.concatenate %slice3A_886, %slice3A_887, %slice3A_888, %slice3A_889 in 0 : vector<32x128xf32>, vector<32x128xf32>, vector<32x128xf32>, vector<32x128xf32> -> vector<128x128xf32>
    %transpose3A_891 = tpu.transpose %concatenate3A_890, [1, 0] : vector<128x128xf32> -> vector<128x128xf32>
    %swap3A_892 = arith.constant 9472 : index
    %swap3A_893 = arith.constant 0 : index
    %swap3A_894 = vector.load %arg2[%swap3A_892, %swap3A_893] : memref<16384x128xf32, #tpu.memory_space<vmem>>, vector<128x128xf32>
    tpu.vector_store %arg2[%swap3A_892, %swap3A_893], %transpose3A_891 {strides = array<i32>} : memref<16384x128xf32, #tpu.memory_space<vmem>>, vector<128x128xf32>,
    %get3A_895 = arith.constant 0 : index
    %get3A_896 = arith.constant 38400 : index
    %get3A_897 = vector.load %arg1[%get3A_895, %get3A_896] : memref<32x65536xf32, #tpu.memory_space<vmem>>, vector<32x512xf32>
    %slice3A_898 = vector.extract_strided_slice %get3A_897 {offsets = [0, 0], sizes = [32, 128], strides = [1, 1]} : vector<32x512xf32> to vector<32x128xf32>
    %slice3A_899 = vector.extract_strided_slice %get3A_897 {offsets = [0, 128], sizes = [32, 128], strides = [1, 1]} : vector<32x512xf32> to vector<32x128xf32>
    %slice3A_900 = vector.extract_strided_slice %get3A_897 {offsets = [0, 256], sizes = [32, 128], strides = [1, 1]} : vector<32x512xf32> to vector<32x128xf32>
    %slice3A_901 = vector.extract_strided_slice %get3A_897 {offsets = [0, 384], sizes = [32, 128], strides = [1, 1]} : vector<32x512xf32> to vector<32x128xf32>
    %concatenate3A_902 = tpu.concatenate %slice3A_898, %slice3A_899, %slice3A_900, %slice3A_901 in 0 : vector<32x128xf32>, vector<32x128xf32>, vector<32x128xf32>, vector<32x128xf32> -> vector<128x128xf32>
    %transpose3A_903 = tpu.transpose %concatenate3A_902, [1, 0] : vector<128x128xf32> -> vector<128x128xf32>
    %swap3A_904 = arith.constant 9600 : index
    %swap3A_905 = arith.constant 0 : index
    %swap3A_906 = vector.load %arg2[%swap3A_904, %swap3A_905] : memref<16384x128xf32, #tpu.memory_space<vmem>>, vector<128x128xf32>
    tpu.vector_store %arg2[%swap3A_904, %swap3A_905], %transpose3A_903 {strides = array<i32>} : memref<16384x128xf32, #tpu.memory_space<vmem>>, vector<128x128xf32>,
    %get3A_907 = arith.constant 0 : index
    %get3A_908 = arith.constant 38912 : index
    %get3A_909 = vector.load %arg1[%get3A_907, %get3A_908] : memref<32x65536xf32, #tpu.memory_space<vmem>>, vector<32x512xf32>
    %slice3A_910 = vector.extract_strided_slice %get3A_909 {offsets = [0, 0], sizes = [32, 128], strides = [1, 1]} : vector<32x512xf32> to vector<32x128xf32>
    %slice3A_911 = vector.extract_strided_slice %get3A_909 {offsets = [0, 128], sizes = [32, 128], strides = [1, 1]} : vector<32x512xf32> to vector<32x128xf32>
    %slice3A_912 = vector.extract_strided_slice %get3A_909 {offsets = [0, 256], sizes = [32, 128], strides = [1, 1]} : vector<32x512xf32> to vector<32x128xf32>
    %slice3A_913 = vector.extract_strided_slice %get3A_909 {offsets = [0, 384], sizes = [32, 128], strides = [1, 1]} : vector<32x512xf32> to vector<32x128xf32>
    %concatenate3A_914 = tpu.concatenate %slice3A_910, %slice3A_911, %slice3A_912, %slice3A_913 in 0 : vector<32x128xf32>, vector<32x128xf32>, vector<32x128xf32>, vector<32x128xf32> -> vector<128x128xf32>
    %transpose3A_915 = tpu.transpose %concatenate3A_914, [1, 0] : vector<128x128xf32> -> vector<128x128xf32>
    %swap3A_916 = arith.constant 9728 : index
    %swap3A_917 = arith.constant 0 : index
    %swap3A_918 = vector.load %arg2[%swap3A_916, %swap3A_917] : memref<16384x128xf32, #tpu.memory_space<vmem>>, vector<128x128xf32>
    tpu.vector_store %arg2[%swap3A_916, %swap3A_917], %transpose3A_915 {strides = array<i32>} : memref<16384x128xf32, #tpu.memory_space<vmem>>, vector<128x128xf32>,
    %get3A_919 = arith.constant 0 : index
    %get3A_920 = arith.constant 39424 : index
    %get3A_921 = vector.load %arg1[%get3A_919, %get3A_920] : memref<32x65536xf32, #tpu.memory_space<vmem>>, vector<32x512xf32>
    %slice3A_922 = vector.extract_strided_slice %get3A_921 {offsets = [0, 0], sizes = [32, 128], strides = [1, 1]} : vector<32x512xf32> to vector<32x128xf32>
    %slice3A_923 = vector.extract_strided_slice %get3A_921 {offsets = [0, 128], sizes = [32, 128], strides = [1, 1]} : vector<32x512xf32> to vector<32x128xf32>
    %slice3A_924 = vector.extract_strided_slice %get3A_921 {offsets = [0, 256], sizes = [32, 128], strides = [1, 1]} : vector<32x512xf32> to vector<32x128xf32>
    %slice3A_925 = vector.extract_strided_slice %get3A_921 {offsets = [0, 384], sizes = [32, 128], strides = [1, 1]} : vector<32x512xf32> to vector<32x128xf32>
    %concatenate3A_926 = tpu.concatenate %slice3A_922, %slice3A_923, %slice3A_924, %slice3A_925 in 0 : vector<32x128xf32>, vector<32x128xf32>, vector<32x128xf32>, vector<32x128xf32> -> vector<128x128xf32>
    %transpose3A_927 = tpu.transpose %concatenate3A_926, [1, 0] : vector<128x128xf32> -> vector<128x128xf32>
    %swap3A_928 = arith.constant 9856 : index
    %swap3A_929 = arith.constant 0 : index
    %swap3A_930 = vector.load %arg2[%swap3A_928, %swap3A_929] : memref<16384x128xf32, #tpu.memory_space<vmem>>, vector<128x128xf32>
    tpu.vector_store %arg2[%swap3A_928, %swap3A_929], %transpose3A_927 {strides = array<i32>} : memref<16384x128xf32, #tpu.memory_space<vmem>>, vector<128x128xf32>,
    %get3A_931 = arith.constant 0 : index
    %get3A_932 = arith.constant 39936 : index
    %get3A_933 = vector.load %arg1[%get3A_931, %get3A_932] : memref<32x65536xf32, #tpu.memory_space<vmem>>, vector<32x512xf32>
    %slice3A_934 = vector.extract_strided_slice %get3A_933 {offsets = [0, 0], sizes = [32, 128], strides = [1, 1]} : vector<32x512xf32> to vector<32x128xf32>
    %slice3A_935 = vector.extract_strided_slice %get3A_933 {offsets = [0, 128], sizes = [32, 128], strides = [1, 1]} : vector<32x512xf32> to vector<32x128xf32>
    %slice3A_936 = vector.extract_strided_slice %get3A_933 {offsets = [0, 256], sizes = [32, 128], strides = [1, 1]} : vector<32x512xf32> to vector<32x128xf32>
    %slice3A_937 = vector.extract_strided_slice %get3A_933 {offsets = [0, 384], sizes = [32, 128], strides = [1, 1]} : vector<32x512xf32> to vector<32x128xf32>
    %concatenate3A_938 = tpu.concatenate %slice3A_934, %slice3A_935, %slice3A_936, %slice3A_937 in 0 : vector<32x128xf32>, vector<32x128xf32>, vector<32x128xf32>, vector<32x128xf32> -> vector<128x128xf32>
    %transpose3A_939 = tpu.transpose %concatenate3A_938, [1, 0] : vector<128x128xf32> -> vector<128x128xf32>
    %swap3A_940 = arith.constant 9984 : index
    %swap3A_941 = arith.constant 0 : index
    %swap3A_942 = vector.load %arg2[%swap3A_940, %swap3A_941] : memref<16384x128xf32, #tpu.memory_space<vmem>>, vector<128x128xf32>
    tpu.vector_store %arg2[%swap3A_940, %swap3A_941], %transpose3A_939 {strides = array<i32>} : memref<16384x128xf32, #tpu.memory_space<vmem>>, vector<128x128xf32>,
    %get3A_943 = arith.constant 0 : index
    %get3A_944 = arith.constant 40448 : index
    %get3A_945 = vector.load %arg1[%get3A_943, %get3A_944] : memref<32x65536xf32, #tpu.memory_space<vmem>>, vector<32x512xf32>
    %slice3A_946 = vector.extract_strided_slice %get3A_945 {offsets = [0, 0], sizes = [32, 128], strides = [1, 1]} : vector<32x512xf32> to vector<32x128xf32>
    %slice3A_947 = vector.extract_strided_slice %get3A_945 {offsets = [0, 128], sizes = [32, 128], strides = [1, 1]} : vector<32x512xf32> to vector<32x128xf32>
    %slice3A_948 = vector.extract_strided_slice %get3A_945 {offsets = [0, 256], sizes = [32, 128], strides = [1, 1]} : vector<32x512xf32> to vector<32x128xf32>
    %slice3A_949 = vector.extract_strided_slice %get3A_945 {offsets = [0, 384], sizes = [32, 128], strides = [1, 1]} : vector<32x512xf32> to vector<32x128xf32>
    %concatenate3A_950 = tpu.concatenate %slice3A_946, %slice3A_947, %slice3A_948, %slice3A_949 in 0 : vector<32x128xf32>, vector<32x128xf32>, vector<32x128xf32>, vector<32x128xf32> -> vector<128x128xf32>
    %transpose3A_951 = tpu.transpose %concatenate3A_950, [1, 0] : vector<128x128xf32> -> vector<128x128xf32>
    %swap3A_952 = arith.constant 10112 : index
    %swap3A_953 = arith.constant 0 : index
    %swap3A_954 = vector.load %arg2[%swap3A_952, %swap3A_953] : memref<16384x128xf32, #tpu.memory_space<vmem>>, vector<128x128xf32>
    tpu.vector_store %arg2[%swap3A_952, %swap3A_953], %transpose3A_951 {strides = array<i32>} : memref<16384x128xf32, #tpu.memory_space<vmem>>, vector<128x128xf32>,
    %get3A_955 = arith.constant 0 : index
    %get3A_956 = arith.constant 40960 : index
    %get3A_957 = vector.load %arg1[%get3A_955, %get3A_956] : memref<32x65536xf32, #tpu.memory_space<vmem>>, vector<32x512xf32>
    %slice3A_958 = vector.extract_strided_slice %get3A_957 {offsets = [0, 0], sizes = [32, 128], strides = [1, 1]} : vector<32x512xf32> to vector<32x128xf32>
    %slice3A_959 = vector.extract_strided_slice %get3A_957 {offsets = [0, 128], sizes = [32, 128], strides = [1, 1]} : vector<32x512xf32> to vector<32x128xf32>
    %slice3A_960 = vector.extract_strided_slice %get3A_957 {offsets = [0, 256], sizes = [32, 128], strides = [1, 1]} : vector<32x512xf32> to vector<32x128xf32>
    %slice3A_961 = vector.extract_strided_slice %get3A_957 {offsets = [0, 384], sizes = [32, 128], strides = [1, 1]} : vector<32x512xf32> to vector<32x128xf32>
    %concatenate3A_962 = tpu.concatenate %slice3A_958, %slice3A_959, %slice3A_960, %slice3A_961 in 0 : vector<32x128xf32>, vector<32x128xf32>, vector<32x128xf32>, vector<32x128xf32> -> vector<128x128xf32>
    %transpose3A_963 = tpu.transpose %concatenate3A_962, [1, 0] : vector<128x128xf32> -> vector<128x128xf32>
    %swap3A_964 = arith.constant 10240 : index
    %swap3A_965 = arith.constant 0 : index
    %swap3A_966 = vector.load %arg2[%swap3A_964, %swap3A_965] : memref<16384x128xf32, #tpu.memory_space<vmem>>, vector<128x128xf32>
    tpu.vector_store %arg2[%swap3A_964, %swap3A_965], %transpose3A_963 {strides = array<i32>} : memref<16384x128xf32, #tpu.memory_space<vmem>>, vector<128x128xf32>,
    %get3A_967 = arith.constant 0 : index
    %get3A_968 = arith.constant 41472 : index
    %get3A_969 = vector.load %arg1[%get3A_967, %get3A_968] : memref<32x65536xf32, #tpu.memory_space<vmem>>, vector<32x512xf32>
    %slice3A_970 = vector.extract_strided_slice %get3A_969 {offsets = [0, 0], sizes = [32, 128], strides = [1, 1]} : vector<32x512xf32> to vector<32x128xf32>
    %slice3A_971 = vector.extract_strided_slice %get3A_969 {offsets = [0, 128], sizes = [32, 128], strides = [1, 1]} : vector<32x512xf32> to vector<32x128xf32>
    %slice3A_972 = vector.extract_strided_slice %get3A_969 {offsets = [0, 256], sizes = [32, 128], strides = [1, 1]} : vector<32x512xf32> to vector<32x128xf32>
    %slice3A_973 = vector.extract_strided_slice %get3A_969 {offsets = [0, 384], sizes = [32, 128], strides = [1, 1]} : vector<32x512xf32> to vector<32x128xf32>
    %concatenate3A_974 = tpu.concatenate %slice3A_970, %slice3A_971, %slice3A_972, %slice3A_973 in 0 : vector<32x128xf32>, vector<32x128xf32>, vector<32x128xf32>, vector<32x128xf32> -> vector<128x128xf32>
    %transpose3A_975 = tpu.transpose %concatenate3A_974, [1, 0] : vector<128x128xf32> -> vector<128x128xf32>
    %swap3A_976 = arith.constant 10368 : index
    %swap3A_977 = arith.constant 0 : index
    %swap3A_978 = vector.load %arg2[%swap3A_976, %swap3A_977] : memref<16384x128xf32, #tpu.memory_space<vmem>>, vector<128x128xf32>
    tpu.vector_store %arg2[%swap3A_976, %swap3A_977], %transpose3A_975 {strides = array<i32>} : memref<16384x128xf32, #tpu.memory_space<vmem>>, vector<128x128xf32>,
    %get3A_979 = arith.constant 0 : index
    %get3A_980 = arith.constant 41984 : index
    %get3A_981 = vector.load %arg1[%get3A_979, %get3A_980] : memref<32x65536xf32, #tpu.memory_space<vmem>>, vector<32x512xf32>
    %slice3A_982 = vector.extract_strided_slice %get3A_981 {offsets = [0, 0], sizes = [32, 128], strides = [1, 1]} : vector<32x512xf32> to vector<32x128xf32>
    %slice3A_983 = vector.extract_strided_slice %get3A_981 {offsets = [0, 128], sizes = [32, 128], strides = [1, 1]} : vector<32x512xf32> to vector<32x128xf32>
    %slice3A_984 = vector.extract_strided_slice %get3A_981 {offsets = [0, 256], sizes = [32, 128], strides = [1, 1]} : vector<32x512xf32> to vector<32x128xf32>
    %slice3A_985 = vector.extract_strided_slice %get3A_981 {offsets = [0, 384], sizes = [32, 128], strides = [1, 1]} : vector<32x512xf32> to vector<32x128xf32>
    %concatenate3A_986 = tpu.concatenate %slice3A_982, %slice3A_983, %slice3A_984, %slice3A_985 in 0 : vector<32x128xf32>, vector<32x128xf32>, vector<32x128xf32>, vector<32x128xf32> -> vector<128x128xf32>
    %transpose3A_987 = tpu.transpose %concatenate3A_986, [1, 0] : vector<128x128xf32> -> vector<128x128xf32>
    %swap3A_988 = arith.constant 10496 : index
    %swap3A_989 = arith.constant 0 : index
    %swap3A_990 = vector.load %arg2[%swap3A_988, %swap3A_989] : memref<16384x128xf32, #tpu.memory_space<vmem>>, vector<128x128xf32>
    tpu.vector_store %arg2[%swap3A_988, %swap3A_989], %transpose3A_987 {strides = array<i32>} : memref<16384x128xf32, #tpu.memory_space<vmem>>, vector<128x128xf32>,
    %get3A_991 = arith.constant 0 : index
    %get3A_992 = arith.constant 42496 : index
    %get3A_993 = vector.load %arg1[%get3A_991, %get3A_992] : memref<32x65536xf32, #tpu.memory_space<vmem>>, vector<32x512xf32>
    %slice3A_994 = vector.extract_strided_slice %get3A_993 {offsets = [0, 0], sizes = [32, 128], strides = [1, 1]} : vector<32x512xf32> to vector<32x128xf32>
    %slice3A_995 = vector.extract_strided_slice %get3A_993 {offsets = [0, 128], sizes = [32, 128], strides = [1, 1]} : vector<32x512xf32> to vector<32x128xf32>
    %slice3A_996 = vector.extract_strided_slice %get3A_993 {offsets = [0, 256], sizes = [32, 128], strides = [1, 1]} : vector<32x512xf32> to vector<32x128xf32>
    %slice3A_997 = vector.extract_strided_slice %get3A_993 {offsets = [0, 384], sizes = [32, 128], strides = [1, 1]} : vector<32x512xf32> to vector<32x128xf32>
    %concatenate3A_998 = tpu.concatenate %slice3A_994, %slice3A_995, %slice3A_996, %slice3A_997 in 0 : vector<32x128xf32>, vector<32x128xf32>, vector<32x128xf32>, vector<32x128xf32> -> vector<128x128xf32>
    %transpose3A_999 = tpu.transpose %concatenate3A_998, [1, 0] : vector<128x128xf32> -> vector<128x128xf32>
    %swap3A_1000 = arith.constant 10624 : index
    %swap3A_1001 = arith.constant 0 : index
    %swap3A_1002 = vector.load %arg2[%swap3A_1000, %swap3A_1001] : memref<16384x128xf32, #tpu.memory_space<vmem>>, vector<128x128xf32>
    tpu.vector_store %arg2[%swap3A_1000, %swap3A_1001], %transpose3A_999 {strides = array<i32>} : memref<16384x128xf32, #tpu.memory_space<vmem>>, vector<128x128xf32>,
    %get3A_1003 = arith.constant 0 : index
    %get3A_1004 = arith.constant 43008 : index
    %get3A_1005 = vector.load %arg1[%get3A_1003, %get3A_1004] : memref<32x65536xf32, #tpu.memory_space<vmem>>, vector<32x512xf32>
    %slice3A_1006 = vector.extract_strided_slice %get3A_1005 {offsets = [0, 0], sizes = [32, 128], strides = [1, 1]} : vector<32x512xf32> to vector<32x128xf32>
    %slice3A_1007 = vector.extract_strided_slice %get3A_1005 {offsets = [0, 128], sizes = [32, 128], strides = [1, 1]} : vector<32x512xf32> to vector<32x128xf32>
    %slice3A_1008 = vector.extract_strided_slice %get3A_1005 {offsets = [0, 256], sizes = [32, 128], strides = [1, 1]} : vector<32x512xf32> to vector<32x128xf32>
    %slice3A_1009 = vector.extract_strided_slice %get3A_1005 {offsets = [0, 384], sizes = [32, 128], strides = [1, 1]} : vector<32x512xf32> to vector<32x128xf32>
    %concatenate3A_1010 = tpu.concatenate %slice3A_1006, %slice3A_1007, %slice3A_1008, %slice3A_1009 in 0 : vector<32x128xf32>, vector<32x128xf32>, vector<32x128xf32>, vector<32x128xf32> -> vector<128x128xf32>
    %transpose3A_1011 = tpu.transpose %concatenate3A_1010, [1, 0] : vector<128x128xf32> -> vector<128x128xf32>
    %swap3A_1012 = arith.constant 10752 : index
    %swap3A_1013 = arith.constant 0 : index
    %swap3A_1014 = vector.load %arg2[%swap3A_1012, %swap3A_1013] : memref<16384x128xf32, #tpu.memory_space<vmem>>, vector<128x128xf32>
    tpu.vector_store %arg2[%swap3A_1012, %swap3A_1013], %transpose3A_1011 {strides = array<i32>} : memref<16384x128xf32, #tpu.memory_space<vmem>>, vector<128x128xf32>,
    %get3A_1015 = arith.constant 0 : index
    %get3A_1016 = arith.constant 43520 : index
    %get3A_1017 = vector.load %arg1[%get3A_1015, %get3A_1016] : memref<32x65536xf32, #tpu.memory_space<vmem>>, vector<32x512xf32>
    %slice3A_1018 = vector.extract_strided_slice %get3A_1017 {offsets = [0, 0], sizes = [32, 128], strides = [1, 1]} : vector<32x512xf32> to vector<32x128xf32>
    %slice3A_1019 = vector.extract_strided_slice %get3A_1017 {offsets = [0, 128], sizes = [32, 128], strides = [1, 1]} : vector<32x512xf32> to vector<32x128xf32>
    %slice3A_1020 = vector.extract_strided_slice %get3A_1017 {offsets = [0, 256], sizes = [32, 128], strides = [1, 1]} : vector<32x512xf32> to vector<32x128xf32>
    %slice3A_1021 = vector.extract_strided_slice %get3A_1017 {offsets = [0, 384], sizes = [32, 128], strides = [1, 1]} : vector<32x512xf32> to vector<32x128xf32>
    %concatenate3A_1022 = tpu.concatenate %slice3A_1018, %slice3A_1019, %slice3A_1020, %slice3A_1021 in 0 : vector<32x128xf32>, vector<32x128xf32>, vector<32x128xf32>, vector<32x128xf32> -> vector<128x128xf32>
    %transpose3A_1023 = tpu.transpose %concatenate3A_1022, [1, 0] : vector<128x128xf32> -> vector<128x128xf32>
    %swap3A_1024 = arith.constant 10880 : index
    %swap3A_1025 = arith.constant 0 : index
    %swap3A_1026 = vector.load %arg2[%swap3A_1024, %swap3A_1025] : memref<16384x128xf32, #tpu.memory_space<vmem>>, vector<128x128xf32>
    tpu.vector_store %arg2[%swap3A_1024, %swap3A_1025], %transpose3A_1023 {strides = array<i32>} : memref<16384x128xf32, #tpu.memory_space<vmem>>, vector<128x128xf32>,
    %get3A_1027 = arith.constant 0 : index
    %get3A_1028 = arith.constant 44032 : index
    %get3A_1029 = vector.load %arg1[%get3A_1027, %get3A_1028] : memref<32x65536xf32, #tpu.memory_space<vmem>>, vector<32x512xf32>
    %slice3A_1030 = vector.extract_strided_slice %get3A_1029 {offsets = [0, 0], sizes = [32, 128], strides = [1, 1]} : vector<32x512xf32> to vector<32x128xf32>
    %slice3A_1031 = vector.extract_strided_slice %get3A_1029 {offsets = [0, 128], sizes = [32, 128], strides = [1, 1]} : vector<32x512xf32> to vector<32x128xf32>
    %slice3A_1032 = vector.extract_strided_slice %get3A_1029 {offsets = [0, 256], sizes = [32, 128], strides = [1, 1]} : vector<32x512xf32> to vector<32x128xf32>
    %slice3A_1033 = vector.extract_strided_slice %get3A_1029 {offsets = [0, 384], sizes = [32, 128], strides = [1, 1]} : vector<32x512xf32> to vector<32x128xf32>
    %concatenate3A_1034 = tpu.concatenate %slice3A_1030, %slice3A_1031, %slice3A_1032, %slice3A_1033 in 0 : vector<32x128xf32>, vector<32x128xf32>, vector<32x128xf32>, vector<32x128xf32> -> vector<128x128xf32>
    %transpose3A_1035 = tpu.transpose %concatenate3A_1034, [1, 0] : vector<128x128xf32> -> vector<128x128xf32>
    %swap3A_1036 = arith.constant 11008 : index
    %swap3A_1037 = arith.constant 0 : index
    %swap3A_1038 = vector.load %arg2[%swap3A_1036, %swap3A_1037] : memref<16384x128xf32, #tpu.memory_space<vmem>>, vector<128x128xf32>
    tpu.vector_store %arg2[%swap3A_1036, %swap3A_1037], %transpose3A_1035 {strides = array<i32>} : memref<16384x128xf32, #tpu.memory_space<vmem>>, vector<128x128xf32>,
    %get3A_1039 = arith.constant 0 : index
    %get3A_1040 = arith.constant 44544 : index
    %get3A_1041 = vector.load %arg1[%get3A_1039, %get3A_1040] : memref<32x65536xf32, #tpu.memory_space<vmem>>, vector<32x512xf32>
    %slice3A_1042 = vector.extract_strided_slice %get3A_1041 {offsets = [0, 0], sizes = [32, 128], strides = [1, 1]} : vector<32x512xf32> to vector<32x128xf32>
    %slice3A_1043 = vector.extract_strided_slice %get3A_1041 {offsets = [0, 128], sizes = [32, 128], strides = [1, 1]} : vector<32x512xf32> to vector<32x128xf32>
    %slice3A_1044 = vector.extract_strided_slice %get3A_1041 {offsets = [0, 256], sizes = [32, 128], strides = [1, 1]} : vector<32x512xf32> to vector<32x128xf32>
    %slice3A_1045 = vector.extract_strided_slice %get3A_1041 {offsets = [0, 384], sizes = [32, 128], strides = [1, 1]} : vector<32x512xf32> to vector<32x128xf32>
    %concatenate3A_1046 = tpu.concatenate %slice3A_1042, %slice3A_1043, %slice3A_1044, %slice3A_1045 in 0 : vector<32x128xf32>, vector<32x128xf32>, vector<32x128xf32>, vector<32x128xf32> -> vector<128x128xf32>
    %transpose3A_1047 = tpu.transpose %concatenate3A_1046, [1, 0] : vector<128x128xf32> -> vector<128x128xf32>
    %swap3A_1048 = arith.constant 11136 : index
    %swap3A_1049 = arith.constant 0 : index
    %swap3A_1050 = vector.load %arg2[%swap3A_1048, %swap3A_1049] : memref<16384x128xf32, #tpu.memory_space<vmem>>, vector<128x128xf32>
    tpu.vector_store %arg2[%swap3A_1048, %swap3A_1049], %transpose3A_1047 {strides = array<i32>} : memref<16384x128xf32, #tpu.memory_space<vmem>>, vector<128x128xf32>,
    %get3A_1051 = arith.constant 0 : index
    %get3A_1052 = arith.constant 45056 : index
    %get3A_1053 = vector.load %arg1[%get3A_1051, %get3A_1052] : memref<32x65536xf32, #tpu.memory_space<vmem>>, vector<32x512xf32>
    %slice3A_1054 = vector.extract_strided_slice %get3A_1053 {offsets = [0, 0], sizes = [32, 128], strides = [1, 1]} : vector<32x512xf32> to vector<32x128xf32>
    %slice3A_1055 = vector.extract_strided_slice %get3A_1053 {offsets = [0, 128], sizes = [32, 128], strides = [1, 1]} : vector<32x512xf32> to vector<32x128xf32>
    %slice3A_1056 = vector.extract_strided_slice %get3A_1053 {offsets = [0, 256], sizes = [32, 128], strides = [1, 1]} : vector<32x512xf32> to vector<32x128xf32>
    %slice3A_1057 = vector.extract_strided_slice %get3A_1053 {offsets = [0, 384], sizes = [32, 128], strides = [1, 1]} : vector<32x512xf32> to vector<32x128xf32>
    %concatenate3A_1058 = tpu.concatenate %slice3A_1054, %slice3A_1055, %slice3A_1056, %slice3A_1057 in 0 : vector<32x128xf32>, vector<32x128xf32>, vector<32x128xf32>, vector<32x128xf32> -> vector<128x128xf32>
    %transpose3A_1059 = tpu.transpose %concatenate3A_1058, [1, 0] : vector<128x128xf32> -> vector<128x128xf32>
    %swap3A_1060 = arith.constant 11264 : index
    %swap3A_1061 = arith.constant 0 : index
    %swap3A_1062 = vector.load %arg2[%swap3A_1060, %swap3A_1061] : memref<16384x128xf32, #tpu.memory_space<vmem>>, vector<128x128xf32>
    tpu.vector_store %arg2[%swap3A_1060, %swap3A_1061], %transpose3A_1059 {strides = array<i32>} : memref<16384x128xf32, #tpu.memory_space<vmem>>, vector<128x128xf32>,
    %get3A_1063 = arith.constant 0 : index
    %get3A_1064 = arith.constant 45568 : index
    %get3A_1065 = vector.load %arg1[%get3A_1063, %get3A_1064] : memref<32x65536xf32, #tpu.memory_space<vmem>>, vector<32x512xf32>
    %slice3A_1066 = vector.extract_strided_slice %get3A_1065 {offsets = [0, 0], sizes = [32, 128], strides = [1, 1]} : vector<32x512xf32> to vector<32x128xf32>
    %slice3A_1067 = vector.extract_strided_slice %get3A_1065 {offsets = [0, 128], sizes = [32, 128], strides = [1, 1]} : vector<32x512xf32> to vector<32x128xf32>
    %slice3A_1068 = vector.extract_strided_slice %get3A_1065 {offsets = [0, 256], sizes = [32, 128], strides = [1, 1]} : vector<32x512xf32> to vector<32x128xf32>
    %slice3A_1069 = vector.extract_strided_slice %get3A_1065 {offsets = [0, 384], sizes = [32, 128], strides = [1, 1]} : vector<32x512xf32> to vector<32x128xf32>
    %concatenate3A_1070 = tpu.concatenate %slice3A_1066, %slice3A_1067, %slice3A_1068, %slice3A_1069 in 0 : vector<32x128xf32>, vector<32x128xf32>, vector<32x128xf32>, vector<32x128xf32> -> vector<128x128xf32>
    %transpose3A_1071 = tpu.transpose %concatenate3A_1070, [1, 0] : vector<128x128xf32> -> vector<128x128xf32>
    %swap3A_1072 = arith.constant 11392 : index
    %swap3A_1073 = arith.constant 0 : index
    %swap3A_1074 = vector.load %arg2[%swap3A_1072, %swap3A_1073] : memref<16384x128xf32, #tpu.memory_space<vmem>>, vector<128x128xf32>
    tpu.vector_store %arg2[%swap3A_1072, %swap3A_1073], %transpose3A_1071 {strides = array<i32>} : memref<16384x128xf32, #tpu.memory_space<vmem>>, vector<128x128xf32>,
    %get3A_1075 = arith.constant 0 : index
    %get3A_1076 = arith.constant 46080 : index
    %get3A_1077 = vector.load %arg1[%get3A_1075, %get3A_1076] : memref<32x65536xf32, #tpu.memory_space<vmem>>, vector<32x512xf32>
    %slice3A_1078 = vector.extract_strided_slice %get3A_1077 {offsets = [0, 0], sizes = [32, 128], strides = [1, 1]} : vector<32x512xf32> to vector<32x128xf32>
    %slice3A_1079 = vector.extract_strided_slice %get3A_1077 {offsets = [0, 128], sizes = [32, 128], strides = [1, 1]} : vector<32x512xf32> to vector<32x128xf32>
    %slice3A_1080 = vector.extract_strided_slice %get3A_1077 {offsets = [0, 256], sizes = [32, 128], strides = [1, 1]} : vector<32x512xf32> to vector<32x128xf32>
    %slice3A_1081 = vector.extract_strided_slice %get3A_1077 {offsets = [0, 384], sizes = [32, 128], strides = [1, 1]} : vector<32x512xf32> to vector<32x128xf32>
    %concatenate3A_1082 = tpu.concatenate %slice3A_1078, %slice3A_1079, %slice3A_1080, %slice3A_1081 in 0 : vector<32x128xf32>, vector<32x128xf32>, vector<32x128xf32>, vector<32x128xf32> -> vector<128x128xf32>
    %transpose3A_1083 = tpu.transpose %concatenate3A_1082, [1, 0] : vector<128x128xf32> -> vector<128x128xf32>
    %swap3A_1084 = arith.constant 11520 : index
    %swap3A_1085 = arith.constant 0 : index
    %swap3A_1086 = vector.load %arg2[%swap3A_1084, %swap3A_1085] : memref<16384x128xf32, #tpu.memory_space<vmem>>, vector<128x128xf32>
    tpu.vector_store %arg2[%swap3A_1084, %swap3A_1085], %transpose3A_1083 {strides = array<i32>} : memref<16384x128xf32, #tpu.memory_space<vmem>>, vector<128x128xf32>,
    %get3A_1087 = arith.constant 0 : index
    %get3A_1088 = arith.constant 46592 : index
    %get3A_1089 = vector.load %arg1[%get3A_1087, %get3A_1088] : memref<32x65536xf32, #tpu.memory_space<vmem>>, vector<32x512xf32>
    %slice3A_1090 = vector.extract_strided_slice %get3A_1089 {offsets = [0, 0], sizes = [32, 128], strides = [1, 1]} : vector<32x512xf32> to vector<32x128xf32>
    %slice3A_1091 = vector.extract_strided_slice %get3A_1089 {offsets = [0, 128], sizes = [32, 128], strides = [1, 1]} : vector<32x512xf32> to vector<32x128xf32>
    %slice3A_1092 = vector.extract_strided_slice %get3A_1089 {offsets = [0, 256], sizes = [32, 128], strides = [1, 1]} : vector<32x512xf32> to vector<32x128xf32>
    %slice3A_1093 = vector.extract_strided_slice %get3A_1089 {offsets = [0, 384], sizes = [32, 128], strides = [1, 1]} : vector<32x512xf32> to vector<32x128xf32>
    %concatenate3A_1094 = tpu.concatenate %slice3A_1090, %slice3A_1091, %slice3A_1092, %slice3A_1093 in 0 : vector<32x128xf32>, vector<32x128xf32>, vector<32x128xf32>, vector<32x128xf32> -> vector<128x128xf32>
    %transpose3A_1095 = tpu.transpose %concatenate3A_1094, [1, 0] : vector<128x128xf32> -> vector<128x128xf32>
    %swap3A_1096 = arith.constant 11648 : index
    %swap3A_1097 = arith.constant 0 : index
    %swap3A_1098 = vector.load %arg2[%swap3A_1096, %swap3A_1097] : memref<16384x128xf32, #tpu.memory_space<vmem>>, vector<128x128xf32>
    tpu.vector_store %arg2[%swap3A_1096, %swap3A_1097], %transpose3A_1095 {strides = array<i32>} : memref<16384x128xf32, #tpu.memory_space<vmem>>, vector<128x128xf32>,
    %get3A_1099 = arith.constant 0 : index
    %get3A_1100 = arith.constant 47104 : index
    %get3A_1101 = vector.load %arg1[%get3A_1099, %get3A_1100] : memref<32x65536xf32, #tpu.memory_space<vmem>>, vector<32x512xf32>
    %slice3A_1102 = vector.extract_strided_slice %get3A_1101 {offsets = [0, 0], sizes = [32, 128], strides = [1, 1]} : vector<32x512xf32> to vector<32x128xf32>
    %slice3A_1103 = vector.extract_strided_slice %get3A_1101 {offsets = [0, 128], sizes = [32, 128], strides = [1, 1]} : vector<32x512xf32> to vector<32x128xf32>
    %slice3A_1104 = vector.extract_strided_slice %get3A_1101 {offsets = [0, 256], sizes = [32, 128], strides = [1, 1]} : vector<32x512xf32> to vector<32x128xf32>
    %slice3A_1105 = vector.extract_strided_slice %get3A_1101 {offsets = [0, 384], sizes = [32, 128], strides = [1, 1]} : vector<32x512xf32> to vector<32x128xf32>
    %concatenate3A_1106 = tpu.concatenate %slice3A_1102, %slice3A_1103, %slice3A_1104, %slice3A_1105 in 0 : vector<32x128xf32>, vector<32x128xf32>, vector<32x128xf32>, vector<32x128xf32> -> vector<128x128xf32>
    %transpose3A_1107 = tpu.transpose %concatenate3A_1106, [1, 0] : vector<128x128xf32> -> vector<128x128xf32>
    %swap3A_1108 = arith.constant 11776 : index
    %swap3A_1109 = arith.constant 0 : index
    %swap3A_1110 = vector.load %arg2[%swap3A_1108, %swap3A_1109] : memref<16384x128xf32, #tpu.memory_space<vmem>>, vector<128x128xf32>
    tpu.vector_store %arg2[%swap3A_1108, %swap3A_1109], %transpose3A_1107 {strides = array<i32>} : memref<16384x128xf32, #tpu.memory_space<vmem>>, vector<128x128xf32>,
    %get3A_1111 = arith.constant 0 : index
    %get3A_1112 = arith.constant 47616 : index
    %get3A_1113 = vector.load %arg1[%get3A_1111, %get3A_1112] : memref<32x65536xf32, #tpu.memory_space<vmem>>, vector<32x512xf32>
    %slice3A_1114 = vector.extract_strided_slice %get3A_1113 {offsets = [0, 0], sizes = [32, 128], strides = [1, 1]} : vector<32x512xf32> to vector<32x128xf32>
    %slice3A_1115 = vector.extract_strided_slice %get3A_1113 {offsets = [0, 128], sizes = [32, 128], strides = [1, 1]} : vector<32x512xf32> to vector<32x128xf32>
    %slice3A_1116 = vector.extract_strided_slice %get3A_1113 {offsets = [0, 256], sizes = [32, 128], strides = [1, 1]} : vector<32x512xf32> to vector<32x128xf32>
    %slice3A_1117 = vector.extract_strided_slice %get3A_1113 {offsets = [0, 384], sizes = [32, 128], strides = [1, 1]} : vector<32x512xf32> to vector<32x128xf32>
    %concatenate3A_1118 = tpu.concatenate %slice3A_1114, %slice3A_1115, %slice3A_1116, %slice3A_1117 in 0 : vector<32x128xf32>, vector<32x128xf32>, vector<32x128xf32>, vector<32x128xf32> -> vector<128x128xf32>
    %transpose3A_1119 = tpu.transpose %concatenate3A_1118, [1, 0] : vector<128x128xf32> -> vector<128x128xf32>
    %swap3A_1120 = arith.constant 11904 : index
    %swap3A_1121 = arith.constant 0 : index
    %swap3A_1122 = vector.load %arg2[%swap3A_1120, %swap3A_1121] : memref<16384x128xf32, #tpu.memory_space<vmem>>, vector<128x128xf32>
    tpu.vector_store %arg2[%swap3A_1120, %swap3A_1121], %transpose3A_1119 {strides = array<i32>} : memref<16384x128xf32, #tpu.memory_space<vmem>>, vector<128x128xf32>,
    %get3A_1123 = arith.constant 0 : index
    %get3A_1124 = arith.constant 48128 : index
    %get3A_1125 = vector.load %arg1[%get3A_1123, %get3A_1124] : memref<32x65536xf32, #tpu.memory_space<vmem>>, vector<32x512xf32>
    %slice3A_1126 = vector.extract_strided_slice %get3A_1125 {offsets = [0, 0], sizes = [32, 128], strides = [1, 1]} : vector<32x512xf32> to vector<32x128xf32>
    %slice3A_1127 = vector.extract_strided_slice %get3A_1125 {offsets = [0, 128], sizes = [32, 128], strides = [1, 1]} : vector<32x512xf32> to vector<32x128xf32>
    %slice3A_1128 = vector.extract_strided_slice %get3A_1125 {offsets = [0, 256], sizes = [32, 128], strides = [1, 1]} : vector<32x512xf32> to vector<32x128xf32>
    %slice3A_1129 = vector.extract_strided_slice %get3A_1125 {offsets = [0, 384], sizes = [32, 128], strides = [1, 1]} : vector<32x512xf32> to vector<32x128xf32>
    %concatenate3A_1130 = tpu.concatenate %slice3A_1126, %slice3A_1127, %slice3A_1128, %slice3A_1129 in 0 : vector<32x128xf32>, vector<32x128xf32>, vector<32x128xf32>, vector<32x128xf32> -> vector<128x128xf32>
    %transpose3A_1131 = tpu.transpose %concatenate3A_1130, [1, 0] : vector<128x128xf32> -> vector<128x128xf32>
    %swap3A_1132 = arith.constant 12032 : index
    %swap3A_1133 = arith.constant 0 : index
    %swap3A_1134 = vector.load %arg2[%swap3A_1132, %swap3A_1133] : memref<16384x128xf32, #tpu.memory_space<vmem>>, vector<128x128xf32>
    tpu.vector_store %arg2[%swap3A_1132, %swap3A_1133], %transpose3A_1131 {strides = array<i32>} : memref<16384x128xf32, #tpu.memory_space<vmem>>, vector<128x128xf32>,
    %get3A_1135 = arith.constant 0 : index
    %get3A_1136 = arith.constant 48640 : index
    %get3A_1137 = vector.load %arg1[%get3A_1135, %get3A_1136] : memref<32x65536xf32, #tpu.memory_space<vmem>>, vector<32x512xf32>
    %slice3A_1138 = vector.extract_strided_slice %get3A_1137 {offsets = [0, 0], sizes = [32, 128], strides = [1, 1]} : vector<32x512xf32> to vector<32x128xf32>
    %slice3A_1139 = vector.extract_strided_slice %get3A_1137 {offsets = [0, 128], sizes = [32, 128], strides = [1, 1]} : vector<32x512xf32> to vector<32x128xf32>
    %slice3A_1140 = vector.extract_strided_slice %get3A_1137 {offsets = [0, 256], sizes = [32, 128], strides = [1, 1]} : vector<32x512xf32> to vector<32x128xf32>
    %slice3A_1141 = vector.extract_strided_slice %get3A_1137 {offsets = [0, 384], sizes = [32, 128], strides = [1, 1]} : vector<32x512xf32> to vector<32x128xf32>
    %concatenate3A_1142 = tpu.concatenate %slice3A_1138, %slice3A_1139, %slice3A_1140, %slice3A_1141 in 0 : vector<32x128xf32>, vector<32x128xf32>, vector<32x128xf32>, vector<32x128xf32> -> vector<128x128xf32>
    %transpose3A_1143 = tpu.transpose %concatenate3A_1142, [1, 0] : vector<128x128xf32> -> vector<128x128xf32>
    %swap3A_1144 = arith.constant 12160 : index
    %swap3A_1145 = arith.constant 0 : index
    %swap3A_1146 = vector.load %arg2[%swap3A_1144, %swap3A_1145] : memref<16384x128xf32, #tpu.memory_space<vmem>>, vector<128x128xf32>
    tpu.vector_store %arg2[%swap3A_1144, %swap3A_1145], %transpose3A_1143 {strides = array<i32>} : memref<16384x128xf32, #tpu.memory_space<vmem>>, vector<128x128xf32>,
    %get3A_1147 = arith.constant 0 : index
    %get3A_1148 = arith.constant 49152 : index
    %get3A_1149 = vector.load %arg1[%get3A_1147, %get3A_1148] : memref<32x65536xf32, #tpu.memory_space<vmem>>, vector<32x512xf32>
    %slice3A_1150 = vector.extract_strided_slice %get3A_1149 {offsets = [0, 0], sizes = [32, 128], strides = [1, 1]} : vector<32x512xf32> to vector<32x128xf32>
    %slice3A_1151 = vector.extract_strided_slice %get3A_1149 {offsets = [0, 128], sizes = [32, 128], strides = [1, 1]} : vector<32x512xf32> to vector<32x128xf32>
    %slice3A_1152 = vector.extract_strided_slice %get3A_1149 {offsets = [0, 256], sizes = [32, 128], strides = [1, 1]} : vector<32x512xf32> to vector<32x128xf32>
    %slice3A_1153 = vector.extract_strided_slice %get3A_1149 {offsets = [0, 384], sizes = [32, 128], strides = [1, 1]} : vector<32x512xf32> to vector<32x128xf32>
    %concatenate3A_1154 = tpu.concatenate %slice3A_1150, %slice3A_1151, %slice3A_1152, %slice3A_1153 in 0 : vector<32x128xf32>, vector<32x128xf32>, vector<32x128xf32>, vector<32x128xf32> -> vector<128x128xf32>
    %transpose3A_1155 = tpu.transpose %concatenate3A_1154, [1, 0] : vector<128x128xf32> -> vector<128x128xf32>
    %swap3A_1156 = arith.constant 12288 : index
    %swap3A_1157 = arith.constant 0 : index
    %swap3A_1158 = vector.load %arg2[%swap3A_1156, %swap3A_1157] : memref<16384x128xf32, #tpu.memory_space<vmem>>, vector<128x128xf32>
    tpu.vector_store %arg2[%swap3A_1156, %swap3A_1157], %transpose3A_1155 {strides = array<i32>} : memref<16384x128xf32, #tpu.memory_space<vmem>>, vector<128x128xf32>,
    %get3A_1159 = arith.constant 0 : index
    %get3A_1160 = arith.constant 49664 : index
    %get3A_1161 = vector.load %arg1[%get3A_1159, %get3A_1160] : memref<32x65536xf32, #tpu.memory_space<vmem>>, vector<32x512xf32>
    %slice3A_1162 = vector.extract_strided_slice %get3A_1161 {offsets = [0, 0], sizes = [32, 128], strides = [1, 1]} : vector<32x512xf32> to vector<32x128xf32>
    %slice3A_1163 = vector.extract_strided_slice %get3A_1161 {offsets = [0, 128], sizes = [32, 128], strides = [1, 1]} : vector<32x512xf32> to vector<32x128xf32>
    %slice3A_1164 = vector.extract_strided_slice %get3A_1161 {offsets = [0, 256], sizes = [32, 128], strides = [1, 1]} : vector<32x512xf32> to vector<32x128xf32>
    %slice3A_1165 = vector.extract_strided_slice %get3A_1161 {offsets = [0, 384], sizes = [32, 128], strides = [1, 1]} : vector<32x512xf32> to vector<32x128xf32>
    %concatenate3A_1166 = tpu.concatenate %slice3A_1162, %slice3A_1163, %slice3A_1164, %slice3A_1165 in 0 : vector<32x128xf32>, vector<32x128xf32>, vector<32x128xf32>, vector<32x128xf32> -> vector<128x128xf32>
    %transpose3A_1167 = tpu.transpose %concatenate3A_1166, [1, 0] : vector<128x128xf32> -> vector<128x128xf32>
    %swap3A_1168 = arith.constant 12416 : index
    %swap3A_1169 = arith.constant 0 : index
    %swap3A_1170 = vector.load %arg2[%swap3A_1168, %swap3A_1169] : memref<16384x128xf32, #tpu.memory_space<vmem>>, vector<128x128xf32>
    tpu.vector_store %arg2[%swap3A_1168, %swap3A_1169], %transpose3A_1167 {strides = array<i32>} : memref<16384x128xf32, #tpu.memory_space<vmem>>, vector<128x128xf32>,
    %get3A_1171 = arith.constant 0 : index
    %get3A_1172 = arith.constant 50176 : index
    %get3A_1173 = vector.load %arg1[%get3A_1171, %get3A_1172] : memref<32x65536xf32, #tpu.memory_space<vmem>>, vector<32x512xf32>
    %slice3A_1174 = vector.extract_strided_slice %get3A_1173 {offsets = [0, 0], sizes = [32, 128], strides = [1, 1]} : vector<32x512xf32> to vector<32x128xf32>
    %slice3A_1175 = vector.extract_strided_slice %get3A_1173 {offsets = [0, 128], sizes = [32, 128], strides = [1, 1]} : vector<32x512xf32> to vector<32x128xf32>
    %slice3A_1176 = vector.extract_strided_slice %get3A_1173 {offsets = [0, 256], sizes = [32, 128], strides = [1, 1]} : vector<32x512xf32> to vector<32x128xf32>
    %slice3A_1177 = vector.extract_strided_slice %get3A_1173 {offsets = [0, 384], sizes = [32, 128], strides = [1, 1]} : vector<32x512xf32> to vector<32x128xf32>
    %concatenate3A_1178 = tpu.concatenate %slice3A_1174, %slice3A_1175, %slice3A_1176, %slice3A_1177 in 0 : vector<32x128xf32>, vector<32x128xf32>, vector<32x128xf32>, vector<32x128xf32> -> vector<128x128xf32>
    %transpose3A_1179 = tpu.transpose %concatenate3A_1178, [1, 0] : vector<128x128xf32> -> vector<128x128xf32>
    %swap3A_1180 = arith.constant 12544 : index
    %swap3A_1181 = arith.constant 0 : index
    %swap3A_1182 = vector.load %arg2[%swap3A_1180, %swap3A_1181] : memref<16384x128xf32, #tpu.memory_space<vmem>>, vector<128x128xf32>
    tpu.vector_store %arg2[%swap3A_1180, %swap3A_1181], %transpose3A_1179 {strides = array<i32>} : memref<16384x128xf32, #tpu.memory_space<vmem>>, vector<128x128xf32>,
    %get3A_1183 = arith.constant 0 : index
    %get3A_1184 = arith.constant 50688 : index
    %get3A_1185 = vector.load %arg1[%get3A_1183, %get3A_1184] : memref<32x65536xf32, #tpu.memory_space<vmem>>, vector<32x512xf32>
    %slice3A_1186 = vector.extract_strided_slice %get3A_1185 {offsets = [0, 0], sizes = [32, 128], strides = [1, 1]} : vector<32x512xf32> to vector<32x128xf32>
    %slice3A_1187 = vector.extract_strided_slice %get3A_1185 {offsets = [0, 128], sizes = [32, 128], strides = [1, 1]} : vector<32x512xf32> to vector<32x128xf32>
    %slice3A_1188 = vector.extract_strided_slice %get3A_1185 {offsets = [0, 256], sizes = [32, 128], strides = [1, 1]} : vector<32x512xf32> to vector<32x128xf32>
    %slice3A_1189 = vector.extract_strided_slice %get3A_1185 {offsets = [0, 384], sizes = [32, 128], strides = [1, 1]} : vector<32x512xf32> to vector<32x128xf32>
    %concatenate3A_1190 = tpu.concatenate %slice3A_1186, %slice3A_1187, %slice3A_1188, %slice3A_1189 in 0 : vector<32x128xf32>, vector<32x128xf32>, vector<32x128xf32>, vector<32x128xf32> -> vector<128x128xf32>
    %transpose3A_1191 = tpu.transpose %concatenate3A_1190, [1, 0] : vector<128x128xf32> -> vector<128x128xf32>
    %swap3A_1192 = arith.constant 12672 : index
    %swap3A_1193 = arith.constant 0 : index
    %swap3A_1194 = vector.load %arg2[%swap3A_1192, %swap3A_1193] : memref<16384x128xf32, #tpu.memory_space<vmem>>, vector<128x128xf32>
    tpu.vector_store %arg2[%swap3A_1192, %swap3A_1193], %transpose3A_1191 {strides = array<i32>} : memref<16384x128xf32, #tpu.memory_space<vmem>>, vector<128x128xf32>,
    %get3A_1195 = arith.constant 0 : index
    %get3A_1196 = arith.constant 51200 : index
    %get3A_1197 = vector.load %arg1[%get3A_1195, %get3A_1196] : memref<32x65536xf32, #tpu.memory_space<vmem>>, vector<32x512xf32>
    %slice3A_1198 = vector.extract_strided_slice %get3A_1197 {offsets = [0, 0], sizes = [32, 128], strides = [1, 1]} : vector<32x512xf32> to vector<32x128xf32>
    %slice3A_1199 = vector.extract_strided_slice %get3A_1197 {offsets = [0, 128], sizes = [32, 128], strides = [1, 1]} : vector<32x512xf32> to vector<32x128xf32>
    %slice3A_1200 = vector.extract_strided_slice %get3A_1197 {offsets = [0, 256], sizes = [32, 128], strides = [1, 1]} : vector<32x512xf32> to vector<32x128xf32>
    %slice3A_1201 = vector.extract_strided_slice %get3A_1197 {offsets = [0, 384], sizes = [32, 128], strides = [1, 1]} : vector<32x512xf32> to vector<32x128xf32>
    %concatenate3A_1202 = tpu.concatenate %slice3A_1198, %slice3A_1199, %slice3A_1200, %slice3A_1201 in 0 : vector<32x128xf32>, vector<32x128xf32>, vector<32x128xf32>, vector<32x128xf32> -> vector<128x128xf32>
    %transpose3A_1203 = tpu.transpose %concatenate3A_1202, [1, 0] : vector<128x128xf32> -> vector<128x128xf32>
    %swap3A_1204 = arith.constant 12800 : index
    %swap3A_1205 = arith.constant 0 : index
    %swap3A_1206 = vector.load %arg2[%swap3A_1204, %swap3A_1205] : memref<16384x128xf32, #tpu.memory_space<vmem>>, vector<128x128xf32>
    tpu.vector_store %arg2[%swap3A_1204, %swap3A_1205], %transpose3A_1203 {strides = array<i32>} : memref<16384x128xf32, #tpu.memory_space<vmem>>, vector<128x128xf32>,
    %get3A_1207 = arith.constant 0 : index
    %get3A_1208 = arith.constant 51712 : index
    %get3A_1209 = vector.load %arg1[%get3A_1207, %get3A_1208] : memref<32x65536xf32, #tpu.memory_space<vmem>>, vector<32x512xf32>
    %slice3A_1210 = vector.extract_strided_slice %get3A_1209 {offsets = [0, 0], sizes = [32, 128], strides = [1, 1]} : vector<32x512xf32> to vector<32x128xf32>
    %slice3A_1211 = vector.extract_strided_slice %get3A_1209 {offsets = [0, 128], sizes = [32, 128], strides = [1, 1]} : vector<32x512xf32> to vector<32x128xf32>
    %slice3A_1212 = vector.extract_strided_slice %get3A_1209 {offsets = [0, 256], sizes = [32, 128], strides = [1, 1]} : vector<32x512xf32> to vector<32x128xf32>
    %slice3A_1213 = vector.extract_strided_slice %get3A_1209 {offsets = [0, 384], sizes = [32, 128], strides = [1, 1]} : vector<32x512xf32> to vector<32x128xf32>
    %concatenate3A_1214 = tpu.concatenate %slice3A_1210, %slice3A_1211, %slice3A_1212, %slice3A_1213 in 0 : vector<32x128xf32>, vector<32x128xf32>, vector<32x128xf32>, vector<32x128xf32> -> vector<128x128xf32>
    %transpose3A_1215 = tpu.transpose %concatenate3A_1214, [1, 0] : vector<128x128xf32> -> vector<128x128xf32>
    %swap3A_1216 = arith.constant 12928 : index
    %swap3A_1217 = arith.constant 0 : index
    %swap3A_1218 = vector.load %arg2[%swap3A_1216, %swap3A_1217] : memref<16384x128xf32, #tpu.memory_space<vmem>>, vector<128x128xf32>
    tpu.vector_store %arg2[%swap3A_1216, %swap3A_1217], %transpose3A_1215 {strides = array<i32>} : memref<16384x128xf32, #tpu.memory_space<vmem>>, vector<128x128xf32>,
    %get3A_1219 = arith.constant 0 : index
    %get3A_1220 = arith.constant 52224 : index
    %get3A_1221 = vector.load %arg1[%get3A_1219, %get3A_1220] : memref<32x65536xf32, #tpu.memory_space<vmem>>, vector<32x512xf32>
    %slice3A_1222 = vector.extract_strided_slice %get3A_1221 {offsets = [0, 0], sizes = [32, 128], strides = [1, 1]} : vector<32x512xf32> to vector<32x128xf32>
    %slice3A_1223 = vector.extract_strided_slice %get3A_1221 {offsets = [0, 128], sizes = [32, 128], strides = [1, 1]} : vector<32x512xf32> to vector<32x128xf32>
    %slice3A_1224 = vector.extract_strided_slice %get3A_1221 {offsets = [0, 256], sizes = [32, 128], strides = [1, 1]} : vector<32x512xf32> to vector<32x128xf32>
    %slice3A_1225 = vector.extract_strided_slice %get3A_1221 {offsets = [0, 384], sizes = [32, 128], strides = [1, 1]} : vector<32x512xf32> to vector<32x128xf32>
    %concatenate3A_1226 = tpu.concatenate %slice3A_1222, %slice3A_1223, %slice3A_1224, %slice3A_1225 in 0 : vector<32x128xf32>, vector<32x128xf32>, vector<32x128xf32>, vector<32x128xf32> -> vector<128x128xf32>
    %transpose3A_1227 = tpu.transpose %concatenate3A_1226, [1, 0] : vector<128x128xf32> -> vector<128x128xf32>
    %swap3A_1228 = arith.constant 13056 : index
    %swap3A_1229 = arith.constant 0 : index
    %swap3A_1230 = vector.load %arg2[%swap3A_1228, %swap3A_1229] : memref<16384x128xf32, #tpu.memory_space<vmem>>, vector<128x128xf32>
    tpu.vector_store %arg2[%swap3A_1228, %swap3A_1229], %transpose3A_1227 {strides = array<i32>} : memref<16384x128xf32, #tpu.memory_space<vmem>>, vector<128x128xf32>,
    %get3A_1231 = arith.constant 0 : index
    %get3A_1232 = arith.constant 52736 : index
    %get3A_1233 = vector.load %arg1[%get3A_1231, %get3A_1232] : memref<32x65536xf32, #tpu.memory_space<vmem>>, vector<32x512xf32>
    %slice3A_1234 = vector.extract_strided_slice %get3A_1233 {offsets = [0, 0], sizes = [32, 128], strides = [1, 1]} : vector<32x512xf32> to vector<32x128xf32>
    %slice3A_1235 = vector.extract_strided_slice %get3A_1233 {offsets = [0, 128], sizes = [32, 128], strides = [1, 1]} : vector<32x512xf32> to vector<32x128xf32>
    %slice3A_1236 = vector.extract_strided_slice %get3A_1233 {offsets = [0, 256], sizes = [32, 128], strides = [1, 1]} : vector<32x512xf32> to vector<32x128xf32>
    %slice3A_1237 = vector.extract_strided_slice %get3A_1233 {offsets = [0, 384], sizes = [32, 128], strides = [1, 1]} : vector<32x512xf32> to vector<32x128xf32>
    %concatenate3A_1238 = tpu.concatenate %slice3A_1234, %slice3A_1235, %slice3A_1236, %slice3A_1237 in 0 : vector<32x128xf32>, vector<32x128xf32>, vector<32x128xf32>, vector<32x128xf32> -> vector<128x128xf32>
    %transpose3A_1239 = tpu.transpose %concatenate3A_1238, [1, 0] : vector<128x128xf32> -> vector<128x128xf32>
    %swap3A_1240 = arith.constant 13184 : index
    %swap3A_1241 = arith.constant 0 : index
    %swap3A_1242 = vector.load %arg2[%swap3A_1240, %swap3A_1241] : memref<16384x128xf32, #tpu.memory_space<vmem>>, vector<128x128xf32>
    tpu.vector_store %arg2[%swap3A_1240, %swap3A_1241], %transpose3A_1239 {strides = array<i32>} : memref<16384x128xf32, #tpu.memory_space<vmem>>, vector<128x128xf32>,
    %get3A_1243 = arith.constant 0 : index
    %get3A_1244 = arith.constant 53248 : index
    %get3A_1245 = vector.load %arg1[%get3A_1243, %get3A_1244] : memref<32x65536xf32, #tpu.memory_space<vmem>>, vector<32x512xf32>
    %slice3A_1246 = vector.extract_strided_slice %get3A_1245 {offsets = [0, 0], sizes = [32, 128], strides = [1, 1]} : vector<32x512xf32> to vector<32x128xf32>
    %slice3A_1247 = vector.extract_strided_slice %get3A_1245 {offsets = [0, 128], sizes = [32, 128], strides = [1, 1]} : vector<32x512xf32> to vector<32x128xf32>
    %slice3A_1248 = vector.extract_strided_slice %get3A_1245 {offsets = [0, 256], sizes = [32, 128], strides = [1, 1]} : vector<32x512xf32> to vector<32x128xf32>
    %slice3A_1249 = vector.extract_strided_slice %get3A_1245 {offsets = [0, 384], sizes = [32, 128], strides = [1, 1]} : vector<32x512xf32> to vector<32x128xf32>
    %concatenate3A_1250 = tpu.concatenate %slice3A_1246, %slice3A_1247, %slice3A_1248, %slice3A_1249 in 0 : vector<32x128xf32>, vector<32x128xf32>, vector<32x128xf32>, vector<32x128xf32> -> vector<128x128xf32>
    %transpose3A_1251 = tpu.transpose %concatenate3A_1250, [1, 0] : vector<128x128xf32> -> vector<128x128xf32>
    %swap3A_1252 = arith.constant 13312 : index
    %swap3A_1253 = arith.constant 0 : index
    %swap3A_1254 = vector.load %arg2[%swap3A_1252, %swap3A_1253] : memref<16384x128xf32, #tpu.memory_space<vmem>>, vector<128x128xf32>
    tpu.vector_store %arg2[%swap3A_1252, %swap3A_1253], %transpose3A_1251 {strides = array<i32>} : memref<16384x128xf32, #tpu.memory_space<vmem>>, vector<128x128xf32>,
    %get3A_1255 = arith.constant 0 : index
    %get3A_1256 = arith.constant 53760 : index
    %get3A_1257 = vector.load %arg1[%get3A_1255, %get3A_1256] : memref<32x65536xf32, #tpu.memory_space<vmem>>, vector<32x512xf32>
    %slice3A_1258 = vector.extract_strided_slice %get3A_1257 {offsets = [0, 0], sizes = [32, 128], strides = [1, 1]} : vector<32x512xf32> to vector<32x128xf32>
    %slice3A_1259 = vector.extract_strided_slice %get3A_1257 {offsets = [0, 128], sizes = [32, 128], strides = [1, 1]} : vector<32x512xf32> to vector<32x128xf32>
    %slice3A_1260 = vector.extract_strided_slice %get3A_1257 {offsets = [0, 256], sizes = [32, 128], strides = [1, 1]} : vector<32x512xf32> to vector<32x128xf32>
    %slice3A_1261 = vector.extract_strided_slice %get3A_1257 {offsets = [0, 384], sizes = [32, 128], strides = [1, 1]} : vector<32x512xf32> to vector<32x128xf32>
    %concatenate3A_1262 = tpu.concatenate %slice3A_1258, %slice3A_1259, %slice3A_1260, %slice3A_1261 in 0 : vector<32x128xf32>, vector<32x128xf32>, vector<32x128xf32>, vector<32x128xf32> -> vector<128x128xf32>
    %transpose3A_1263 = tpu.transpose %concatenate3A_1262, [1, 0] : vector<128x128xf32> -> vector<128x128xf32>
    %swap3A_1264 = arith.constant 13440 : index
    %swap3A_1265 = arith.constant 0 : index
    %swap3A_1266 = vector.load %arg2[%swap3A_1264, %swap3A_1265] : memref<16384x128xf32, #tpu.memory_space<vmem>>, vector<128x128xf32>
    tpu.vector_store %arg2[%swap3A_1264, %swap3A_1265], %transpose3A_1263 {strides = array<i32>} : memref<16384x128xf32, #tpu.memory_space<vmem>>, vector<128x128xf32>,
    %get3A_1267 = arith.constant 0 : index
    %get3A_1268 = arith.constant 54272 : index
    %get3A_1269 = vector.load %arg1[%get3A_1267, %get3A_1268] : memref<32x65536xf32, #tpu.memory_space<vmem>>, vector<32x512xf32>
    %slice3A_1270 = vector.extract_strided_slice %get3A_1269 {offsets = [0, 0], sizes = [32, 128], strides = [1, 1]} : vector<32x512xf32> to vector<32x128xf32>
    %slice3A_1271 = vector.extract_strided_slice %get3A_1269 {offsets = [0, 128], sizes = [32, 128], strides = [1, 1]} : vector<32x512xf32> to vector<32x128xf32>
    %slice3A_1272 = vector.extract_strided_slice %get3A_1269 {offsets = [0, 256], sizes = [32, 128], strides = [1, 1]} : vector<32x512xf32> to vector<32x128xf32>
    %slice3A_1273 = vector.extract_strided_slice %get3A_1269 {offsets = [0, 384], sizes = [32, 128], strides = [1, 1]} : vector<32x512xf32> to vector<32x128xf32>
    %concatenate3A_1274 = tpu.concatenate %slice3A_1270, %slice3A_1271, %slice3A_1272, %slice3A_1273 in 0 : vector<32x128xf32>, vector<32x128xf32>, vector<32x128xf32>, vector<32x128xf32> -> vector<128x128xf32>
    %transpose3A_1275 = tpu.transpose %concatenate3A_1274, [1, 0] : vector<128x128xf32> -> vector<128x128xf32>
    %swap3A_1276 = arith.constant 13568 : index
    %swap3A_1277 = arith.constant 0 : index
    %swap3A_1278 = vector.load %arg2[%swap3A_1276, %swap3A_1277] : memref<16384x128xf32, #tpu.memory_space<vmem>>, vector<128x128xf32>
    tpu.vector_store %arg2[%swap3A_1276, %swap3A_1277], %transpose3A_1275 {strides = array<i32>} : memref<16384x128xf32, #tpu.memory_space<vmem>>, vector<128x128xf32>,
    %get3A_1279 = arith.constant 0 : index
    %get3A_1280 = arith.constant 54784 : index
    %get3A_1281 = vector.load %arg1[%get3A_1279, %get3A_1280] : memref<32x65536xf32, #tpu.memory_space<vmem>>, vector<32x512xf32>
    %slice3A_1282 = vector.extract_strided_slice %get3A_1281 {offsets = [0, 0], sizes = [32, 128], strides = [1, 1]} : vector<32x512xf32> to vector<32x128xf32>
    %slice3A_1283 = vector.extract_strided_slice %get3A_1281 {offsets = [0, 128], sizes = [32, 128], strides = [1, 1]} : vector<32x512xf32> to vector<32x128xf32>
    %slice3A_1284 = vector.extract_strided_slice %get3A_1281 {offsets = [0, 256], sizes = [32, 128], strides = [1, 1]} : vector<32x512xf32> to vector<32x128xf32>
    %slice3A_1285 = vector.extract_strided_slice %get3A_1281 {offsets = [0, 384], sizes = [32, 128], strides = [1, 1]} : vector<32x512xf32> to vector<32x128xf32>
    %concatenate3A_1286 = tpu.concatenate %slice3A_1282, %slice3A_1283, %slice3A_1284, %slice3A_1285 in 0 : vector<32x128xf32>, vector<32x128xf32>, vector<32x128xf32>, vector<32x128xf32> -> vector<128x128xf32>
    %transpose3A_1287 = tpu.transpose %concatenate3A_1286, [1, 0] : vector<128x128xf32> -> vector<128x128xf32>
    %swap3A_1288 = arith.constant 13696 : index
    %swap3A_1289 = arith.constant 0 : index
    %swap3A_1290 = vector.load %arg2[%swap3A_1288, %swap3A_1289] : memref<16384x128xf32, #tpu.memory_space<vmem>>, vector<128x128xf32>
    tpu.vector_store %arg2[%swap3A_1288, %swap3A_1289], %transpose3A_1287 {strides = array<i32>} : memref<16384x128xf32, #tpu.memory_space<vmem>>, vector<128x128xf32>,
    %get3A_1291 = arith.constant 0 : index
    %get3A_1292 = arith.constant 55296 : index
    %get3A_1293 = vector.load %arg1[%get3A_1291, %get3A_1292] : memref<32x65536xf32, #tpu.memory_space<vmem>>, vector<32x512xf32>
    %slice3A_1294 = vector.extract_strided_slice %get3A_1293 {offsets = [0, 0], sizes = [32, 128], strides = [1, 1]} : vector<32x512xf32> to vector<32x128xf32>
    %slice3A_1295 = vector.extract_strided_slice %get3A_1293 {offsets = [0, 128], sizes = [32, 128], strides = [1, 1]} : vector<32x512xf32> to vector<32x128xf32>
    %slice3A_1296 = vector.extract_strided_slice %get3A_1293 {offsets = [0, 256], sizes = [32, 128], strides = [1, 1]} : vector<32x512xf32> to vector<32x128xf32>
    %slice3A_1297 = vector.extract_strided_slice %get3A_1293 {offsets = [0, 384], sizes = [32, 128], strides = [1, 1]} : vector<32x512xf32> to vector<32x128xf32>
    %concatenate3A_1298 = tpu.concatenate %slice3A_1294, %slice3A_1295, %slice3A_1296, %slice3A_1297 in 0 : vector<32x128xf32>, vector<32x128xf32>, vector<32x128xf32>, vector<32x128xf32> -> vector<128x128xf32>
    %transpose3A_1299 = tpu.transpose %concatenate3A_1298, [1, 0] : vector<128x128xf32> -> vector<128x128xf32>
    %swap3A_1300 = arith.constant 13824 : index
    %swap3A_1301 = arith.constant 0 : index
    %swap3A_1302 = vector.load %arg2[%swap3A_1300, %swap3A_1301] : memref<16384x128xf32, #tpu.memory_space<vmem>>, vector<128x128xf32>
    tpu.vector_store %arg2[%swap3A_1300, %swap3A_1301], %transpose3A_1299 {strides = array<i32>} : memref<16384x128xf32, #tpu.memory_space<vmem>>, vector<128x128xf32>,
    %get3A_1303 = arith.constant 0 : index
    %get3A_1304 = arith.constant 55808 : index
    %get3A_1305 = vector.load %arg1[%get3A_1303, %get3A_1304] : memref<32x65536xf32, #tpu.memory_space<vmem>>, vector<32x512xf32>
    %slice3A_1306 = vector.extract_strided_slice %get3A_1305 {offsets = [0, 0], sizes = [32, 128], strides = [1, 1]} : vector<32x512xf32> to vector<32x128xf32>
    %slice3A_1307 = vector.extract_strided_slice %get3A_1305 {offsets = [0, 128], sizes = [32, 128], strides = [1, 1]} : vector<32x512xf32> to vector<32x128xf32>
    %slice3A_1308 = vector.extract_strided_slice %get3A_1305 {offsets = [0, 256], sizes = [32, 128], strides = [1, 1]} : vector<32x512xf32> to vector<32x128xf32>
    %slice3A_1309 = vector.extract_strided_slice %get3A_1305 {offsets = [0, 384], sizes = [32, 128], strides = [1, 1]} : vector<32x512xf32> to vector<32x128xf32>
    %concatenate3A_1310 = tpu.concatenate %slice3A_1306, %slice3A_1307, %slice3A_1308, %slice3A_1309 in 0 : vector<32x128xf32>, vector<32x128xf32>, vector<32x128xf32>, vector<32x128xf32> -> vector<128x128xf32>
    %transpose3A_1311 = tpu.transpose %concatenate3A_1310, [1, 0] : vector<128x128xf32> -> vector<128x128xf32>
    %swap3A_1312 = arith.constant 13952 : index
    %swap3A_1313 = arith.constant 0 : index
    %swap3A_1314 = vector.load %arg2[%swap3A_1312, %swap3A_1313] : memref<16384x128xf32, #tpu.memory_space<vmem>>, vector<128x128xf32>
    tpu.vector_store %arg2[%swap3A_1312, %swap3A_1313], %transpose3A_1311 {strides = array<i32>} : memref<16384x128xf32, #tpu.memory_space<vmem>>, vector<128x128xf32>,
    %get3A_1315 = arith.constant 0 : index
    %get3A_1316 = arith.constant 56320 : index
    %get3A_1317 = vector.load %arg1[%get3A_1315, %get3A_1316] : memref<32x65536xf32, #tpu.memory_space<vmem>>, vector<32x512xf32>
    %slice3A_1318 = vector.extract_strided_slice %get3A_1317 {offsets = [0, 0], sizes = [32, 128], strides = [1, 1]} : vector<32x512xf32> to vector<32x128xf32>
    %slice3A_1319 = vector.extract_strided_slice %get3A_1317 {offsets = [0, 128], sizes = [32, 128], strides = [1, 1]} : vector<32x512xf32> to vector<32x128xf32>
    %slice3A_1320 = vector.extract_strided_slice %get3A_1317 {offsets = [0, 256], sizes = [32, 128], strides = [1, 1]} : vector<32x512xf32> to vector<32x128xf32>
    %slice3A_1321 = vector.extract_strided_slice %get3A_1317 {offsets = [0, 384], sizes = [32, 128], strides = [1, 1]} : vector<32x512xf32> to vector<32x128xf32>
    %concatenate3A_1322 = tpu.concatenate %slice3A_1318, %slice3A_1319, %slice3A_1320, %slice3A_1321 in 0 : vector<32x128xf32>, vector<32x128xf32>, vector<32x128xf32>, vector<32x128xf32> -> vector<128x128xf32>
    %transpose3A_1323 = tpu.transpose %concatenate3A_1322, [1, 0] : vector<128x128xf32> -> vector<128x128xf32>
    %swap3A_1324 = arith.constant 14080 : index
    %swap3A_1325 = arith.constant 0 : index
    %swap3A_1326 = vector.load %arg2[%swap3A_1324, %swap3A_1325] : memref<16384x128xf32, #tpu.memory_space<vmem>>, vector<128x128xf32>
    tpu.vector_store %arg2[%swap3A_1324, %swap3A_1325], %transpose3A_1323 {strides = array<i32>} : memref<16384x128xf32, #tpu.memory_space<vmem>>, vector<128x128xf32>,
    %get3A_1327 = arith.constant 0 : index
    %get3A_1328 = arith.constant 56832 : index
    %get3A_1329 = vector.load %arg1[%get3A_1327, %get3A_1328] : memref<32x65536xf32, #tpu.memory_space<vmem>>, vector<32x512xf32>
    %slice3A_1330 = vector.extract_strided_slice %get3A_1329 {offsets = [0, 0], sizes = [32, 128], strides = [1, 1]} : vector<32x512xf32> to vector<32x128xf32>
    %slice3A_1331 = vector.extract_strided_slice %get3A_1329 {offsets = [0, 128], sizes = [32, 128], strides = [1, 1]} : vector<32x512xf32> to vector<32x128xf32>
    %slice3A_1332 = vector.extract_strided_slice %get3A_1329 {offsets = [0, 256], sizes = [32, 128], strides = [1, 1]} : vector<32x512xf32> to vector<32x128xf32>
    %slice3A_1333 = vector.extract_strided_slice %get3A_1329 {offsets = [0, 384], sizes = [32, 128], strides = [1, 1]} : vector<32x512xf32> to vector<32x128xf32>
    %concatenate3A_1334 = tpu.concatenate %slice3A_1330, %slice3A_1331, %slice3A_1332, %slice3A_1333 in 0 : vector<32x128xf32>, vector<32x128xf32>, vector<32x128xf32>, vector<32x128xf32> -> vector<128x128xf32>
    %transpose3A_1335 = tpu.transpose %concatenate3A_1334, [1, 0] : vector<128x128xf32> -> vector<128x128xf32>
    %swap3A_1336 = arith.constant 14208 : index
    %swap3A_1337 = arith.constant 0 : index
    %swap3A_1338 = vector.load %arg2[%swap3A_1336, %swap3A_1337] : memref<16384x128xf32, #tpu.memory_space<vmem>>, vector<128x128xf32>
    tpu.vector_store %arg2[%swap3A_1336, %swap3A_1337], %transpose3A_1335 {strides = array<i32>} : memref<16384x128xf32, #tpu.memory_space<vmem>>, vector<128x128xf32>,
    %get3A_1339 = arith.constant 0 : index
    %get3A_1340 = arith.constant 57344 : index
    %get3A_1341 = vector.load %arg1[%get3A_1339, %get3A_1340] : memref<32x65536xf32, #tpu.memory_space<vmem>>, vector<32x512xf32>
    %slice3A_1342 = vector.extract_strided_slice %get3A_1341 {offsets = [0, 0], sizes = [32, 128], strides = [1, 1]} : vector<32x512xf32> to vector<32x128xf32>
    %slice3A_1343 = vector.extract_strided_slice %get3A_1341 {offsets = [0, 128], sizes = [32, 128], strides = [1, 1]} : vector<32x512xf32> to vector<32x128xf32>
    %slice3A_1344 = vector.extract_strided_slice %get3A_1341 {offsets = [0, 256], sizes = [32, 128], strides = [1, 1]} : vector<32x512xf32> to vector<32x128xf32>
    %slice3A_1345 = vector.extract_strided_slice %get3A_1341 {offsets = [0, 384], sizes = [32, 128], strides = [1, 1]} : vector<32x512xf32> to vector<32x128xf32>
    %concatenate3A_1346 = tpu.concatenate %slice3A_1342, %slice3A_1343, %slice3A_1344, %slice3A_1345 in 0 : vector<32x128xf32>, vector<32x128xf32>, vector<32x128xf32>, vector<32x128xf32> -> vector<128x128xf32>
    %transpose3A_1347 = tpu.transpose %concatenate3A_1346, [1, 0] : vector<128x128xf32> -> vector<128x128xf32>
    %swap3A_1348 = arith.constant 14336 : index
    %swap3A_1349 = arith.constant 0 : index
    %swap3A_1350 = vector.load %arg2[%swap3A_1348, %swap3A_1349] : memref<16384x128xf32, #tpu.memory_space<vmem>>, vector<128x128xf32>
    tpu.vector_store %arg2[%swap3A_1348, %swap3A_1349], %transpose3A_1347 {strides = array<i32>} : memref<16384x128xf32, #tpu.memory_space<vmem>>, vector<128x128xf32>,
    %get3A_1351 = arith.constant 0 : index
    %get3A_1352 = arith.constant 57856 : index
    %get3A_1353 = vector.load %arg1[%get3A_1351, %get3A_1352] : memref<32x65536xf32, #tpu.memory_space<vmem>>, vector<32x512xf32>
    %slice3A_1354 = vector.extract_strided_slice %get3A_1353 {offsets = [0, 0], sizes = [32, 128], strides = [1, 1]} : vector<32x512xf32> to vector<32x128xf32>
    %slice3A_1355 = vector.extract_strided_slice %get3A_1353 {offsets = [0, 128], sizes = [32, 128], strides = [1, 1]} : vector<32x512xf32> to vector<32x128xf32>
    %slice3A_1356 = vector.extract_strided_slice %get3A_1353 {offsets = [0, 256], sizes = [32, 128], strides = [1, 1]} : vector<32x512xf32> to vector<32x128xf32>
    %slice3A_1357 = vector.extract_strided_slice %get3A_1353 {offsets = [0, 384], sizes = [32, 128], strides = [1, 1]} : vector<32x512xf32> to vector<32x128xf32>
    %concatenate3A_1358 = tpu.concatenate %slice3A_1354, %slice3A_1355, %slice3A_1356, %slice3A_1357 in 0 : vector<32x128xf32>, vector<32x128xf32>, vector<32x128xf32>, vector<32x128xf32> -> vector<128x128xf32>
    %transpose3A_1359 = tpu.transpose %concatenate3A_1358, [1, 0] : vector<128x128xf32> -> vector<128x128xf32>
    %swap3A_1360 = arith.constant 14464 : index
    %swap3A_1361 = arith.constant 0 : index
    %swap3A_1362 = vector.load %arg2[%swap3A_1360, %swap3A_1361] : memref<16384x128xf32, #tpu.memory_space<vmem>>, vector<128x128xf32>
    tpu.vector_store %arg2[%swap3A_1360, %swap3A_1361], %transpose3A_1359 {strides = array<i32>} : memref<16384x128xf32, #tpu.memory_space<vmem>>, vector<128x128xf32>,
    %get3A_1363 = arith.constant 0 : index
    %get3A_1364 = arith.constant 58368 : index
    %get3A_1365 = vector.load %arg1[%get3A_1363, %get3A_1364] : memref<32x65536xf32, #tpu.memory_space<vmem>>, vector<32x512xf32>
    %slice3A_1366 = vector.extract_strided_slice %get3A_1365 {offsets = [0, 0], sizes = [32, 128], strides = [1, 1]} : vector<32x512xf32> to vector<32x128xf32>
    %slice3A_1367 = vector.extract_strided_slice %get3A_1365 {offsets = [0, 128], sizes = [32, 128], strides = [1, 1]} : vector<32x512xf32> to vector<32x128xf32>
    %slice3A_1368 = vector.extract_strided_slice %get3A_1365 {offsets = [0, 256], sizes = [32, 128], strides = [1, 1]} : vector<32x512xf32> to vector<32x128xf32>
    %slice3A_1369 = vector.extract_strided_slice %get3A_1365 {offsets = [0, 384], sizes = [32, 128], strides = [1, 1]} : vector<32x512xf32> to vector<32x128xf32>
    %concatenate3A_1370 = tpu.concatenate %slice3A_1366, %slice3A_1367, %slice3A_1368, %slice3A_1369 in 0 : vector<32x128xf32>, vector<32x128xf32>, vector<32x128xf32>, vector<32x128xf32> -> vector<128x128xf32>
    %transpose3A_1371 = tpu.transpose %concatenate3A_1370, [1, 0] : vector<128x128xf32> -> vector<128x128xf32>
    %swap3A_1372 = arith.constant 14592 : index
    %swap3A_1373 = arith.constant 0 : index
    %swap3A_1374 = vector.load %arg2[%swap3A_1372, %swap3A_1373] : memref<16384x128xf32, #tpu.memory_space<vmem>>, vector<128x128xf32>
    tpu.vector_store %arg2[%swap3A_1372, %swap3A_1373], %transpose3A_1371 {strides = array<i32>} : memref<16384x128xf32, #tpu.memory_space<vmem>>, vector<128x128xf32>,
    %get3A_1375 = arith.constant 0 : index
    %get3A_1376 = arith.constant 58880 : index
    %get3A_1377 = vector.load %arg1[%get3A_1375, %get3A_1376] : memref<32x65536xf32, #tpu.memory_space<vmem>>, vector<32x512xf32>
    %slice3A_1378 = vector.extract_strided_slice %get3A_1377 {offsets = [0, 0], sizes = [32, 128], strides = [1, 1]} : vector<32x512xf32> to vector<32x128xf32>
    %slice3A_1379 = vector.extract_strided_slice %get3A_1377 {offsets = [0, 128], sizes = [32, 128], strides = [1, 1]} : vector<32x512xf32> to vector<32x128xf32>
    %slice3A_1380 = vector.extract_strided_slice %get3A_1377 {offsets = [0, 256], sizes = [32, 128], strides = [1, 1]} : vector<32x512xf32> to vector<32x128xf32>
    %slice3A_1381 = vector.extract_strided_slice %get3A_1377 {offsets = [0, 384], sizes = [32, 128], strides = [1, 1]} : vector<32x512xf32> to vector<32x128xf32>
    %concatenate3A_1382 = tpu.concatenate %slice3A_1378, %slice3A_1379, %slice3A_1380, %slice3A_1381 in 0 : vector<32x128xf32>, vector<32x128xf32>, vector<32x128xf32>, vector<32x128xf32> -> vector<128x128xf32>
    %transpose3A_1383 = tpu.transpose %concatenate3A_1382, [1, 0] : vector<128x128xf32> -> vector<128x128xf32>
    %swap3A_1384 = arith.constant 14720 : index
    %swap3A_1385 = arith.constant 0 : index
    %swap3A_1386 = vector.load %arg2[%swap3A_1384, %swap3A_1385] : memref<16384x128xf32, #tpu.memory_space<vmem>>, vector<128x128xf32>
    tpu.vector_store %arg2[%swap3A_1384, %swap3A_1385], %transpose3A_1383 {strides = array<i32>} : memref<16384x128xf32, #tpu.memory_space<vmem>>, vector<128x128xf32>,
    %get3A_1387 = arith.constant 0 : index
    %get3A_1388 = arith.constant 59392 : index
    %get3A_1389 = vector.load %arg1[%get3A_1387, %get3A_1388] : memref<32x65536xf32, #tpu.memory_space<vmem>>, vector<32x512xf32>
    %slice3A_1390 = vector.extract_strided_slice %get3A_1389 {offsets = [0, 0], sizes = [32, 128], strides = [1, 1]} : vector<32x512xf32> to vector<32x128xf32>
    %slice3A_1391 = vector.extract_strided_slice %get3A_1389 {offsets = [0, 128], sizes = [32, 128], strides = [1, 1]} : vector<32x512xf32> to vector<32x128xf32>
    %slice3A_1392 = vector.extract_strided_slice %get3A_1389 {offsets = [0, 256], sizes = [32, 128], strides = [1, 1]} : vector<32x512xf32> to vector<32x128xf32>
    %slice3A_1393 = vector.extract_strided_slice %get3A_1389 {offsets = [0, 384], sizes = [32, 128], strides = [1, 1]} : vector<32x512xf32> to vector<32x128xf32>
    %concatenate3A_1394 = tpu.concatenate %slice3A_1390, %slice3A_1391, %slice3A_1392, %slice3A_1393 in 0 : vector<32x128xf32>, vector<32x128xf32>, vector<32x128xf32>, vector<32x128xf32> -> vector<128x128xf32>
    %transpose3A_1395 = tpu.transpose %concatenate3A_1394, [1, 0] : vector<128x128xf32> -> vector<128x128xf32>
    %swap3A_1396 = arith.constant 14848 : index
    %swap3A_1397 = arith.constant 0 : index
    %swap3A_1398 = vector.load %arg2[%swap3A_1396, %swap3A_1397] : memref<16384x128xf32, #tpu.memory_space<vmem>>, vector<128x128xf32>
    tpu.vector_store %arg2[%swap3A_1396, %swap3A_1397], %transpose3A_1395 {strides = array<i32>} : memref<16384x128xf32, #tpu.memory_space<vmem>>, vector<128x128xf32>,
    %get3A_1399 = arith.constant 0 : index
    %get3A_1400 = arith.constant 59904 : index
    %get3A_1401 = vector.load %arg1[%get3A_1399, %get3A_1400] : memref<32x65536xf32, #tpu.memory_space<vmem>>, vector<32x512xf32>
    %slice3A_1402 = vector.extract_strided_slice %get3A_1401 {offsets = [0, 0], sizes = [32, 128], strides = [1, 1]} : vector<32x512xf32> to vector<32x128xf32>
    %slice3A_1403 = vector.extract_strided_slice %get3A_1401 {offsets = [0, 128], sizes = [32, 128], strides = [1, 1]} : vector<32x512xf32> to vector<32x128xf32>
    %slice3A_1404 = vector.extract_strided_slice %get3A_1401 {offsets = [0, 256], sizes = [32, 128], strides = [1, 1]} : vector<32x512xf32> to vector<32x128xf32>
    %slice3A_1405 = vector.extract_strided_slice %get3A_1401 {offsets = [0, 384], sizes = [32, 128], strides = [1, 1]} : vector<32x512xf32> to vector<32x128xf32>
    %concatenate3A_1406 = tpu.concatenate %slice3A_1402, %slice3A_1403, %slice3A_1404, %slice3A_1405 in 0 : vector<32x128xf32>, vector<32x128xf32>, vector<32x128xf32>, vector<32x128xf32> -> vector<128x128xf32>
    %transpose3A_1407 = tpu.transpose %concatenate3A_1406, [1, 0] : vector<128x128xf32> -> vector<128x128xf32>
    %swap3A_1408 = arith.constant 14976 : index
    %swap3A_1409 = arith.constant 0 : index
    %swap3A_1410 = vector.load %arg2[%swap3A_1408, %swap3A_1409] : memref<16384x128xf32, #tpu.memory_space<vmem>>, vector<128x128xf32>
    tpu.vector_store %arg2[%swap3A_1408, %swap3A_1409], %transpose3A_1407 {strides = array<i32>} : memref<16384x128xf32, #tpu.memory_space<vmem>>, vector<128x128xf32>,
    %get3A_1411 = arith.constant 0 : index
    %get3A_1412 = arith.constant 60416 : index
    %get3A_1413 = vector.load %arg1[%get3A_1411, %get3A_1412] : memref<32x65536xf32, #tpu.memory_space<vmem>>, vector<32x512xf32>
    %slice3A_1414 = vector.extract_strided_slice %get3A_1413 {offsets = [0, 0], sizes = [32, 128], strides = [1, 1]} : vector<32x512xf32> to vector<32x128xf32>
    %slice3A_1415 = vector.extract_strided_slice %get3A_1413 {offsets = [0, 128], sizes = [32, 128], strides = [1, 1]} : vector<32x512xf32> to vector<32x128xf32>
    %slice3A_1416 = vector.extract_strided_slice %get3A_1413 {offsets = [0, 256], sizes = [32, 128], strides = [1, 1]} : vector<32x512xf32> to vector<32x128xf32>
    %slice3A_1417 = vector.extract_strided_slice %get3A_1413 {offsets = [0, 384], sizes = [32, 128], strides = [1, 1]} : vector<32x512xf32> to vector<32x128xf32>
    %concatenate3A_1418 = tpu.concatenate %slice3A_1414, %slice3A_1415, %slice3A_1416, %slice3A_1417 in 0 : vector<32x128xf32>, vector<32x128xf32>, vector<32x128xf32>, vector<32x128xf32> -> vector<128x128xf32>
    %transpose3A_1419 = tpu.transpose %concatenate3A_1418, [1, 0] : vector<128x128xf32> -> vector<128x128xf32>
    %swap3A_1420 = arith.constant 15104 : index
    %swap3A_1421 = arith.constant 0 : index
    %swap3A_1422 = vector.load %arg2[%swap3A_1420, %swap3A_1421] : memref<16384x128xf32, #tpu.memory_space<vmem>>, vector<128x128xf32>
    tpu.vector_store %arg2[%swap3A_1420, %swap3A_1421], %transpose3A_1419 {strides = array<i32>} : memref<16384x128xf32, #tpu.memory_space<vmem>>, vector<128x128xf32>,
    %get3A_1423 = arith.constant 0 : index
    %get3A_1424 = arith.constant 60928 : index
    %get3A_1425 = vector.load %arg1[%get3A_1423, %get3A_1424] : memref<32x65536xf32, #tpu.memory_space<vmem>>, vector<32x512xf32>
    %slice3A_1426 = vector.extract_strided_slice %get3A_1425 {offsets = [0, 0], sizes = [32, 128], strides = [1, 1]} : vector<32x512xf32> to vector<32x128xf32>
    %slice3A_1427 = vector.extract_strided_slice %get3A_1425 {offsets = [0, 128], sizes = [32, 128], strides = [1, 1]} : vector<32x512xf32> to vector<32x128xf32>
    %slice3A_1428 = vector.extract_strided_slice %get3A_1425 {offsets = [0, 256], sizes = [32, 128], strides = [1, 1]} : vector<32x512xf32> to vector<32x128xf32>
    %slice3A_1429 = vector.extract_strided_slice %get3A_1425 {offsets = [0, 384], sizes = [32, 128], strides = [1, 1]} : vector<32x512xf32> to vector<32x128xf32>
    %concatenate3A_1430 = tpu.concatenate %slice3A_1426, %slice3A_1427, %slice3A_1428, %slice3A_1429 in 0 : vector<32x128xf32>, vector<32x128xf32>, vector<32x128xf32>, vector<32x128xf32> -> vector<128x128xf32>
    %transpose3A_1431 = tpu.transpose %concatenate3A_1430, [1, 0] : vector<128x128xf32> -> vector<128x128xf32>
    %swap3A_1432 = arith.constant 15232 : index
    %swap3A_1433 = arith.constant 0 : index
    %swap3A_1434 = vector.load %arg2[%swap3A_1432, %swap3A_1433] : memref<16384x128xf32, #tpu.memory_space<vmem>>, vector<128x128xf32>
    tpu.vector_store %arg2[%swap3A_1432, %swap3A_1433], %transpose3A_1431 {strides = array<i32>} : memref<16384x128xf32, #tpu.memory_space<vmem>>, vector<128x128xf32>,
    %get3A_1435 = arith.constant 0 : index
    %get3A_1436 = arith.constant 61440 : index
    %get3A_1437 = vector.load %arg1[%get3A_1435, %get3A_1436] : memref<32x65536xf32, #tpu.memory_space<vmem>>, vector<32x512xf32>
    %slice3A_1438 = vector.extract_strided_slice %get3A_1437 {offsets = [0, 0], sizes = [32, 128], strides = [1, 1]} : vector<32x512xf32> to vector<32x128xf32>
    %slice3A_1439 = vector.extract_strided_slice %get3A_1437 {offsets = [0, 128], sizes = [32, 128], strides = [1, 1]} : vector<32x512xf32> to vector<32x128xf32>
    %slice3A_1440 = vector.extract_strided_slice %get3A_1437 {offsets = [0, 256], sizes = [32, 128], strides = [1, 1]} : vector<32x512xf32> to vector<32x128xf32>
    %slice3A_1441 = vector.extract_strided_slice %get3A_1437 {offsets = [0, 384], sizes = [32, 128], strides = [1, 1]} : vector<32x512xf32> to vector<32x128xf32>
    %concatenate3A_1442 = tpu.concatenate %slice3A_1438, %slice3A_1439, %slice3A_1440, %slice3A_1441 in 0 : vector<32x128xf32>, vector<32x128xf32>, vector<32x128xf32>, vector<32x128xf32> -> vector<128x128xf32>
    %transpose3A_1443 = tpu.transpose %concatenate3A_1442, [1, 0] : vector<128x128xf32> -> vector<128x128xf32>
    %swap3A_1444 = arith.constant 15360 : index
    %swap3A_1445 = arith.constant 0 : index
    %swap3A_1446 = vector.load %arg2[%swap3A_1444, %swap3A_1445] : memref<16384x128xf32, #tpu.memory_space<vmem>>, vector<128x128xf32>
    tpu.vector_store %arg2[%swap3A_1444, %swap3A_1445], %transpose3A_1443 {strides = array<i32>} : memref<16384x128xf32, #tpu.memory_space<vmem>>, vector<128x128xf32>,
    %get3A_1447 = arith.constant 0 : index
    %get3A_1448 = arith.constant 61952 : index
    %get3A_1449 = vector.load %arg1[%get3A_1447, %get3A_1448] : memref<32x65536xf32, #tpu.memory_space<vmem>>, vector<32x512xf32>
    %slice3A_1450 = vector.extract_strided_slice %get3A_1449 {offsets = [0, 0], sizes = [32, 128], strides = [1, 1]} : vector<32x512xf32> to vector<32x128xf32>
    %slice3A_1451 = vector.extract_strided_slice %get3A_1449 {offsets = [0, 128], sizes = [32, 128], strides = [1, 1]} : vector<32x512xf32> to vector<32x128xf32>
    %slice3A_1452 = vector.extract_strided_slice %get3A_1449 {offsets = [0, 256], sizes = [32, 128], strides = [1, 1]} : vector<32x512xf32> to vector<32x128xf32>
    %slice3A_1453 = vector.extract_strided_slice %get3A_1449 {offsets = [0, 384], sizes = [32, 128], strides = [1, 1]} : vector<32x512xf32> to vector<32x128xf32>
    %concatenate3A_1454 = tpu.concatenate %slice3A_1450, %slice3A_1451, %slice3A_1452, %slice3A_1453 in 0 : vector<32x128xf32>, vector<32x128xf32>, vector<32x128xf32>, vector<32x128xf32> -> vector<128x128xf32>
    %transpose3A_1455 = tpu.transpose %concatenate3A_1454, [1, 0] : vector<128x128xf32> -> vector<128x128xf32>
    %swap3A_1456 = arith.constant 15488 : index
    %swap3A_1457 = arith.constant 0 : index
    %swap3A_1458 = vector.load %arg2[%swap3A_1456, %swap3A_1457] : memref<16384x128xf32, #tpu.memory_space<vmem>>, vector<128x128xf32>
    tpu.vector_store %arg2[%swap3A_1456, %swap3A_1457], %transpose3A_1455 {strides = array<i32>} : memref<16384x128xf32, #tpu.memory_space<vmem>>, vector<128x128xf32>,
    %get3A_1459 = arith.constant 0 : index
    %get3A_1460 = arith.constant 62464 : index
    %get3A_1461 = vector.load %arg1[%get3A_1459, %get3A_1460] : memref<32x65536xf32, #tpu.memory_space<vmem>>, vector<32x512xf32>
    %slice3A_1462 = vector.extract_strided_slice %get3A_1461 {offsets = [0, 0], sizes = [32, 128], strides = [1, 1]} : vector<32x512xf32> to vector<32x128xf32>
    %slice3A_1463 = vector.extract_strided_slice %get3A_1461 {offsets = [0, 128], sizes = [32, 128], strides = [1, 1]} : vector<32x512xf32> to vector<32x128xf32>
    %slice3A_1464 = vector.extract_strided_slice %get3A_1461 {offsets = [0, 256], sizes = [32, 128], strides = [1, 1]} : vector<32x512xf32> to vector<32x128xf32>
    %slice3A_1465 = vector.extract_strided_slice %get3A_1461 {offsets = [0, 384], sizes = [32, 128], strides = [1, 1]} : vector<32x512xf32> to vector<32x128xf32>
    %concatenate3A_1466 = tpu.concatenate %slice3A_1462, %slice3A_1463, %slice3A_1464, %slice3A_1465 in 0 : vector<32x128xf32>, vector<32x128xf32>, vector<32x128xf32>, vector<32x128xf32> -> vector<128x128xf32>
    %transpose3A_1467 = tpu.transpose %concatenate3A_1466, [1, 0] : vector<128x128xf32> -> vector<128x128xf32>
    %swap3A_1468 = arith.constant 15616 : index
    %swap3A_1469 = arith.constant 0 : index
    %swap3A_1470 = vector.load %arg2[%swap3A_1468, %swap3A_1469] : memref<16384x128xf32, #tpu.memory_space<vmem>>, vector<128x128xf32>
    tpu.vector_store %arg2[%swap3A_1468, %swap3A_1469], %transpose3A_1467 {strides = array<i32>} : memref<16384x128xf32, #tpu.memory_space<vmem>>, vector<128x128xf32>,
    %get3A_1471 = arith.constant 0 : index
    %get3A_1472 = arith.constant 62976 : index
    %get3A_1473 = vector.load %arg1[%get3A_1471, %get3A_1472] : memref<32x65536xf32, #tpu.memory_space<vmem>>, vector<32x512xf32>
    %slice3A_1474 = vector.extract_strided_slice %get3A_1473 {offsets = [0, 0], sizes = [32, 128], strides = [1, 1]} : vector<32x512xf32> to vector<32x128xf32>
    %slice3A_1475 = vector.extract_strided_slice %get3A_1473 {offsets = [0, 128], sizes = [32, 128], strides = [1, 1]} : vector<32x512xf32> to vector<32x128xf32>
    %slice3A_1476 = vector.extract_strided_slice %get3A_1473 {offsets = [0, 256], sizes = [32, 128], strides = [1, 1]} : vector<32x512xf32> to vector<32x128xf32>
    %slice3A_1477 = vector.extract_strided_slice %get3A_1473 {offsets = [0, 384], sizes = [32, 128], strides = [1, 1]} : vector<32x512xf32> to vector<32x128xf32>
    %concatenate3A_1478 = tpu.concatenate %slice3A_1474, %slice3A_1475, %slice3A_1476, %slice3A_1477 in 0 : vector<32x128xf32>, vector<32x128xf32>, vector<32x128xf32>, vector<32x128xf32> -> vector<128x128xf32>
    %transpose3A_1479 = tpu.transpose %concatenate3A_1478, [1, 0] : vector<128x128xf32> -> vector<128x128xf32>
    %swap3A_1480 = arith.constant 15744 : index
    %swap3A_1481 = arith.constant 0 : index
    %swap3A_1482 = vector.load %arg2[%swap3A_1480, %swap3A_1481] : memref<16384x128xf32, #tpu.memory_space<vmem>>, vector<128x128xf32>
    tpu.vector_store %arg2[%swap3A_1480, %swap3A_1481], %transpose3A_1479 {strides = array<i32>} : memref<16384x128xf32, #tpu.memory_space<vmem>>, vector<128x128xf32>,
    %get3A_1483 = arith.constant 0 : index
    %get3A_1484 = arith.constant 63488 : index
    %get3A_1485 = vector.load %arg1[%get3A_1483, %get3A_1484] : memref<32x65536xf32, #tpu.memory_space<vmem>>, vector<32x512xf32>
    %slice3A_1486 = vector.extract_strided_slice %get3A_1485 {offsets = [0, 0], sizes = [32, 128], strides = [1, 1]} : vector<32x512xf32> to vector<32x128xf32>
    %slice3A_1487 = vector.extract_strided_slice %get3A_1485 {offsets = [0, 128], sizes = [32, 128], strides = [1, 1]} : vector<32x512xf32> to vector<32x128xf32>
    %slice3A_1488 = vector.extract_strided_slice %get3A_1485 {offsets = [0, 256], sizes = [32, 128], strides = [1, 1]} : vector<32x512xf32> to vector<32x128xf32>
    %slice3A_1489 = vector.extract_strided_slice %get3A_1485 {offsets = [0, 384], sizes = [32, 128], strides = [1, 1]} : vector<32x512xf32> to vector<32x128xf32>
    %concatenate3A_1490 = tpu.concatenate %slice3A_1486, %slice3A_1487, %slice3A_1488, %slice3A_1489 in 0 : vector<32x128xf32>, vector<32x128xf32>, vector<32x128xf32>, vector<32x128xf32> -> vector<128x128xf32>
    %transpose3A_1491 = tpu.transpose %concatenate3A_1490, [1, 0] : vector<128x128xf32> -> vector<128x128xf32>
    %swap3A_1492 = arith.constant 15872 : index
    %swap3A_1493 = arith.constant 0 : index
    %swap3A_1494 = vector.load %arg2[%swap3A_1492, %swap3A_1493] : memref<16384x128xf32, #tpu.memory_space<vmem>>, vector<128x128xf32>
    tpu.vector_store %arg2[%swap3A_1492, %swap3A_1493], %transpose3A_1491 {strides = array<i32>} : memref<16384x128xf32, #tpu.memory_space<vmem>>, vector<128x128xf32>,
    %get3A_1495 = arith.constant 0 : index
    %get3A_1496 = arith.constant 64000 : index
    %get3A_1497 = vector.load %arg1[%get3A_1495, %get3A_1496] : memref<32x65536xf32, #tpu.memory_space<vmem>>, vector<32x512xf32>
    %slice3A_1498 = vector.extract_strided_slice %get3A_1497 {offsets = [0, 0], sizes = [32, 128], strides = [1, 1]} : vector<32x512xf32> to vector<32x128xf32>
    %slice3A_1499 = vector.extract_strided_slice %get3A_1497 {offsets = [0, 128], sizes = [32, 128], strides = [1, 1]} : vector<32x512xf32> to vector<32x128xf32>
    %slice3A_1500 = vector.extract_strided_slice %get3A_1497 {offsets = [0, 256], sizes = [32, 128], strides = [1, 1]} : vector<32x512xf32> to vector<32x128xf32>
    %slice3A_1501 = vector.extract_strided_slice %get3A_1497 {offsets = [0, 384], sizes = [32, 128], strides = [1, 1]} : vector<32x512xf32> to vector<32x128xf32>
    %concatenate3A_1502 = tpu.concatenate %slice3A_1498, %slice3A_1499, %slice3A_1500, %slice3A_1501 in 0 : vector<32x128xf32>, vector<32x128xf32>, vector<32x128xf32>, vector<32x128xf32> -> vector<128x128xf32>
    %transpose3A_1503 = tpu.transpose %concatenate3A_1502, [1, 0] : vector<128x128xf32> -> vector<128x128xf32>
    %swap3A_1504 = arith.constant 16000 : index
    %swap3A_1505 = arith.constant 0 : index
    %swap3A_1506 = vector.load %arg2[%swap3A_1504, %swap3A_1505] : memref<16384x128xf32, #tpu.memory_space<vmem>>, vector<128x128xf32>
    tpu.vector_store %arg2[%swap3A_1504, %swap3A_1505], %transpose3A_1503 {strides = array<i32>} : memref<16384x128xf32, #tpu.memory_space<vmem>>, vector<128x128xf32>,
    %get3A_1507 = arith.constant 0 : index
    %get3A_1508 = arith.constant 64512 : index
    %get3A_1509 = vector.load %arg1[%get3A_1507, %get3A_1508] : memref<32x65536xf32, #tpu.memory_space<vmem>>, vector<32x512xf32>
    %slice3A_1510 = vector.extract_strided_slice %get3A_1509 {offsets = [0, 0], sizes = [32, 128], strides = [1, 1]} : vector<32x512xf32> to vector<32x128xf32>
    %slice3A_1511 = vector.extract_strided_slice %get3A_1509 {offsets = [0, 128], sizes = [32, 128], strides = [1, 1]} : vector<32x512xf32> to vector<32x128xf32>
    %slice3A_1512 = vector.extract_strided_slice %get3A_1509 {offsets = [0, 256], sizes = [32, 128], strides = [1, 1]} : vector<32x512xf32> to vector<32x128xf32>
    %slice3A_1513 = vector.extract_strided_slice %get3A_1509 {offsets = [0, 384], sizes = [32, 128], strides = [1, 1]} : vector<32x512xf32> to vector<32x128xf32>
    %concatenate3A_1514 = tpu.concatenate %slice3A_1510, %slice3A_1511, %slice3A_1512, %slice3A_1513 in 0 : vector<32x128xf32>, vector<32x128xf32>, vector<32x128xf32>, vector<32x128xf32> -> vector<128x128xf32>
    %transpose3A_1515 = tpu.transpose %concatenate3A_1514, [1, 0] : vector<128x128xf32> -> vector<128x128xf32>
    %swap3A_1516 = arith.constant 16128 : index
    %swap3A_1517 = arith.constant 0 : index
    %swap3A_1518 = vector.load %arg2[%swap3A_1516, %swap3A_1517] : memref<16384x128xf32, #tpu.memory_space<vmem>>, vector<128x128xf32>
    tpu.vector_store %arg2[%swap3A_1516, %swap3A_1517], %transpose3A_1515 {strides = array<i32>} : memref<16384x128xf32, #tpu.memory_space<vmem>>, vector<128x128xf32>,
    %get3A_1519 = arith.constant 0 : index
    %get3A_1520 = arith.constant 65024 : index
    %get3A_1521 = vector.load %arg1[%get3A_1519, %get3A_1520] : memref<32x65536xf32, #tpu.memory_space<vmem>>, vector<32x512xf32>
    %slice3A_1522 = vector.extract_strided_slice %get3A_1521 {offsets = [0, 0], sizes = [32, 128], strides = [1, 1]} : vector<32x512xf32> to vector<32x128xf32>
    %slice3A_1523 = vector.extract_strided_slice %get3A_1521 {offsets = [0, 128], sizes = [32, 128], strides = [1, 1]} : vector<32x512xf32> to vector<32x128xf32>
    %slice3A_1524 = vector.extract_strided_slice %get3A_1521 {offsets = [0, 256], sizes = [32, 128], strides = [1, 1]} : vector<32x512xf32> to vector<32x128xf32>
    %slice3A_1525 = vector.extract_strided_slice %get3A_1521 {offsets = [0, 384], sizes = [32, 128], strides = [1, 1]} : vector<32x512xf32> to vector<32x128xf32>
    %concatenate3A_1526 = tpu.concatenate %slice3A_1522, %slice3A_1523, %slice3A_1524, %slice3A_1525 in 0 : vector<32x128xf32>, vector<32x128xf32>, vector<32x128xf32>, vector<32x128xf32> -> vector<128x128xf32>
    %transpose3A_1527 = tpu.transpose %concatenate3A_1526, [1, 0] : vector<128x128xf32> -> vector<128x128xf32>
    %swap3A_1528 = arith.constant 16256 : index
    %swap3A_1529 = arith.constant 0 : index
    %swap3A_1530 = vector.load %arg2[%swap3A_1528, %swap3A_1529] : memref<16384x128xf32, #tpu.memory_space<vmem>>, vector<128x128xf32>
    tpu.vector_store %arg2[%swap3A_1528, %swap3A_1529], %transpose3A_1527 {strides = array<i32>} : memref<16384x128xf32, #tpu.memory_space<vmem>>, vector<128x128xf32>,
    return
  }
  func.func @transform_0(%arg0: i32) -> (i32, i32) {
    %c0_i32 = arith.constant 0 : i32
    %c0_i32_0 = arith.constant 0 : i32
    return %c0_i32, %arg0 : i32, i32
  }
  func.func @transform_1(%arg0: i32) -> (i32, i32) {
    %c0_i32 = arith.constant 0 : i32
    %c0_i32_0 = arith.constant 0 : i32
    return %arg0, %c0_i32 : i32, i32
  }
}

module attributes {stable_mosaic.version = 14 : i64} {
  func.func @mmk(%arg0: i32, %arg1: memref<256x32xf32, #tpu.memory_space<vmem>>, %arg2: memref<128x32xf32, #tpu.memory_space<vmem>>, %arg3: memref<1x128xf32, #tpu.memory_space<vmem>>, %arg4: memref<256x128xf32, #tpu.memory_space<vmem>>) attributes {dimension_semantics = [#tpu.dimension_semantics<arbitrary>], iteration_bounds = array<i64: 16>, scalar_prefetch = 0 : i64, scratch_operands = 0 : i64, tpu.core_type = #tpu.core_type<tc>, window_params = [{transform_indices = @transform_0, window_bounds = array<i64: 256, 32>}, {pipeline_mode = #tpu.pipeline_mode<synchronous>, transform_indices = @transform_1, window_bounds = array<i64: 128, 32>}, {pipeline_mode = #tpu.pipeline_mode<synchronous>, transform_indices = @transform_2, window_bounds = array<i64: 1, 128>}, {transform_indices = @transform_3, window_bounds = array<i64: 256, 128>}]} {
    %get3A = arith.constant 0 : index
    %get3A_0 = arith.constant 0 : index
    %get3A_1 = vector.load %arg1[%get3A, %get3A_0] : memref<256x32xf32, #tpu.memory_space<vmem>>, vector<256x32xf32>
    %get3A_2 = arith.constant 0 : index
    %get3A_3 = arith.constant 0 : index
    %get3A_4 = vector.load %arg2[%get3A_2, %get3A_3] : memref<128x32xf32, #tpu.memory_space<vmem>>, vector<128x32xf32>
    %dot_general3A = arith.constant dense<0.000000e+00> : vector<256x128xf32>
    %dot_general3A_5 = tpu.matmul %get3A_1, %get3A_4, %dot_general3A {dimension_numbers = #tpu.dot_dimension_numbers<[1], [1], [0], [0], [0, 0, 1, 0], [], []>, transpose_lhs_hint = false} : vector<256x32xf32>, vector<128x32xf32>, vector<256x128xf32> -> vector<256x128xf32>
    %get3A_6 = arith.constant 0 : index
    %get3A_7 = arith.constant 0 : index
    %get3A_8 = vector.load %arg3[%get3A_6, %get3A_7] : memref<1x128xf32, #tpu.memory_space<vmem>>, vector<1x128xf32>
    %add3A = vector.broadcast %get3A_8 : vector<1x128xf32> to vector<256x128xf32>
    %add3A_9 = arith.addf %dot_general3A_5, %add3A : vector<256x128xf32>
    %swap3A = arith.constant 0 : index
    %swap3A_10 = arith.constant 0 : index
    %swap3A_11 = vector.load %arg4[%swap3A, %swap3A_10] : memref<256x128xf32, #tpu.memory_space<vmem>>, vector<256x128xf32>
    tpu.vector_store %arg4[%swap3A, %swap3A_10], %add3A_9 {strides = array<i32>} : memref<256x128xf32, #tpu.memory_space<vmem>>, vector<256x128xf32>,
    return
  }
  func.func @transform_0(%arg0: i32) -> (i32, i32) {
    %c0_i32 = arith.constant 0 : i32
    %c0_i32_0 = arith.constant 0 : i32
    return %arg0, %c0_i32 : i32, i32
  }
  func.func @transform_1(%arg0: i32) -> (i32, i32) {
    %c0_i32 = arith.constant 0 : i32
    %c0_i32_0 = arith.constant 0 : i32
    %c0_i32_1 = arith.constant 0 : i32
    return %c0_i32, %c0_i32_0 : i32, i32
  }
  func.func @transform_2(%arg0: i32) -> (i32, i32) {
    %c0_i32 = arith.constant 0 : i32
    %c0_i32_0 = arith.constant 0 : i32
    %c0_i32_1 = arith.constant 0 : i32
    return %c0_i32, %c0_i32_0 : i32, i32
  }
  func.func @transform_3(%arg0: i32) -> (i32, i32) {
    %c0_i32 = arith.constant 0 : i32
    %c0_i32_0 = arith.constant 0 : i32
    return %arg0, %c0_i32 : i32, i32
  }
}

</mosaic_0001>

<sc_bundles>
// kernel: kernel.6.cloned.1.call-start
scs
__scs_entry_jumppad:
0x0: {  	(pc) =	sbr.rel $0x88, $3  }
0x1: {  	(tag) =	ssettag $0x0;
	lr =	simm.s32 $0x1  }
0x2: {  	[smem:$0x3F9D] =	sst lr;
	_ =	strace $0xD0000000  }
0x3: {  	_ = 	snop  }
0x4: {  	_ = 	snop  }
0x5: {  	_ = 	snop  }
0x6: {  	_ = 	snop  }
0x7: {  	_ = 	snop  }
__scs_overlays_trampoline_lowered:
0x8: {  	[smem:$0x3FAC] =	sst s0  }
0x9: {  	[smem:$0x3FAD] =	sst s1  }
0xa: {  	[smem:$0x3FAE] =	sst s2  }
0xb: {  	[smem:$0x3FAF] =	sst s3  }
0xc: {  	[smem:$0x3FB0] =	sst s4  }
0xd: {  	[smem:$0x3FB1] =	sst s5  }
0xe: {  	[smem:$0x3FB2] =	sst s6  }
0xf: {  	[smem:$0x3FB3] =	sst s7  }
0x10: {  	[smem:$0x3FB4] =	sst s8  }
0x11: {  	[smem:$0x3FB5] =	sst s9;
	s0 =	simm.s32 @!p0 $0x0  }
0x12: {  	s1 =	sld [smem:$0x3F9B];
	s0 =	simm.s32 @p0 $0x1  }
0x13: {  	[smem:$0x3FB6] =	sst s0;
	s0 =	simm.s32 @!p1 $0x0  }
0x14: {  	s2 =	sld [smem:$0x3F9A];
	s0 =	simm.s32 @p1 $0x1  }
0x15: {  	[smem:$0x3FB7] =	sst s0;
	s0 =	simm.s32 @!p2 $0x0  }
0x16: {  	s3 =	sld [smem:$0x3FDB];
	s0 =	simm.s32 @p2 $0x1  }
0x17: {  	s4 =	simm.s32 $0x1BF5;
	[smem:$0x3FB9] =	sst s0  }
0x18: {  	s0 =	sld [smem:$0x3F9C];
	_ =	swait.ge [sflag:s4], $0x0  }
0x19: {  	s7 =	sld [smem:$0x3F9D]  }
0x1a: {  	s8 =	sadd.s32 $0xFFFFE003, lr  }
0x1b: {  	s9 =	sadd.s32 $0xFFFFFEF7, lr;
	s5 =	simm.s32 $0xFFFFFFFF;
	p2 =	slt.u32 s8, $0xFFFFF086  }
0x1c: {  	p1 =	slt.u32 s9, $0xF7A;
	s5 =	simm.s32 @!p2 $0x0  }
0x1d: {  	s5 =	simm.s32 @p1 $0x1;
	p0 =	seq.s32 s7, s2  }
0x1e: {  	s7 =	smul.u32 @!p0 $0xF7A, s2;
	p2 =	seq.s32 @!p0 s5, $0x0  }
0x1f: {  	s9 =	smul.u32 $0xF7A, s1;
	s8 =	simm.s32 @!p0 $0x1BF5;
	p2 =	por !p2, p0  }
0x20: {  	[sflag:s8] =	ssyncset.s32 @!p0 $0xFFFFF086;
	s6 =	sadd.s32 @!p0 s3, s7;
	s7 =	simm.s32 @!p0 $0x108  }
0x21: {  	s3 =	sadd.s32 s3, s9;
	s6 =	sadd.s32 @!p0 $0x88, s6;
	s7 =	simm.s32 @p2 $0x1082  }
0x22: {  	[simem:s7], [sflag:s8] =	dma.local @!p0 [hbm:s6], $0xF7A  }
0x23: {  	s9 =	sor.u32 $0xD0000000, s2;
	s6 =	simm.s32 $0x108;
	_ =	swait.ge @!p0 [sflag:s8], $0x0  }
0x24: {  	s3 =	sadd.s32 $0x88, s3;
	s6 =	simm.s32 @!p1 $0x1082;
	[sflag:s4] =	ssyncset.s32 $0xFFFFF086  }
0x25: {  	[simem:s6], [sflag:s4] =	dma.local [hbm:s3], $0xF7A  }
0x26: {  	[smem:$0x3F9D] =	sst s1;
	(tag) =	ssettag s2;
	_ =	strace s9  }
0x27: {  	s1 =	sld [smem:$0x3FAD]  }
0x28: {  	s2 =	sld [smem:$0x3FAE]  }
0x29: {  	s4 =	sld [smem:$0x3FB0]  }
0x2a: {  	p0 =	seq.s32 s5, $0x0;
	s5 =	sld [smem:$0x3FB1]  }
0x2b: {  	s6 =	sld [smem:$0x3FB2]  }
0x2c: {  	s7 =	sld [smem:$0x3FB3]  }
0x2d: {  	s3 =	simm.s32 $0x108;
	s8 =	sld [smem:$0x3FB4]  }
0x2e: {  	s3 =	simm.s32 @!p0 $0x1082;
	s9 =	sld [smem:$0x3FB5]  }
0x2f: {  	lr =	sadd.s32 s0, s3;
	s0 =	sld [smem:$0x3FAC]  }
0x30: {  	s3 =	sld [smem:$0x3FAF]  }
0x31: {  	[smem:$0x3FB8] =	sst s10  }
0x32: {  	s10 =	sld [smem:$0x3FB6];
	_ =	sdelay $0x3  }
0x33: {  	p0 =	seq.s32 s10, $0x1;
	s10 =	sld [smem:$0x3FB8];
	_ =	sdelay $0x3  }
0x34: {  	[smem:$0x3FB8] =	sst s10  }
0x35: {  	s10 =	sld [smem:$0x3FB7];
	_ =	sdelay $0x3  }
0x36: {  	p1 =	seq.s32 s10, $0x1;
	s10 =	sld [smem:$0x3FB8];
	_ =	sdelay $0x3  }
0x37: {  	[smem:$0x3FB8] =	sst s10  }
0x38: {  	s10 =	sld [smem:$0x3FB9]  }
0x39: {  	_ = 	snop;
	(pc) =	sbr.ind lr, $3  }
0x3a: {  	_ = 	snop  }
0x3b: {  	_ = 	snop  }
0x3c: {  	p2 =	seq.s32 s10, $0x1;
	s10 =	sld [smem:$0x3FB8]  }
0x3d: {  	_ =	shalt  }
0x3e: {  	_ =	shalt  }
0x3f: {  	_ =	shalt  }
0x40: {  	_ =	shalt  }
0x41: {  	_ =	shalt  }
0x42: {  	_ =	shalt  }
0x43: {  	_ =	shalt  }
0x44: {  	_ =	shalt  }
0x45: {  	_ =	shalt  }
0x46: {  	_ =	shalt  }
0x47: {  	_ =	shalt  }
0x48: {  	_ =	shalt  }
0x49: {  	_ =	shalt  }
0x4a: {  	_ =	shalt  }
0x4b: {  	_ =	shalt  }
0x4c: {  	_ =	shalt  }
0x4d: {  	_ =	shalt  }
0x4e: {  	_ =	shalt  }
0x4f: {  	_ =	shalt  }
0x50: {  	_ =	shalt  }
0x51: {  	_ =	shalt  }
0x52: {  	_ =	shalt  }
0x53: {  	_ =	shalt  }
0x54: {  	_ =	shalt  }
0x55: {  	_ =	shalt  }
0x56: {  	_ =	shalt  }
0x57: {  	_ =	shalt  }
0x58: {  	_ =	shalt  }
0x59: {  	_ =	shalt  }
0x5a: {  	_ =	shalt  }
0x5b: {  	_ =	shalt  }
0x5c: {  	_ =	shalt  }
0x5d: {  	_ =	shalt  }
0x5e: {  	_ =	shalt  }
0x5f: {  	_ =	shalt  }
0x60: {  	_ =	shalt  }
0x61: {  	_ =	shalt  }
0x62: {  	_ =	shalt  }
0x63: {  	_ =	shalt  }
0x64: {  	_ =	shalt  }
0x65: {  	_ =	shalt  }
0x66: {  	_ =	shalt  }
0x67: {  	_ =	shalt  }
0x68: {  	_ =	shalt  }
0x69: {  	_ =	shalt  }
0x6a: {  	_ =	shalt  }
0x6b: {  	_ =	shalt  }
0x6c: {  	_ =	shalt  }
0x6d: {  	_ =	shalt  }
0x6e: {  	_ =	shalt  }
0x6f: {  	_ =	shalt  }
0x70: {  	_ =	shalt  }
0x71: {  	_ =	shalt  }
0x72: {  	_ =	shalt  }
0x73: {  	_ =	shalt  }
0x74: {  	_ =	shalt  }
0x75: {  	_ =	shalt  }
0x76: {  	_ =	shalt  }
0x77: {  	_ =	shalt  }
0x78: {  	_ =	shalt  }
0x79: {  	_ =	shalt  }
0x7a: {  	_ =	shalt  }
0x7b: {  	_ =	shalt  }
0x7c: {  	_ =	shalt  }
0x7d: {  	_ =	shalt  }
0x7e: {  	_ =	shalt  }
0x7f: {  	_ =	shalt  }
0x80: {  	_ =	shalt  }
0x81: {  	_ =	shalt  }
0x82: {  	_ =	shalt  }
0x83: {  	_ =	shalt  }
0x84: {  	_ =	shalt  }
0x85: {  	_ =	shalt  }
0x86: {  	_ =	shalt  }
0x87: {  	_ =	shalt  }
.Lfunc_end0:
.L_simem_size_0:
called_computation_lowered:
.L_overlay_start_0:
0x88: {  	s2 =	sld [smem:$0x3FD9]  }
0x89: {  	s3 =	sld [smem:$0x3FFE];
	_ =	sdelay $0x1  }
0x8a: {  	s1 =	srdreg.scid  }
0x8b: {  	s0 =	sand.u32 $0x1, s1  }
0x8c: {  	s17 =	sshll.u32 s0, $0xA;
	s2 =	sadd.s32 s3, s2  }
0x8d: {  	s2 =	sadd.s32 s2, s17  }
0x8e: {  	[smem:$0x3FC4] =	sst s2  }
0x8f: {  	_ = 	snop  }
0x90: {  	s2 =	sld [smem:$0x3FD0];
	(tm) =	ssettm $0x1  }
0x91: {  	s18 =	sld [smem:$0x3FFB];
	_ =	sdelay $0x3  }
0x92: {  	_ =	strace s18  }
0x93: {  	s3 =	sld [smem:$0x3FFC];
	_ =	sdelay $0x3  }
0x94: {  	_ =	strace s3  }
0x95: {  	s3 =	sld [smem:$0x3FFD];
	_ =	sdelay $0x3  }
0x96: {  	_ =	strace s3  }
0x97: {  	_ =	strace $0x8FFFFFFF  }
0x98: {  	s19 =	sld [smem:$0x3FDB];
	_ =	sdelay $0x1  }
0x99: {  	s4 =	simm.s32 $_scs_section_size  }
0x9a: {  	s5 =	simm.s32 $_size__tile_overlayer_lowered;
	s6 =	simm.s32 $_tile_overlayer_lowered  }
0x9b: {  	s22 =	simm.s32 $0x1BFF;
	s21 =	sshll.u32 s6, $0x1;
	s3 =	sadd.s32 s4, s19  }
0x9c: {  	s7 =	simm.s32 $0x0;
	s20 =	sshll.u32 s5, $0x1;
	s5 =	sadd.s32 s21, s3  }
0x9d: {  	[timem:s7], [sflag:s22] =	dma.local [hbm:s5], s20  }
0x9e: {  	_ =	swait.ge [sflag:s22], s20  }
0x9f: {  	s4 =	ssub.s32 $0x0, s20;
	[sflag:s22] =	ssyncset.done $0x0  }
0xa0: {  	[sflag:s22] =	ssyncadd.s32 s4;
	_ =	sdelay $0x1  }
0xa1: {  	s23 =	simm.s32 $0x1B8B  }
0xa2: {  	_ =	swait.ge [sflag:s23], $0x1  }
0xa3: {  	[sflag:s23] =	ssyncset.done $0x0  }
0xa4: {  	s25 =	simm.s32 $0x1B8E;
	s24 =	sld [smem:$0x3FFE];
	[sflag:s23] =	ssyncadd.s32 $0xFFFFFFFF  }
0xa5: {  	s26 =	simm.s32 $execute0_lowered;
	[smem:$0x3FD2] =	sst s25  }
0xa6: {  	s5 =	sshll.u32 s26, $0x1;
	_ =	strace $0x80000046;
	[dreg:$0x1] =	wrdreg $0xFFFFFFFF  }
0xa7: {  	s28 =	simm.s32 $_size_execute0_lowered;
	s3 =	sadd.s32 s3, s5;
	[dreg:$0x0] =	wrdreg $0x0  }
0xa8: {  	s5 =	sshll.u32 s28, $0x1;
	[dreg:$0x2] =	wrdreg s3  }
0xa9: {  	[dreg:$0x3] =	wrdreg s5  }
0xaa: {  	[dreg:$0x4] =	wrdreg $0xC0  }
0xab: {  	_ =	task [dreg:s7], $0x5FFFF  }
0xac: {  	[dreg:$0x1] =	wrdreg $0xFFFFFFFF  }
0xad: {  	[dreg:$0x0] =	wrdreg $0x60  }
0xae: {  	[dreg:$0x2] =	wrdreg s2  }
0xaf: {  	[dreg:$0x3] =	wrdreg s24  }
0xb0: {  	[dreg:$0x4] =	wrdreg $0x9  }
0xb1: {  	_ =	task.clear_ibuf [dreg:s7], $0x5FFFF;
	_ =	strace $0x90000046  }
0xb2: {  	s29 =	simm.s32 $0x9;
	_ =	strace $0x80000048  }
0xb3: {  	_ =	swait.ge [sflag:s29], $0x1  }
0xb4: {  	[sflag:s29] =	ssyncadd.s32 $0xFFFFFFFF  }
0xb5: {  	_ =	strace $0x90000048  }
0xb6: {  	_ =	sfence  }
0xb7: {  	s30 =	sld [smem:$0x0];
	_ =	sdelay $0x2  }
0xb8: {  	s31 =	sshll.u32 s1, $0xD;
	s1 =	sshrl.u32 s1, $0x2  }
0xb9: {  	s3 =	sand.u32 $0x4000, s31;
	s1 =	sadd.s32 s1, s30  }
0xba: {  	s0 =	sor.u32 s3, s0;
	s1 =	sshll.u32 s1, $0x11  }
0xbb: {  	s0 =	sor.u32 s1, s0  }
0xbc: {  	s0 =	sadd.s32 $0x8F2B, s0  }
0xbd: {  	[sflag:s0] =	ssyncadd.remote.s32 $0x1  }
0xbe: {  	_ =	sfence.sel $0xFFFF  }
0xbf: {  	[dreg:$0x0] =	wrdreg $0xFFFFFFFF;
	(pc) =	sbr.abs _section_cstart, $3  }
0xc0: {  	[dreg:$0x1] =	wrdreg $0xFFFFFFFF  }
0xc1: {  	_ =	task.clear_ibuf [dreg:s7], $0x2FFFF;
	_ =	strace $0x9FFFFFFF  }
0xc2: {  	(tm) =	ssettm $0x7FFFFFFF  }
0xc3: {  	_ =	shalt  }
tec
execute0_lowered:
.L_overlay_start_1:
0x0: {  	(tag) =	ssettag $0x1  }
0x1: {  	s1 =	srdreg.scid  }
0x2: {  	s4 =	rddreg [dreg:$0x0];
	s0 =	stileid.u32  }
0x3: {  	s5 =	rddreg [dreg:$0x1];
	s2 =	simm.s32 $0x0;
	s11 =	simm.s32 $0x8000  }
0x4: {  	s12 =	simm.s32 $0x48;
	s13 =	simm.s32 $0x9000;
	s14 =	simm.s32 $0x9900  }
0x5: {  	s15 =	simm.s32 $0xA900;
	s16 =	simm.s32 $0x1;
	s17 =	simm.s32 $0x2  }
0x6: {  	s18 =	simm.s32 $0xB200;
	s3 =	sand.u32 $0x1, s1;
	s1 =	rddreg [dreg:$0x2]  }
0x7: {  	s19 =	simm.s32 $0x0;
	s6 =	sshll.u32 s0, $0x8;
	[smem:$0x7FF] =	sst s2  }
0x8: {  	s7 =	sshll.u32 s3, $0x7;
	_ =	strace $0x80000047;
	s9 =	ssub.s32 $0x2, s3  }
0x9: {  	s3 =	sadd.s32 $0x10E00, s5;
	s6 =	sor.u32 s7, s6;
	s10 =	sshrl.u32 s9, $0x1  }
0xa: {  	s7 =	sshll.u32 s6, $0x4;
	s6 =	sshll.u32 s6, $0x2;
	s9 =	ssub.s32 s9, s10  }
0xb: {  	s10 =	simm.s32 $0x80;
	s8 =	sadd.s32 s7, s5;
	s6 =	sadd.s32 s6, s5  }
0xc: {  	s4 =	sadd.s32 s4, s7;
	s7 =	smax.u32 s9, $0x1;
	s9 =	simm.s32 $0x4000  }
0xd: {  	vm0 =	vcmask $0x3F20;
	s5 =	sadd.s32 $0xE00, s8;
	s6 =	sadd.s32 $0x410E00, s6;
	s8 =	simm.s32 $0x3  }
.LBB2_1:
0xe: {  	[tilespmem:s2], [sflag:$0x3] =	stream.linear.gather [hbm4b:s4+s2], $0x4000, $0x38;
	[tilespmem:$0xC200] =	vst v63  }
0xf: {  	_ =	swait.ge [sflag:s8], $0x4000  }
0x10: {  	[sflag:s8] =	ssyncset.done $0x0  }
0x11: {  	[sflag:s8] =	ssyncadd.s32 $0xFFFFC000  }
0x12: {  	[tilespmem:s9], [sflag:$0x3] =	stream.linear.gather [hbm4b:s5+s2], $0x4000, $0x38;
	[tilespmem:$0xC200] =	vst v63  }
0x13: {  	_ =	swait.ge [sflag:s8], $0x4000  }
0x14: {  	[sflag:s8] =	ssyncset.done $0x0  }
0x15: {  	[sflag:s8] =	ssyncadd.s32 $0xFFFFC000  }
0x16: {  	[tilespmem:s11], [sflag:$0x1] =	stream.indirect.gather [hbm4b:s3+s10], $0x20, s2, s10, $0xb8;
	[tilespmem:$0xC200] =	vst v63  }
0x17: {  	s20 =	simm.s32 $0x0  }
0x18: {  	[tilespmem:s13], [sflag:$0x1] =	stream.indirect.gather [hbm4b:s3+s12], $0x20, s9, s12, $0xb8;
	[tilespmem:$0xC200] =	vst v63  }
.LBB2_2:
0x19: {  	s22 =	sshll.u32 s20, $0x8  }
0x1a: {  	s21 =	sor.u32 $0x80, s22  }
0x1b: {  	[tilespmem:s14], [sflag:$0x2] =	stream.indirect.gather [hbm4b:s3+s10], $0x20, s21, s10, $0xb8;
	[tilespmem:$0xC200] =	vst v63  }
0x1c: {  	s23 =	sadd.s32 $0x4080, s22  }
0x1d: {  	[tilespmem:s15], [sflag:$0x2] =	stream.indirect.gather [hbm4b:s3+s12], $0x20, s23, s12, $0xb8;
	[tilespmem:$0xC200] =	vst v63  }
0x1e: {  	_ =	swait.ge [sflag:s16], $0x1900  }
0x1f: {  	[sflag:s16] =	ssyncset.done $0x0  }
0x20: {  	s24 =	simm.s32 $0x8DB0;
	[sflag:s16] =	ssyncadd.s32 $0xFFFFE700  }
0x21: {  	v0 =	vld [tilespmem:s24+$0xFFFFF370]  }
0x22: {  	v1 =	vld [tilespmem:s24+$0xFFFFF380]  }
0x23: {  	v2 =	vld [tilespmem:s24+$0xFFFFF350]  }
0x24: {  	v3 =	vld [tilespmem:s24+$0xFFFFF360]  }
0x25: {  	v9 =	vld [tilespmem:s24+$0xFFFFF330]  }
0x26: {  	v12 =	vld [tilespmem:s24+$0xFFFFF340]  }
0x27: {  	v7 =	vld [tilespmem:s24+$0xFFFFF310]  }
0x28: {  	v8 =	vld [tilespmem:s24+$0xFFFFF320]  }
0x29: {  	v5 =	vld [tilespmem:s24+$0xFFFFF2F0]  }
0x2a: {  	v6 =	vld [tilespmem:s24+$0xFFFFF300]  }
0x2b: {  	v4 =	vld [tilespmem:s24+$0xFFFFF2D0]  }
0x2c: {  	v10 =	vld [tilespmem:s24+$0xFFFFF2E0]  }
0x2d: {  	v11 =	vld [tilespmem:s24+$0xFFFFF2B0]  }
0x2e: {  	v13 =	vld [tilespmem:s24+$0xFFFFF2C0]  }
0x2f: {  	v14 =	vld [tilespmem:s24+$0xFFFFF290]  }
0x30: {  	v15 =	vld [tilespmem:s24+$0xFFFFF2A0]  }
0x31: {  	v16 =	vld [tilespmem:s24+$0xFFFFF270]  }
0x32: {  	v17 =	vld [tilespmem:s24+$0xFFFFF280]  }
0x33: {  	v18 =	vld [tilespmem:s24+$0xFFFFF250]  }
0x34: {  	v19 =	vld [tilespmem:s24+$0xFFFFF260]  }
0x35: {  	v20 =	vld [tilespmem:s24+$0xFFFFFED0]  }
0x36: {  	v21 =	vld [tilespmem:s24+$0xFFFFFEE0]  }
0x37: {  	v22 =	vld [tilespmem:s24+$0xFFFFFEF0]  }
0x38: {  	v23 =	vld [tilespmem:s24+$0xFFFFFF00]  }
0x39: {  	v24 =	vimm.f32 $0.0e+00;
	v25 =	vld [tilespmem:s24+$0xFFFFFF10]  }
0x3a: {  	v26 =	vld [tilespmem:s24+$0xFFFFFF20];
	v18 =	vadd.f32 v18, v24;
	v19 =	vadd.f32 v19, v24  }
0x3b: {  	v51 =	vld [tilespmem:s24+$0xFFFFFF30];
	v20 =	vadd.f32 v20, v24;
	v21 =	vadd.f32 v21, v24  }
0x3c: {  	v52 =	vld [tilespmem:s24+$0xFFFFFF40];
	v16 =	vadd.f32 v16, v18;
	v17 =	vadd.f32 v17, v19  }
0x3d: {  	v55 =	vld [tilespmem:s24+$0xFFFFFF50];
	v53 =	vadd.f32 v22, v20;
	v54 =	vadd.f32 v23, v21  }
0x3e: {  	v56 =	vld [tilespmem:s24+$0xFFFFFF60];
	v14 =	vadd.f32 v14, v16;
	v15 =	vadd.f32 v15, v17  }
0x3f: {  	v59 =	vld [tilespmem:s24+$0xFFFFFF70];
	v57 =	vadd.f32 v25, v53;
	v58 =	vadd.f32 v26, v54  }
0x40: {  	v11 =	vadd.f32 v11, v14;
	v13 =	vadd.f32 v13, v15;
	v14 =	vld [tilespmem:s24+$0xFFFFFF80]  }
0x41: {  	v61 =	vld [tilespmem:s24+$0xFFFFFF90];
	v15 =	vadd.f32 v51, v57;
	v60 =	vadd.f32 v52, v58  }
0x42: {  	v11 =	vadd.f32 v4, v11;
	v10 =	vadd.f32 v10, v13;
	v13 =	vld [tilespmem:s24+$0xFFFFFFA0]  }
0x43: {  	v15 =	vadd.f32 v55, v15;
	v16 =	vadd.f32 v56, v60;
	v4 =	vld [tilespmem:s24+$0xFFFFFFB0]  }
0x44: {  	v11 =	vadd.f32 v5, v11;
	v10 =	vadd.f32 v6, v10;
	v6 =	vld [tilespmem:s24+$0xFFFFFFC0]  }
0x45: {  	v15 =	vadd.f32 v59, v15;
	v5 =	vld [tilespmem:s24+$0xFFFFFFD0];
	v14 =	vadd.f32 v14, v16  }
0x46: {  	v62 =	vadd.f32 v7, v11;
	v63 =	vadd.f32 v8, v10;
	v8 =	vld [tilespmem:s24+$0xFFFFFFE0]  }
0x47: {  	v10 =	vadd.f32 v61, v15;
	v7 =	vld [tilespmem:s24+$0xFFFFFFF0];
	v11 =	vadd.f32 v13, v14  }
0x48: {  	s23 =	simm.s32 $0x0;
	v13 =	vadd.f32 v9, v62;
	v12 =	vadd.f32 v12, v63;
	v9 =	vld [tilespmem:s24+$0x0];
	s24 =	simm.s32 $0x8EF0  }
.LBB2_3:
0x49: {  	v14 =	vld [tilespmem:s24+$0xFFFFF370];
	v4 =	vadd.f32 v4, v10;
	v6 =	vadd.f32 v6, v11  }
0x4a: {  	v10 =	vld [tilespmem:s24+$0xFFFFF380];
	v11 =	vadd.f32 v2, v13;
	v12 =	vadd.f32 v3, v12  }
0x4b: {  	v2 =	vld [tilespmem:s24+$0xFFFFF350];
	v4 =	vadd.f32 v5, v4;
	v5 =	vadd.f32 v8, v6  }
0x4c: {  	v3 =	vld [tilespmem:s24+$0xFFFFF360];
	v6 =	vadd.f32 v0, v11;
	v8 =	vadd.f32 v1, v12  }
0x4d: {  	v12 =	vld [tilespmem:s24+$0xFFFFF330];
	v4 =	vadd.f32 v7, v4;
	v5 =	vadd.f32 v9, v5  }
0x4e: {  	v9 =	vld [tilespmem:s24+$0xFFFFF340];
	v0 =	vmov v14  }
0x4f: {  	v7 =	vld [tilespmem:s24+$0xFFFFF310];
	v1 =	vmov v10  }
0x50: {  	v10 =	vld [tilespmem:s24+$0xFFFFF320]  }
0x51: {  	v11 =	vld [tilespmem:s24+$0xFFFFF2F0]  }
0x52: {  	v13 =	vld [tilespmem:s24+$0xFFFFF300]  }
0x53: {  	v14 =	vld [tilespmem:s24+$0xFFFFF2D0]  }
0x54: {  	v15 =	vld [tilespmem:s24+$0xFFFFF2E0]  }
0x55: {  	v16 =	vld [tilespmem:s24+$0xFFFFF2B0]  }
0x56: {  	v17 =	vld [tilespmem:s24+$0xFFFFF2C0]  }
0x57: {  	v18 =	vld [tilespmem:s24+$0xFFFFF290]  }
0x58: {  	v19 =	vld [tilespmem:s24+$0xFFFFF2A0]  }
0x59: {  	v20 =	vld [tilespmem:s24+$0xFFFFF270]  }
0x5a: {  	v21 =	vld [tilespmem:s24+$0xFFFFF280]  }
0x5b: {  	v22 =	vld [tilespmem:s24+$0xFFFFF250]  }
0x5c: {  	v23 =	vld [tilespmem:s24+$0xFFFFF260]  }
0x5d: {  	v24 =	vld [tilespmem:s24+$0xFFFFFED0]  }
0x5e: {  	s23 =	sadd.s32 $0xA, s23;
	v25 =	vld [tilespmem:s24+$0xFFFFFEE0]  }
0x5f: {  	p0 =	slt.u32 s23, $0x5A;
	v26 =	vld [tilespmem:s24+$0xFFFFFEF0]  }
0x60: {  	v27 =	vld [tilespmem:s24+$0xFFFFFF00]  }
0x61: {  	v28 =	vld [tilespmem:s24+$0xFFFFFF10]  }
0x62: {  	v6 =	vadd.f32 v22, v6;
	v8 =	vadd.f32 v23, v8;
	v22 =	vld [tilespmem:s24+$0xFFFFFF20]  }
0x63: {  	v4 =	vadd.f32 v24, v4;
	v5 =	vadd.f32 v25, v5;
	v23 =	vld [tilespmem:s24+$0xFFFFFF30]  }
0x64: {  	v6 =	vadd.f32 v20, v6;
	v8 =	vadd.f32 v21, v8;
	v20 =	vld [tilespmem:s24+$0xFFFFFF40]  }
0x65: {  	v4 =	vadd.f32 v26, v4;
	v5 =	vadd.f32 v27, v5;
	v21 =	vld [tilespmem:s24+$0xFFFFFF50]  }
0x66: {  	v6 =	vadd.f32 v18, v6;
	v8 =	vadd.f32 v19, v8;
	v18 =	vld [tilespmem:s24+$0xFFFFFF60]  }
0x67: {  	v4 =	vadd.f32 v28, v4;
	v5 =	vadd.f32 v22, v5;
	v19 =	vld [tilespmem:s24+$0xFFFFFF70]  }
0x68: {  	v6 =	vadd.f32 v16, v6;
	v8 =	vadd.f32 v17, v8;
	v16 =	vld [tilespmem:s24+$0xFFFFFF80]  }
0x69: {  	v4 =	vadd.f32 v23, v4;
	v5 =	vadd.f32 v20, v5;
	v17 =	vld [tilespmem:s24+$0xFFFFFF90]  }
0x6a: {  	v6 =	vadd.f32 v14, v6;
	v8 =	vadd.f32 v15, v8;
	v14 =	vld [tilespmem:s24+$0xFFFFFFA0]  }
0x6b: {  	v15 =	vadd.f32 v21, v4;
	v5 =	vadd.f32 v18, v5;
	v4 =	vld [tilespmem:s24+$0xFFFFFFB0]  }
.Ltmp0:
0x6c: {  	v11 =	vadd.f32 v11, v6;
	v8 =	vadd.f32 v13, v8;
	v6 =	vld [tilespmem:s24+$0xFFFFFFC0];
	(pc) =	sbr.rel @p0 .LBB2_3-.Ltmp0, $4  }
0x6d: {  	v13 =	vadd.f32 v19, v15;
	v15 =	vadd.f32 v16, v5;
	v5 =	vld [tilespmem:s24+$0xFFFFFFD0]  }
0x6e: {  	v16 =	vadd.f32 v7, v11;
	v18 =	vadd.f32 v10, v8;
	v8 =	vld [tilespmem:s24+$0xFFFFFFE0]  }
0x6f: {  	v10 =	vadd.f32 v17, v13;
	v11 =	vadd.f32 v14, v15;
	v7 =	vld [tilespmem:s24+$0xFFFFFFF0]  }
0x70: {  	v13 =	vadd.f32 v12, v16;
	v12 =	vadd.f32 v9, v18;
	v9 =	vld [tilespmem:s24+$0x0];
	s24 =	sadd.s32 $0x140, s24  }
0x71: {  	v14 =	vld [tilespmem:s22+$0x0]  }
0x72: {  	s23 =	sor.u32 $0x10, s22;
	v40 =	vld [tilespmem:s22+$0x4038]  }
0x73: {  	s28 =	sor.u32 $0x20, s22;
	v15 =	vld [tilespmem:s23+$0x0]  }
0x74: {  	s29 =	sor.u32 $0x30, s22;
	v16 =	vld [tilespmem:s28+$0x0]  }
0x75: {  	v17 =	vld [tilespmem:s29+$0x0]  }
0x76: {  	v18 =	vld [tilespmem:s22+$0x40]  }
0x77: {  	v19 =	vld [tilespmem:s22+$0x50]  }
0x78: {  	vm1 =	vne.s32 v14, $0x0;
	v14 =	vld [tilespmem:s22+$0x60];
	vm2 =	vne.s32 v15, $0x0  }
0x79: {  	v32 =	vld [tilespmem:s22+$0x70];
	v15 =	vmpcnt.ones.xlane vm1;
	vm1 =	vne.s32 v16, $0x0;
	v20 =	vmpcnt.ones.xlane vm2  }
0x7a: {  	v33 =	vld [tilespmem:s22+$0x4000];
	v21 =	vmpcnt.ones.xlane vm1;
	vm1 =	vne.s32 v17, $0x0;
	vm2 =	vne.s32 v40, $0x0  }
0x7b: {  	v35 =	vld [tilespmem:s22+$0x4010];
	v34 =	vmpcnt.ones.xlane vm1;
	vm1 =	vne.s32 v18, $0x0;
	v15 =	vadd.s32 v15, v20  }
0x7c: {  	v37 =	vld [tilespmem:s22+$0x4020];
	v36 =	vmpcnt.ones.xlane vm1;
	vm1 =	vne.s32 v19, $0x0;
	v15 =	vadd.s32 v21, v15  }
0x7d: {  	v38 =	vmpcnt.ones.xlane vm1;
	vm1 =	vne.s32 v14, $0x0;
	v14 =	vld [tilespmem:s22+$0x4030];
	v15 =	vadd.s32 v34, v15  }
0x7e: {  	v39 =	vmpcnt.ones.xlane vm1;
	vm1 =	vne.s32 v32, $0x0;
	v15 =	vadd.s32 v36, v15  }
0x7f: {  	v41 =	vmpcnt.ones.xlane vm1;
	vm1 =	vne.s32 v33, $0x0;
	v15 =	vadd.s32 v38, v15  }
0x80: {  	v17 =	vmpcnt.ones.xlane vm1;
	vm1 =	vne.s32 v35, $0x0;
	v15 =	vadd.s32 v39, v15  }
0x81: {  	v42 =	vmpcnt.ones.xlane vm1;
	vm1 =	vne.s32 v37, $0x0;
	v15 =	vadd.s32 v41, v15  }
0x82: {  	v43 =	vmpcnt.ones.xlane vm1;
	vm1 =	vne.s32 v14, $0x0;
	v15 =	vadd.s32 v17, v15  }
0x83: {  	v14 =	vmpcnt.ones.xlane vm1;
	vm1 =	vmand vm2, vm0;
	v15 =	vadd.s32 v42, v15  }
0x84: {  	v44 =	vmpcnt.ones.xlane vm1;
	v15 =	vadd.s32 v43, v15  }
0x85: {  	v14 =	vadd.s32 v14, v15  }
0x86: {  	v14 =	vadd.s32 v44, v14  }
0x87: {  	v14 =	vcvt.s32.f32 v14;
	_ =	sdelay $0x1  }
0x88: {  	v14 =	vmax.f32 v14, $1.000000000e+00  }
0x89: {  	(erf) = vrcp.f32 v14  }
0x8a: {  	v4 =	vadd.f32 v4, v10  }
0x8b: {  	v6 =	vadd.f32 v6, v11  }
0x8c: {  	v2 =	vadd.f32 v2, v13;
	v4 =	vadd.f32 v5, v4  }
0x8d: {  	v3 =	vadd.f32 v3, v12;
	v5 =	vadd.f32 v8, v6  }
0x8e: {  	v0 =	vadd.f32 v0, v2;
	v2 =	vadd.f32 v7, v4;
	_ =	sdelay $0x1  }
0x8f: {  	v1 =	vadd.f32 v1, v3;
	v3 =	vadd.f32 v9, v5  }
0x90: {  	v0 =	vadd.f32 v2, v0  }
0x91: {  	v1 =	vadd.f32 v3, v1;
	v2 =	vpop (erf)  }
0x92: {  	v0 =	vmul.f32 v2, v0  }
0x93: {  	s30 =	sshra.s32 s22, $0x2;
	v1 =	vmul.f32 v2, v1  }
0x94: {  	p0 =	seq.s32 s20, $0x3F;
	[tilespmem:s30+$0xB200] =	vst v0  }
0x95: {  	s23 =	sadd.s32 @!p0 $0x100, s22;
	s24 =	simm.s32 @!p0 $0x80;
	s25 =	simm.s32 @!p0 $0x8000;
	[tilespmem:s30+$0xB210] =	vst v1  }
0x96: {  	[tilespmem:s25], [sflag:$0x1] =	stream.indirect.gather @!p0 [hbm4b:s3+s24], $0x20, s23, s24, $0xb8;
	[tilespmem:$0xC200] =	vst v63  }
0x97: {  	s23 =	sadd.s32 @!p0 $0x4100, s22;
	s24 =	simm.s32 @!p0 $0x48;
	s25 =	simm.s32 @!p0 $0x9000  }
0x98: {  	[tilespmem:s25], [sflag:$0x1] =	stream.indirect.gather @!p0 [hbm4b:s3+s24], $0x20, s23, s24, $0xb8;
	[tilespmem:$0xC200] =	vst v63  }
0x99: {  	_ =	swait.ge [sflag:s17], $0x1900  }
0x9a: {  	[sflag:s17] =	ssyncset.done $0x0  }
0x9b: {  	s31 =	simm.s32 $0xA6B0;
	[sflag:s17] =	ssyncadd.s32 $0xFFFFE700  }
0x9c: {  	v0 =	vld [tilespmem:s31+$0xFFFFF370]  }
0x9d: {  	v1 =	vld [tilespmem:s31+$0xFFFFF380]  }
0x9e: {  	v2 =	vld [tilespmem:s31+$0xFFFFF350]  }
0x9f: {  	v3 =	vld [tilespmem:s31+$0xFFFFF360]  }
0xa0: {  	v9 =	vld [tilespmem:s31+$0xFFFFF330]  }
0xa1: {  	v12 =	vld [tilespmem:s31+$0xFFFFF340]  }
0xa2: {  	v7 =	vld [tilespmem:s31+$0xFFFFF310]  }
0xa3: {  	v8 =	vld [tilespmem:s31+$0xFFFFF320]  }
0xa4: {  	v5 =	vld [tilespmem:s31+$0xFFFFF2F0]  }
0xa5: {  	v6 =	vld [tilespmem:s31+$0xFFFFF300]  }
0xa6: {  	v4 =	vld [tilespmem:s31+$0xFFFFF2D0]  }
0xa7: {  	v10 =	vld [tilespmem:s31+$0xFFFFF2E0]  }
0xa8: {  	v11 =	vld [tilespmem:s31+$0xFFFFF2B0]  }
0xa9: {  	v13 =	vld [tilespmem:s31+$0xFFFFF2C0]  }
0xaa: {  	v14 =	vld [tilespmem:s31+$0xFFFFF290]  }
0xab: {  	v15 =	vld [tilespmem:s31+$0xFFFFF2A0]  }
0xac: {  	v45 =	vld [tilespmem:s31+$0xFFFFF270]  }
0xad: {  	v46 =	vld [tilespmem:s31+$0xFFFFF280]  }
0xae: {  	v47 =	vld [tilespmem:s31+$0xFFFFF250]  }
0xaf: {  	v48 =	vld [tilespmem:s31+$0xFFFFF260]  }
0xb0: {  	v49 =	vld [tilespmem:s31+$0xFFFFFED0]  }
0xb1: {  	v50 =	vld [tilespmem:s31+$0xFFFFFEE0]  }
0xb2: {  	v22 =	vld [tilespmem:s31+$0xFFFFFEF0]  }
0xb3: {  	v23 =	vld [tilespmem:s31+$0xFFFFFF00]  }
0xb4: {  	v24 =	vimm.f32 $0.0e+00;
	v25 =	vld [tilespmem:s31+$0xFFFFFF10]  }
0xb5: {  	v26 =	vld [tilespmem:s31+$0xFFFFFF20];
	v18 =	vadd.f32 v47, v24;
	v19 =	vadd.f32 v48, v24  }
0xb6: {  	v51 =	vld [tilespmem:s31+$0xFFFFFF30];
	v20 =	vadd.f32 v49, v24;
	v21 =	vadd.f32 v50, v24  }
0xb7: {  	v52 =	vld [tilespmem:s31+$0xFFFFFF40];
	v16 =	vadd.f32 v45, v18;
	v17 =	vadd.f32 v46, v19  }
0xb8: {  	v55 =	vld [tilespmem:s31+$0xFFFFFF50];
	v53 =	vadd.f32 v22, v20;
	v54 =	vadd.f32 v23, v21  }
0xb9: {  	v56 =	vld [tilespmem:s31+$0xFFFFFF60];
	v14 =	vadd.f32 v14, v16;
	v15 =	vadd.f32 v15, v17  }
0xba: {  	v59 =	vld [tilespmem:s31+$0xFFFFFF70];
	v57 =	vadd.f32 v25, v53;
	v58 =	vadd.f32 v26, v54  }
0xbb: {  	v11 =	vadd.f32 v11, v14;
	v13 =	vadd.f32 v13, v15;
	v14 =	vld [tilespmem:s31+$0xFFFFFF80]  }
0xbc: {  	v61 =	vld [tilespmem:s31+$0xFFFFFF90];
	v15 =	vadd.f32 v51, v57;
	v60 =	vadd.f32 v52, v58  }
0xbd: {  	v11 =	vadd.f32 v4, v11;
	v10 =	vadd.f32 v10, v13;
	v13 =	vld [tilespmem:s31+$0xFFFFFFA0]  }
0xbe: {  	v15 =	vadd.f32 v55, v15;
	v16 =	vadd.f32 v56, v60;
	v4 =	vld [tilespmem:s31+$0xFFFFFFB0]  }
0xbf: {  	v11 =	vadd.f32 v5, v11;
	v10 =	vadd.f32 v6, v10;
	v6 =	vld [tilespmem:s31+$0xFFFFFFC0]  }
0xc0: {  	v15 =	vadd.f32 v59, v15;
	v5 =	vld [tilespmem:s31+$0xFFFFFFD0];
	v14 =	vadd.f32 v14, v16  }
0xc1: {  	v62 =	vadd.f32 v7, v11;
	v63 =	vadd.f32 v8, v10;
	v8 =	vld [tilespmem:s31+$0xFFFFFFE0]  }
0xc2: {  	v10 =	vadd.f32 v61, v15;
	v7 =	vld [tilespmem:s31+$0xFFFFFFF0];
	v11 =	vadd.f32 v13, v14  }
0xc3: {  	s23 =	simm.s32 $0x0;
	s24 =	simm.s32 $0xA7F0;
	v13 =	vadd.f32 v9, v62;
	v12 =	vadd.f32 v12, v63;
	v9 =	vld [tilespmem:s31+$0x0]  }
.LBB2_5:
0xc4: {  	v14 =	vld [tilespmem:s24+$0xFFFFF370];
	v4 =	vadd.f32 v4, v10;
	v6 =	vadd.f32 v6, v11  }
0xc5: {  	v10 =	vld [tilespmem:s24+$0xFFFFF380];
	v11 =	vadd.f32 v2, v13;
	v12 =	vadd.f32 v3, v12  }
0xc6: {  	v2 =	vld [tilespmem:s24+$0xFFFFF350];
	v4 =	vadd.f32 v5, v4;
	v5 =	vadd.f32 v8, v6  }
0xc7: {  	v3 =	vld [tilespmem:s24+$0xFFFFF360];
	v6 =	vadd.f32 v0, v11;
	v8 =	vadd.f32 v1, v12  }
0xc8: {  	v12 =	vld [tilespmem:s24+$0xFFFFF330];
	v4 =	vadd.f32 v7, v4;
	v5 =	vadd.f32 v9, v5  }
0xc9: {  	v9 =	vld [tilespmem:s24+$0xFFFFF340];
	v0 =	vmov v14  }
0xca: {  	v7 =	vld [tilespmem:s24+$0xFFFFF310];
	v1 =	vmov v10  }
0xcb: {  	v10 =	vld [tilespmem:s24+$0xFFFFF320]  }
0xcc: {  	v11 =	vld [tilespmem:s24+$0xFFFFF2F0]  }
0xcd: {  	v13 =	vld [tilespmem:s24+$0xFFFFF300]  }
0xce: {  	v14 =	vld [tilespmem:s24+$0xFFFFF2D0]  }
0xcf: {  	v15 =	vld [tilespmem:s24+$0xFFFFF2E0]  }
0xd0: {  	v16 =	vld [tilespmem:s24+$0xFFFFF2B0]  }
0xd1: {  	v17 =	vld [tilespmem:s24+$0xFFFFF2C0]  }
0xd2: {  	v18 =	vld [tilespmem:s24+$0xFFFFF290]  }
0xd3: {  	v19 =	vld [tilespmem:s24+$0xFFFFF2A0]  }
0xd4: {  	v20 =	vld [tilespmem:s24+$0xFFFFF270]  }
0xd5: {  	v21 =	vld [tilespmem:s24+$0xFFFFF280]  }
0xd6: {  	v22 =	vld [tilespmem:s24+$0xFFFFF250]  }
0xd7: {  	v23 =	vld [tilespmem:s24+$0xFFFFF260]  }
0xd8: {  	v24 =	vld [tilespmem:s24+$0xFFFFFED0]  }
0xd9: {  	s23 =	sadd.s32 $0xA, s23;
	v25 =	vld [tilespmem:s24+$0xFFFFFEE0]  }
0xda: {  	p0 =	slt.u32 s23, $0x5A;
	v26 =	vld [tilespmem:s24+$0xFFFFFEF0]  }
0xdb: {  	v27 =	vld [tilespmem:s24+$0xFFFFFF00]  }
0xdc: {  	v28 =	vld [tilespmem:s24+$0xFFFFFF10]  }
0xdd: {  	v6 =	vadd.f32 v22, v6;
	v8 =	vadd.f32 v23, v8;
	v22 =	vld [tilespmem:s24+$0xFFFFFF20]  }
0xde: {  	v4 =	vadd.f32 v24, v4;
	v5 =	vadd.f32 v25, v5;
	v23 =	vld [tilespmem:s24+$0xFFFFFF30]  }
0xdf: {  	v6 =	vadd.f32 v20, v6;
	v8 =	vadd.f32 v21, v8;
	v20 =	vld [tilespmem:s24+$0xFFFFFF40]  }
0xe0: {  	v4 =	vadd.f32 v26, v4;
	v5 =	vadd.f32 v27, v5;
	v21 =	vld [tilespmem:s24+$0xFFFFFF50]  }
0xe1: {  	v6 =	vadd.f32 v18, v6;
	v8 =	vadd.f32 v19, v8;
	v18 =	vld [tilespmem:s24+$0xFFFFFF60]  }
0xe2: {  	v4 =	vadd.f32 v28, v4;
	v5 =	vadd.f32 v22, v5;
	v19 =	vld [tilespmem:s24+$0xFFFFFF70]  }
0xe3: {  	v6 =	vadd.f32 v16, v6;
	v8 =	vadd.f32 v17, v8;
	v16 =	vld [tilespmem:s24+$0xFFFFFF80]  }
0xe4: {  	v4 =	vadd.f32 v23, v4;
	v5 =	vadd.f32 v20, v5;
	v17 =	vld [tilespmem:s24+$0xFFFFFF90]  }
0xe5: {  	v6 =	vadd.f32 v14, v6;
	v8 =	vadd.f32 v15, v8;
	v14 =	vld [tilespmem:s24+$0xFFFFFFA0]  }
0xe6: {  	v15 =	vadd.f32 v21, v4;
	v5 =	vadd.f32 v18, v5;
	v4 =	vld [tilespmem:s24+$0xFFFFFFB0]  }
.Ltmp1:
0xe7: {  	v11 =	vadd.f32 v11, v6;
	v8 =	vadd.f32 v13, v8;
	v6 =	vld [tilespmem:s24+$0xFFFFFFC0];
	(pc) =	sbr.rel @p0 .LBB2_5-.Ltmp1, $4  }
0xe8: {  	v13 =	vadd.f32 v19, v15;
	v15 =	vadd.f32 v16, v5;
	v5 =	vld [tilespmem:s24+$0xFFFFFFD0]  }
0xe9: {  	v16 =	vadd.f32 v7, v11;
	v18 =	vadd.f32 v10, v8;
	v8 =	vld [tilespmem:s24+$0xFFFFFFE0]  }
0xea: {  	v10 =	vadd.f32 v17, v13;
	v11 =	vadd.f32 v14, v15;
	v7 =	vld [tilespmem:s24+$0xFFFFFFF0]  }
0xeb: {  	v13 =	vadd.f32 v12, v16;
	v12 =	vadd.f32 v9, v18;
	v9 =	vld [tilespmem:s24+$0x0];
	s24 =	sadd.s32 $0x140, s24  }
0xec: {  	v14 =	vld [tilespmem:s21+$0x0]  }
0xed: {  	s23 =	sor.u32 $0x90, s22;
	v45 =	vld [tilespmem:s21+$0x4000]  }
0xee: {  	s29 =	sor.u32 $0xA0, s22;
	v15 =	vld [tilespmem:s23+$0x0]  }
0xef: {  	s30 =	sor.u32 $0xB0, s22;
	v16 =	vld [tilespmem:s29+$0x0]  }
0xf0: {  	v17 =	vld [tilespmem:s30+$0x0]  }
0xf1: {  	v18 =	vld [tilespmem:s21+$0x40]  }
0xf2: {  	v19 =	vld [tilespmem:s21+$0x50]  }
0xf3: {  	v42 =	vld [tilespmem:s21+$0x60];
	vm1 =	vne.s32 v14, $0x0;
	vm2 =	vne.s32 v15, $0x0  }
0xf4: {  	v44 =	vld [tilespmem:s21+$0x70];
	v43 =	vmpcnt.ones.xlane vm1;
	vm1 =	vne.s32 v16, $0x0;
	v20 =	vmpcnt.ones.xlane vm2  }
0xf5: {  	v47 =	vld [tilespmem:s22+$0x4090];
	v21 =	vmpcnt.ones.xlane vm1;
	vm1 =	vne.s32 v17, $0x0;
	vm2 =	vne.s32 v45, $0x0  }
0xf6: {  	v49 =	vld [tilespmem:s22+$0x40A0];
	v46 =	vmpcnt.ones.xlane vm1;
	vm1 =	vne.s32 v18, $0x0;
	v15 =	vadd.s32 v43, v20  }
0xf7: {  	v51 =	vld [tilespmem:s22+$0x40B0];
	v48 =	vmpcnt.ones.xlane vm1;
	vm1 =	vne.s32 v19, $0x0;
	v15 =	vadd.s32 v21, v15  }
0xf8: {  	v53 =	vld [tilespmem:s21+$0x4038];
	v50 =	vmpcnt.ones.xlane vm1;
	vm1 =	vne.s32 v42, $0x0;
	v15 =	vadd.s32 v46, v15  }
0xf9: {  	v52 =	vmpcnt.ones.xlane vm1;
	vm1 =	vne.s32 v44, $0x0;
	v15 =	vadd.s32 v48, v15  }
0xfa: {  	v55 =	vmpcnt.ones.xlane vm2;
	v54 =	vmpcnt.ones.xlane vm1;
	v15 =	vadd.s32 v50, v15  }
0xfb: {  	vm2 =	vne.s32 v49, $0x0;
	vm1 =	vne.s32 v47, $0x0;
	v15 =	vadd.s32 v52, v15  }
0xfc: {  	v57 =	vmpcnt.ones.xlane vm2;
	v56 =	vmpcnt.ones.xlane vm1;
	v15 =	vadd.s32 v54, v15  }
0xfd: {  	vm2 =	vne.s32 v53, $0x0;
	vm1 =	vne.s32 v51, $0x0;
	v15 =	vadd.s32 v55, v15  }
0xfe: {  	v58 =	vmpcnt.ones.xlane vm1;
	vm1 =	vmand vm2, vm0;
	v15 =	vadd.s32 v56, v15  }
0xff: {  	v59 =	vmpcnt.ones.xlane vm1;
	v14 =	vadd.s32 v57, v15  }
0x100: {  	v14 =	vadd.s32 v58, v14  }
0x101: {  	v14 =	vadd.s32 v59, v14  }
0x102: {  	v14 =	vcvt.s32.f32 v14;
	_ =	sdelay $0x1  }
0x103: {  	v14 =	vmax.f32 v14, $1.000000000e+00  }
0x104: {  	(erf) = vrcp.f32 v14;
	_ =	sdelay $0x1  }
0x105: {  	v4 =	vadd.f32 v4, v10  }
0x106: {  	v6 =	vadd.f32 v6, v11  }
0x107: {  	v2 =	vadd.f32 v2, v13;
	v4 =	vadd.f32 v5, v4  }
0x108: {  	v3 =	vadd.f32 v3, v12;
	v60 =	vadd.f32 v8, v6  }
0x109: {  	v0 =	vadd.f32 v0, v2;
	v61 =	vadd.f32 v7, v4  }
0x10a: {  	s20 =	sadd.s32 $0x1, s20;
	v1 =	vadd.f32 v1, v3;
	v62 =	vadd.f32 v9, v60  }
0x10b: {  	p0 =	sne.s32 s20, $0x40;
	v0 =	vadd.f32 v61, v0  }
.Ltmp2:
0x10c: {  	v1 =	vadd.f32 v62, v1;
	v63 =	vpop (erf);
	(pc) =	sbr.rel @p0 .LBB2_2-.Ltmp2, $4  }
0x10d: {  	v0 =	vmul.f32 v63, v0  }
0x10e: {  	s31 =	sshra.s32 s21, $0x2;
	v1 =	vmul.f32 v63, v1  }
0x10f: {  	[tilespmem:s31+$0xB200] =	vst v0  }
0x110: {  	[tilespmem:s31+$0xB210] =	vst v1  }
0x111: {  	s19 =	sadd.s32 $0x1, s19  }
0x112: {  	p0 =	sne.s32 s19, s7  }
.Ltmp3:
0x113: {  	_ = 	snop;
	(pc) =	sbr.rel @p0 .LBB2_1-.Ltmp3, $4  }
0x114: {  	[hbm4b:s6+s2] =	stream.linear.scatter [tilespmem:s18], [sflag:$0x3], $0x1000, $0x38;
	[tilespmem:$0xC200] =	vst v63  }
0x115: {  	_ =	swait.ge [sflag:s8], $0x1000  }
0x116: {  	[sflag:s8] =	ssyncset.done $0x0  }
0x117: {  	[sflag:s8] =	ssyncadd.s32 $0xFFFFF000  }
0x118: {  	_ =	sfence.sel $0x180000  }
0x119: {  	[bflag:$0x0] =	sbarrier.arrive $0xFFFF  }
0x11a: {  	p0 =	sne.s32 s0, $0x0;
	_ =	strace $0x90000047  }
0x11b: {  	s0 =	sadd.s32 @!p0 $0x100000, s1;
	[bflag:$0x2] =	sbarrier.arrive $0xFFFF  }
0x11c: {  	[sflag:s0] =	ssyncadd.tile.s32 @!p0 $0x1;
	_ =	shalt  }
.Lfunc_end2:
_tile_overlayer_lowered:
.L_overlay_start_2:
0x11d: {  	(tag) =	ssettag $0x2  }
0x11e: {  	s0 =	rddreg [dreg:$0x0];
	s2 =	stileid.u32  }
0x11f: {  	s1 =	rddreg [dreg:$0x1];
	p0 =	sne.s32 s2, $0x0  }
0x120: {  	s3 =	rddreg [dreg:$0x2];
	[bflag:$0x3] =	sbarrier.arrive $0xFFFF;
	s2 =	simm.s32 @!p0 $0x1C03  }
0x121: {  	[timem:s3], [sflag:s2] =	dma.local @!p0 [hbm:s0], s1  }
0x122: {  	s0 =	simm.s32 @!p0 $0x3  }
0x123: {  	_ =	swait.ge @!p0 [sflag:s0], s1  }
0x124: {  	s1 =	ssub.s32 @!p0 $0x0, s1;
	[sflag:s0] =	ssyncset.done @!p0 $0x0  }
0x125: {  	[sflag:s0] =	ssyncadd.s32 @!p0 s1  }
0x126: {  	[bflag:$0x3] =	sbarrier.arrive $0xFFFF  }
0x127: {  	_ =	shalt  }

</sc_bundles>
